<compile_context>
chip_gen: v7x
topology: tpu7x:2x2x1
jax: 0.10.2.dev20260603
libtpu: 0.0.44.dev20260713+nightly
codegen_flags: <defaults>
</compile_context>

<pallas_src>
import functools

import jax
import jax.numpy as jnp
from jax import lax
from jax.experimental import pallas as pl
from jax.experimental.pallas import tpu as pltpu
from jax.experimental.pallas import tpu_sc as plsc

N = 50000
E = 800000
HID = 32
HEADS = 2
OUT = 10

NP = 51200
NSL = NP // 16
EP = 819200
TEDGE = EP // 32
CHUNK = 6400
NSUB = TEDGE // CHUNK
NPAD = EP - E


def _lk(x):
    return jnp.where(x > 0, x, x * jnp.float32(0.2))


def _perm(v, idx):
    dn = lax.GatherDimensionNumbers(offset_dims=(), collapsed_slice_dims=(0,),
                                    start_index_map=(0,))
    return lax.gather(v, idx[:, None], dn, (1,),
                      mode=lax.GatherScatterMode.PROMISE_IN_BOUNDS)


def _splat(vec, j):
    return _perm(vec, jnp.full((16,), j, jnp.int32))


def _lane_max_splat(v):
    iota = lax.iota(jnp.int32, 16)
    for k in (8, 4, 2, 1):
        v = jnp.maximum(v, _perm(v, lax.bitwise_xor(iota, k)))
    return v


def _zero1d(ref, n):
    def body(i, _):
        ref[pl.ds(i * 16, 16)] = jnp.zeros((16,), jnp.float32)
        return 0
    lax.fori_loop(0, n // 16, body, 0)


def _sc_mesh():
    return plsc.VectorSubcoreMesh(core_axis_name="c", subcore_axis_name="s")


def _pass0(srcp, dstp, valid):
    @functools.partial(
        pl.kernel, mesh=_sc_mesh(),
        out_type=jax.ShapeDtypeStruct((2, 1, NP), jnp.float32),
        scratch_types=[
            pltpu.VMEM((NSL,), jnp.float32),
            pltpu.VMEM((CHUNK,), jnp.int32),
            pltpu.VMEM((CHUNK,), jnp.float32),
            pltpu.VMEM_SHARED((NP,), jnp.float32),
        ],
    )
    def k(src_h, dst_h, val_h, out_h, zt, dst_v, val_v, deg_sp):
        c = lax.axis_index("c")
        s = lax.axis_index("s")
        wid = c * 16 + s
        row0 = s * NSL
        ebase = wid * TEDGE

        _zero1d(zt, NSL)
        pltpu.sync_copy(zt, deg_sp.at[pl.ds(row0, NSL)])
        plsc.subcore_barrier()

        def ebody(kk, _):
            b = ebase + kk * CHUNK
            pltpu.sync_copy(dst_h.at[pl.ds(b, CHUNK)], dst_v)
            pltpu.sync_copy(val_h.at[pl.ds(b, CHUNK)], val_v)
            pltpu.sync_copy(val_v, deg_sp.at[dst_v], add=True)
            return 0
        lax.fori_loop(0, NSUB, ebody, 0)
        plsc.subcore_barrier()

        pltpu.sync_copy(deg_sp.at[pl.ds(row0, NSL)], zt)
        pltpu.sync_copy(zt, out_h.at[c, 0, pl.ds(row0, NSL)])

    return k(srcp, dstp, valid)


def _pass1(srcp, dstp, valid, deg_p, params1):
    @functools.partial(
        pl.kernel, mesh=_sc_mesh(),
        out_type=[jax.ShapeDtypeStruct((2, 4, 1, NP), jnp.float32),
                  jax.ShapeDtypeStruct((2, 1, 16), jnp.float32)],
        scratch_types=[
            pltpu.VMEM((NSL,), jnp.float32),
            pltpu.VMEM((NSL,), jnp.float32),
            pltpu.VMEM((16,), jnp.float32),
            pltpu.VMEM((16,), jnp.float32),
            pltpu.VMEM((256,), jnp.float32),
            pltpu.VMEM((CHUNK,), jnp.int32),
            pltpu.VMEM((CHUNK,), jnp.int32),
            pltpu.VMEM((CHUNK,), jnp.float32),
            pltpu.VMEM((CHUNK,), jnp.float32),
            pltpu.VMEM((CHUNK,), jnp.float32),
            pltpu.VMEM((CHUNK,), jnp.float32),
            pltpu.VMEM((CHUNK,), jnp.float32),
            pltpu.VMEM((CHUNK,), jnp.float32),
            pltpu.VMEM((CHUNK,), jnp.float32),
            pltpu.VMEM_SHARED((NP,), jnp.float32),
            pltpu.VMEM_SHARED((NP,), jnp.float32),
            pltpu.VMEM_SHARED((NP,), jnp.float32),
            pltpu.VMEM_SHARED((NP,), jnp.float32),
            pltpu.VMEM_SHARED((NP,), jnp.float32),
            pltpu.VMEM_SHARED((256,), jnp.float32),
        ],
    )
    def k(src_h, dst_h, val_h, deg_h, par_h, acc_out, dmax_out,
          ta, tb, pv, tmpf, sbuf, src_v, dst_v, val_v, degs_v, degd_v,
          val0, val1, val2, val3, deg_sp, d0_sp, d1_sp, n0_sp, n1_sp,
          stats_sp):
        c = lax.axis_index("c")
        s = lax.axis_index("s")
        wid = c * 16 + s
        row0 = s * NSL
        ebase = wid * TEDGE

        _zero1d(ta, NSL)
        pltpu.sync_copy(ta, d0_sp.at[pl.ds(row0, NSL)])
        pltpu.sync_copy(ta, d1_sp.at[pl.ds(row0, NSL)])
        pltpu.sync_copy(ta, n0_sp.at[pl.ds(row0, NSL)])
        pltpu.sync_copy(ta, n1_sp.at[pl.ds(row0, NSL)])

        pltpu.sync_copy(deg_h.at[0, 0, pl.ds(row0, NSL)], ta)
        pltpu.sync_copy(deg_h.at[1, 0, pl.ds(row0, NSL)], tb)

        def stg(i, m):
            v = ta[pl.ds(i * 16, 16)] + tb[pl.ds(i * 16, 16)]
            ta[pl.ds(i * 16, 16)] = v
            return jnp.maximum(m, v)
        mvec = lax.fori_loop(0, NSL // 16, stg, jnp.zeros((16,), jnp.float32))
        pltpu.sync_copy(ta, deg_sp.at[pl.ds(row0, NSL)])
        tmpf[...] = mvec
        pltpu.sync_copy(tmpf, stats_sp.at[pl.ds(s * 16, 16)])
        pltpu.sync_copy(par_h, pv)
        plsc.subcore_barrier()

        pltpu.sync_copy(stats_sp, sbuf)
        m = sbuf[pl.ds(0, 16)]
        for i in range(1, 16):
            m = jnp.maximum(m, sbuf[pl.ds(i * 16, 16)])
        dmax = _lane_max_splat(m)

        pvv = pv[...]
        cl0 = _splat(pvv, 0); cl1 = _splat(pvv, 1)
        cr0 = _splat(pvv, 2); cr1 = _splat(pvv, 3)
        em0 = jnp.maximum(cl0, 0.0) * dmax
        em1 = jnp.maximum(cl1, 0.0) * dmax

        def ebody(kk, _):
            b = ebase + kk * CHUNK
            pltpu.sync_copy(src_h.at[pl.ds(b, CHUNK)], src_v)
            pltpu.sync_copy(dst_h.at[pl.ds(b, CHUNK)], dst_v)
            pltpu.sync_copy(val_h.at[pl.ds(b, CHUNK)], val_v)
            pltpu.sync_copy(deg_sp.at[src_v], degs_v)
            pltpu.sync_copy(deg_sp.at[dst_v], degd_v)

            def cbody(i, _):
                sl = pl.ds(i * 16, 16)
                ds_ = degs_v[sl]; dd = degd_v[sl]; vv = val_v[sl]
                er = dd * cr0
                ee0 = jnp.exp(_lk(ds_ * cl0 + er) - _lk(er + em0)) * vv
                er1 = dd * cr1
                ee1 = jnp.exp(_lk(ds_ * cl1 + er1) - _lk(er1 + em1)) * vv
                val0[sl] = ee0
                val1[sl] = ee1
                val2[sl] = ee0 * ds_
                val3[sl] = ee1 * ds_
                return 0
            lax.fori_loop(0, CHUNK // 16, cbody, 0)
            pltpu.sync_copy(val0, d0_sp.at[dst_v], add=True)
            pltpu.sync_copy(val1, d1_sp.at[dst_v], add=True)
            pltpu.sync_copy(val2, n0_sp.at[dst_v], add=True)
            pltpu.sync_copy(val3, n1_sp.at[dst_v], add=True)
            return 0
        lax.fori_loop(0, NSUB, ebody, 0)
        plsc.subcore_barrier()

        for comp, ref in enumerate([d0_sp, d1_sp, n0_sp, n1_sp]):
            pltpu.sync_copy(ref.at[pl.ds(row0, NSL)], ta)
            pltpu.sync_copy(ta, acc_out.at[c, comp, 0, pl.ds(row0, NSL)])

        @pl.when(s == 0)
        def _():
            tmpf[...] = dmax
            pltpu.sync_copy(tmpf, dmax_out.at[c, 0, :])

    return k(srcp, dstp, valid, deg_p, params1)


def _pass2(srcp, dstp, valid, acc1, dvec, params2):
    @functools.partial(
        pl.kernel, mesh=_sc_mesh(),
        out_type=jax.ShapeDtypeStruct((2, 6, 1, NP), jnp.float32),
        scratch_types=[
            pltpu.VMEM((NSL,), jnp.float32),
            pltpu.VMEM((NSL,), jnp.float32),
            pltpu.VMEM((NSL,), jnp.float32),
            pltpu.VMEM((16,), jnp.float32),
            pltpu.VMEM((16,), jnp.float32),
            pltpu.VMEM((16,), jnp.float32),
            pltpu.VMEM((CHUNK,), jnp.int32),
            pltpu.VMEM((CHUNK,), jnp.int32),
            pltpu.VMEM((CHUNK,), jnp.float32),
            pltpu.VMEM((CHUNK,), jnp.float32),
            pltpu.VMEM((CHUNK,), jnp.float32),
            pltpu.VMEM((CHUNK,), jnp.float32),
            pltpu.VMEM((CHUNK,), jnp.float32),
            pltpu.VMEM((CHUNK,), jnp.float32),
            pltpu.VMEM((CHUNK,), jnp.float32),
            pltpu.VMEM((CHUNK,), jnp.float32),
            pltpu.VMEM((CHUNK,), jnp.float32),
            pltpu.VMEM((CHUNK,), jnp.float32),
            pltpu.VMEM((CHUNK,), jnp.float32),
            pltpu.VMEM_SHARED((NP,), jnp.float32),
            pltpu.VMEM_SHARED((NP,), jnp.float32),
            pltpu.VMEM_SHARED((NP,), jnp.float32),
            pltpu.VMEM_SHARED((NP,), jnp.float32),
            pltpu.VMEM_SHARED((NP,), jnp.float32),
            pltpu.VMEM_SHARED((NP,), jnp.float32),
            pltpu.VMEM_SHARED((NP,), jnp.float32),
            pltpu.VMEM_SHARED((NP,), jnp.float32),
        ],
    )
    def k(src_h, dst_h, val_h, acc1_h, dv_h, par_h, acc_out,
          ta, tb, den, dva, dvb, pv2, src_v, dst_v, val_v,
          s0s_v, s1s_v, s0d_v, s1d_v, val0, val1, val2, val3, val4, val5,
          s0_sp, s1_sp, q0_sp, q1_sp, t00_sp, t01_sp, t10_sp, t11_sp):
        c = lax.axis_index("c")
        s = lax.axis_index("s")
        wid = c * 16 + s
        row0 = s * NSL
        ebase = wid * TEDGE
        f32 = jnp.float32

        _zero1d(ta, NSL)
        for ref in [q0_sp, q1_sp, t00_sp, t01_sp, t10_sp, t11_sp]:
            pltpu.sync_copy(ta, ref.at[pl.ds(row0, NSL)])

        for h, s_sp in ((0, s0_sp), (1, s1_sp)):
            pltpu.sync_copy(acc1_h.at[0, h, 0, pl.ds(row0, NSL)], ta)
            pltpu.sync_copy(acc1_h.at[1, h, 0, pl.ds(row0, NSL)], tb)

            def dbody(i, _):
                sl = pl.ds(i * 16, 16)
                den[sl] = ta[sl] + tb[sl] + f32(1e-9)
                return 0
            lax.fori_loop(0, NSL // 16, dbody, 0)

            pltpu.sync_copy(acc1_h.at[0, 2 + h, 0, pl.ds(row0, NSL)], ta)
            pltpu.sync_copy(acc1_h.at[1, 2 + h, 0, pl.ds(row0, NSL)], tb)

            def nbody(i, _):
                sl = pl.ds(i * 16, 16)
                ta[sl] = (ta[sl] + tb[sl]) / den[sl]
                return 0
            lax.fori_loop(0, NSL // 16, nbody, 0)
            pltpu.sync_copy(ta, s_sp.at[pl.ds(row0, NSL)])

        pltpu.sync_copy(par_h, pv2)
        pltpu.sync_copy(dv_h.at[0, 0, :], dva)
        pltpu.sync_copy(dv_h.at[1, 0, :], dvb)
        plsc.subcore_barrier()

        dmax = jnp.maximum(dva[...], dvb[...])
        pvv = pv2[...]
        a00 = _splat(pvv, 0); a01 = _splat(pvv, 1)
        a10 = _splat(pvv, 2); a11 = _splat(pvv, 3)
        b00 = _splat(pvv, 4); b01 = _splat(pvv, 5)
        b10 = _splat(pvv, 6); b11 = _splat(pvv, 7)
        em0 = dmax * (jnp.maximum(a00, 0.0) + jnp.maximum(a10, 0.0))
        em1 = dmax * (jnp.maximum(a01, 0.0) + jnp.maximum(a11, 0.0))

        def ebody(kk, _):
            b = ebase + kk * CHUNK
            pltpu.sync_copy(src_h.at[pl.ds(b, CHUNK)], src_v)
            pltpu.sync_copy(dst_h.at[pl.ds(b, CHUNK)], dst_v)
            pltpu.sync_copy(val_h.at[pl.ds(b, CHUNK)], val_v)
            pltpu.sync_copy(s0_sp.at[src_v], s0s_v)
            pltpu.sync_copy(s1_sp.at[src_v], s1s_v)
            pltpu.sync_copy(s0_sp.at[dst_v], s0d_v)
            pltpu.sync_copy(s1_sp.at[dst_v], s1d_v)

            def cbody(i, _):
                sl = pl.ds(i * 16, 16)
                vv = val_v[sl]
                s0s = s0s_v[sl]; s1s = s1s_v[sl]
                s0d = s0d_v[sl]; s1d = s1d_v[sl]
                er0 = s0d * b00 + s1d * b10
                ee0 = jnp.exp(_lk(s0s * a00 + s1s * a10 + er0) - _lk(er0 + em0)) * vv
                er1 = s0d * b01 + s1d * b11
                ee1 = jnp.exp(_lk(s0s * a01 + s1s * a11 + er1) - _lk(er1 + em1)) * vv
                val0[sl] = ee0
                val1[sl] = ee1
                val2[sl] = ee0 * s0s
                val3[sl] = ee0 * s1s
                val4[sl] = ee1 * s0s
                val5[sl] = ee1 * s1s
                return 0
            lax.fori_loop(0, CHUNK // 16, cbody, 0)
            pltpu.sync_copy(val0, q0_sp.at[dst_v], add=True)
            pltpu.sync_copy(val1, q1_sp.at[dst_v], add=True)
            pltpu.sync_copy(val2, t00_sp.at[dst_v], add=True)
            pltpu.sync_copy(val3, t01_sp.at[dst_v], add=True)
            pltpu.sync_copy(val4, t10_sp.at[dst_v], add=True)
            pltpu.sync_copy(val5, t11_sp.at[dst_v], add=True)
            return 0
        lax.fori_loop(0, NSUB, ebody, 0)
        plsc.subcore_barrier()

        for comp, ref in enumerate([q0_sp, q1_sp, t00_sp, t01_sp, t10_sp, t11_sp]):
            pltpu.sync_copy(ref.at[pl.ds(row0, NSL)], ta)
            pltpu.sync_copy(ta, acc_out.at[c, comp, 0, pl.ds(row0, NSL)])

    return k(srcp, dstp, valid, acc1, dvec, params2)


def _tc_epilogue(acc2, ut, w1t, b1, w2t, b2, w3t, b3, w4t, b4, w5t, b5):
    BLK = 2048
    NB = NP // BLK

    def body(a_ref, u_ref, w1, v1, w2, v2, w3, v3, w4, v4, w5, v5, o_ref):
        def blk(j, carry):
            sl = pl.ds(j * BLK, BLK)
            a = a_ref[0, :, sl] + a_ref[1, :, sl]
            d0 = a[0:1, :] + 1e-9
            d1 = a[1:2, :] + 1e-9
            t00 = a[2:3, :] / d0
            t01 = a[3:4, :] / d0
            t10 = a[4:5, :] / d1
            t11 = a[5:6, :] / d1
            T0 = jnp.concatenate([jnp.broadcast_to(t00, (HID, BLK)),
                                  jnp.broadcast_to(t10, (HID, BLK))], axis=0)
            T1 = jnp.concatenate([jnp.broadcast_to(t01, (HID, BLK)),
                                  jnp.broadcast_to(t11, (HID, BLK))], axis=0)
            O = jnp.maximum(T0 * u_ref[:, 0:1] + T1 * u_ref[:, 1:2], 0.0)
            return carry + jnp.sum(O, axis=1, keepdims=True)

        cs = lax.fori_loop(0, NB, blk, jnp.zeros((2 * HID, 1), jnp.float32))
        hg = (cs[:HID, :] + cs[HID:, :]) * (1.0 / (2.0 * N))
        x = jnp.maximum(jnp.dot(w1[...], hg, preferred_element_type=jnp.float32) + v1[...], 0.0)
        x = jnp.maximum(jnp.dot(w2[...], x, preferred_element_type=jnp.float32) + v2[...], 0.0)
        x = jnp.maximum(jnp.dot(w3[...], x, preferred_element_type=jnp.float32) + v3[...], 0.0)
        x = jnp.maximum(jnp.dot(w4[...], x, preferred_element_type=jnp.float32) + v4[...], 0.0)
        x = jnp.dot(w5[...], x, preferred_element_type=jnp.float32) + v5[...]
        ex = jnp.exp(x - jnp.max(x, axis=0, keepdims=True))
        o_ref[...] = ex / jnp.sum(ex, axis=0, keepdims=True)

    return pl.pallas_call(
        body,
        out_shape=jax.ShapeDtypeStruct((OUT, 1), jnp.float32),
    )(acc2, ut, w1t, b1, w2t, b2, w3t, b3, w4t, b4, w5t, b5)


def kernel(edge_index, W1, al1, ar1, W2, al2, ar2, cw1, cb1, cw2, cb2, cw3,
           cb3, cw4, cb4, cw5, cb5):
    W1r = W1.reshape(HEADS, HID)
    cl = (W1r * al1).sum(-1)
    cr = (W1r * ar1).sum(-1)
    params1 = jnp.zeros((16,), jnp.float32).at[0:2].set(cl).at[2:4].set(cr)

    W1p = jnp.maximum(W1.reshape(-1), 0.0)
    U = jnp.stack([W1p[c * HID:(c + 1) * HID] @ W2[c * HID:(c + 1) * HID, :]
                   for c in range(HEADS)])
    Ur = U.reshape(HEADS, HEADS, HID)
    A = (Ur * al2[None]).sum(-1)
    B = (Ur * ar2[None]).sum(-1)
    params2 = jnp.zeros((16,), jnp.float32).at[0:4].set(A.reshape(-1)).at[4:8].set(B.reshape(-1))

    padidx = (N + (jnp.arange(NPAD, dtype=jnp.int32) % (NP - N))).astype(jnp.int32)
    srcp = jnp.concatenate([edge_index[0].astype(jnp.int32), padidx])
    dstp = jnp.concatenate([edge_index[1].astype(jnp.int32), padidx])
    valid = jnp.concatenate([jnp.ones((E,), jnp.float32),
                             jnp.zeros((NPAD,), jnp.float32)])

    deg_p = _pass0(srcp, dstp, valid)
    acc1, dvec = _pass1(srcp, dstp, valid, deg_p, params1)
    acc2 = _pass2(srcp, dstp, valid, acc1, dvec, params2)

    out = _tc_epilogue(
        acc2.reshape(2, 6, NP), U.T,
        cw1.T, cb1.reshape(-1, 1), cw2.T, cb2.reshape(-1, 1),
        cw3.T, cb3.reshape(-1, 1), cw4.T, cb4.reshape(-1, 1),
        cw5.T, cb5.reshape(-1, 1))
    return out.reshape(1, OUT)

# --- scband reference (transcript-rebuilt; emitter-appended) ---
"""Pipeline reference for scband-gat-1726576853703 (READ-ONLY COPY).

The authoritative reference and input builder live on the scoring server;
editing this copy changes nothing except your own understanding.
"""

import jax, jax.numpy as jnp
import numpy as np

N = 50000
E = 800000
HID = 32
HEADS = 2
OUT = 10


def gat_conv(h, src, dst, W, al, ar):
    feat = (h @ W).reshape(N, HEADS, HID)
    el = (feat * al).sum(-1)
    er = (feat * ar).sum(-1)
    e = jax.nn.leaky_relu(el[src] + er[dst], 0.2)
    emax = jax.ops.segment_max(e, dst, num_segments=N)
    ee = jnp.exp(e - emax[dst])
    denom = jax.ops.segment_sum(ee, dst, num_segments=N)
    alpha = ee / (denom[dst] + 1e-9)
    msg = feat[src] * alpha[:, :, None]
    out = jax.ops.segment_sum(msg, dst, num_segments=N)
    return jax.nn.relu(out)


def setup_inputs(seed: int = 0):
    key = jax.random.key(seed)
    ks = jax.random.split(key, 20)
    inp = {}
    inp['edge_index'] = jax.random.randint(ks[0], (2, E), 0, N)
    inp['W1'] = jax.random.normal(ks[1], (1, HEADS * HID), dtype=jnp.float32) * 0.1
    inp['al1'] = jax.random.normal(ks[2], (HEADS, HID), dtype=jnp.float32) * 0.1
    inp['ar1'] = jax.random.normal(ks[3], (HEADS, HID), dtype=jnp.float32) * 0.1
    inp['W2'] = jax.random.normal(ks[4], (HEADS * HID, HEADS * HID), dtype=jnp.float32) * 0.1
    inp['al2'] = jax.random.normal(ks[5], (HEADS, HID), dtype=jnp.float32) * 0.1
    inp['ar2'] = jax.random.normal(ks[6], (HEADS, HID), dtype=jnp.float32) * 0.1
    inp['cw1'] = jax.random.normal(ks[7], (HID, 512), dtype=jnp.float32) * 0.05
    inp['cb1'] = jnp.zeros((512,), jnp.float32)
    inp['cw2'] = jax.random.normal(ks[8], (512, 1024), dtype=jnp.float32) * 0.05
    inp['cb2'] = jnp.zeros((1024,), jnp.float32)
    inp['cw3'] = jax.random.normal(ks[9], (1024, 1024), dtype=jnp.float32) * 0.05
    inp['cb3'] = jnp.zeros((1024,), jnp.float32)
    inp['cw4'] = jax.random.normal(ks[10], (1024, 512), dtype=jnp.float32) * 0.05
    inp['cb4'] = jnp.zeros((512,), jnp.float32)
    inp['cw5'] = jax.random.normal(ks[11], (512, OUT), dtype=jnp.float32) * 0.05
    inp['cb5'] = jnp.zeros((OUT,), jnp.float32)
    return inp


def reference(edge_index, W1, al1, ar1, W2, al2, ar2, cw1, cb1, cw2, cb2, cw3, cb3, cw4, cb4, cw5, cb5):
    src = edge_index[0]
    dst = edge_index[1]
    # h = g.in_degrees().view(-1, 1).float()
    deg = jnp.bincount(dst, length=N).astype(jnp.float32).reshape(-1, 1)
    h = gat_conv(deg, src, dst, W1, al1, ar1)
    h = h.reshape(N, HEADS * HID)  # h.flatten(1)
    h = gat_conv(h, src, dst, W2, al2, ar2)
    h = h.mean(axis=1)  # mean over heads
    # readout == 'mean' over a single graph in the batch
    hg = h.mean(axis=0, keepdims=True)
    x = jax.nn.relu(hg @ cw1 + cb1)
    x = jax.nn.relu(x @ cw2 + cb2)
    x = jax.nn.relu(x @ cw3 + cb3)
    x = jax.nn.relu(x @ cw4 + cb4)
    x = x @ cw5 + cb5
    return jax.nn.softmax(x, axis=-1)

if __name__ == "__main__":
    import jax
    _d = setup_inputs()
    print(jax.jit(kernel)(*tuple(_d.values())))

</pallas_src>

<mosaic_0001>
#map = affine_map<(d0, d1) -> (0)>
#map1 = affine_map<(d0, d1) -> (0, 0, 0)>
#map2 = affine_map<(d0, d1) -> (0, 0, 0, 0)>
module attributes {stable_mosaic.version = 14 : i64} {
  func.func @k(%arg0: i32, %arg1: i32, %arg2: memref<819200xi32, #tpu.memory_space<hbm>>, %arg3: memref<819200xi32, #tpu.memory_space<hbm>>, %arg4: memref<819200xf32, #tpu.memory_space<hbm>>, %arg5: memref<2x1x51200xf32, #tpu.memory_space<hbm>>, %arg6: memref<16xf32, #tpu.memory_space<hbm>>, %arg7: memref<2x4x1x51200xf32, #tpu.memory_space<hbm>>, %arg8: memref<2x1x16xf32, #tpu.memory_space<hbm>>, %arg9: memref<3200xf32, #tpu.memory_space<vmem>>, %arg10: memref<3200xf32, #tpu.memory_space<vmem>>, %arg11: memref<16xf32, #tpu.memory_space<vmem>>, %arg12: memref<16xf32, #tpu.memory_space<vmem>>, %arg13: memref<256xf32, #tpu.memory_space<vmem>>, %arg14: memref<6400xi32, #tpu.memory_space<vmem>>, %arg15: memref<6400xi32, #tpu.memory_space<vmem>>, %arg16: memref<6400xf32, #tpu.memory_space<vmem>>, %arg17: memref<6400xf32, #tpu.memory_space<vmem>>, %arg18: memref<6400xf32, #tpu.memory_space<vmem>>, %arg19: memref<6400xf32, #tpu.memory_space<vmem>>, %arg20: memref<6400xf32, #tpu.memory_space<vmem>>, %arg21: memref<6400xf32, #tpu.memory_space<vmem>>, %arg22: memref<6400xf32, #tpu.memory_space<vmem>>, %arg23: memref<51200xf32, #tpu.memory_space<vmem_shared>>, %arg24: memref<51200xf32, #tpu.memory_space<vmem_shared>>, %arg25: memref<51200xf32, #tpu.memory_space<vmem_shared>>, %arg26: memref<51200xf32, #tpu.memory_space<vmem_shared>>, %arg27: memref<51200xf32, #tpu.memory_space<vmem_shared>>, %arg28: memref<256xf32, #tpu.memory_space<vmem_shared>>) attributes {dimension_semantics = [#tpu.dimension_semantics<core_parallel>, #tpu.dimension_semantics<subcore_parallel>], iteration_bounds = array<i64: 2, 16>, scalar_prefetch = 0 : i64, scratch_operands = 20 : i64, tpu.core_type = #tpu.core_type<sc_vector_subcore>, window_params = [{transform_indices = #map}, {transform_indices = #map}, {transform_indices = #map}, {transform_indices = #map1}, {transform_indices = #map}, {transform_indices = #map2}, {transform_indices = #map1}]} {
    %mul3A = arith.constant 16 : i32
    %mul3A_0 = arith.muli %arg0, %mul3A : i32
    %add3A = arith.addi %mul3A_0, %arg1 : i32
    %mul3A_1 = arith.constant 3200 : i32
    %mul3A_2 = arith.muli %arg1, %mul3A_1 : i32
    %mul3A_3 = arith.constant 25600 : i32
    %mul3A_4 = arith.muli %add3A, %mul3A_3 : i32
    %scan3A = arith.constant 0 : i32
    %scan3A_5 = arith.constant 0 : i32
    %scan3A_6 = arith.constant 200 : i32
    %scan3A_7 = arith.addi %scan3A_5, %scan3A_6 : i32
    %scan3A_8 = arith.constant 1 : i32
    %scan3A_9 = scf.for %scan3A_162 = %scan3A_5 to %scan3A_7 step %scan3A_8 iter_args(%scan3A_163 = %scan3A) -> (i32)  : i32 {
      %broadcast_in_dim3A_164 = arith.constant 0.000000e+00 : f32
      %broadcast_in_dim3A_165 = vector.broadcast %broadcast_in_dim3A_164 : f32 to vector<16xf32>
      %mul3A_166 = arith.constant 16 : i32
      %mul3A_167 = arith.muli %scan3A_162, %mul3A_166 : i32
      %swap3A_168 = arith.index_cast %mul3A_167 : i32 to index
      %swap3A_169 = tpu.vector_load %arg9[%swap3A_168] {strides = array<i32>} : memref<3200xf32, #tpu.memory_space<vmem>>, vector<16xf32>,
      %swap3A_170 = vector.shape_cast %swap3A_169 : vector<16xf32> to vector<16xf32>
      %swap3A_171 = vector.shape_cast %broadcast_in_dim3A_165 : vector<16xf32> to vector<16xf32>
      tpu.vector_store %arg9[%swap3A_168], %swap3A_171 {strides = array<i32>} : memref<3200xf32, #tpu.memory_space<vmem>>, vector<16xf32>,
      %scan3A_172 = arith.constant 0 : i32
      scf.yield %scan3A_172 : i32
    }
    %scan3A_10 = arith.constant 200 : i32
    "tpu.region"() ({
      %run_scoped3A_162 = tpu.sem_alloc : memref<!tpu.dma_semaphore, #tpu.memory_space<semaphore_mem>>
      %dma_start3A = tpu.memref_slice %arg24[%mul3A_2] : memref<51200xf32, #tpu.memory_space<vmem_shared>> -> memref<3200xf32, #tpu.memory_space<vmem_shared>>
      %dma_start3A_163 = tpu.memref_slice %arg24[%mul3A_2] : memref<51200xf32, #tpu.memory_space<vmem_shared>> -> memref<3200xf32, #tpu.memory_space<vmem_shared>>
      tpu.enqueue_dma source(%arg9 : memref<3200xf32, #tpu.memory_space<vmem>>) target(%dma_start3A_163 : memref<3200xf32, #tpu.memory_space<vmem_shared>>) target_semaphore(%run_scoped3A_162 : memref<!tpu.dma_semaphore, #tpu.memory_space<semaphore_mem>>)
      %dma_wait3A = tpu.memref_slice %arg24[%mul3A_2] : memref<51200xf32, #tpu.memory_space<vmem_shared>> -> memref<3200xf32, #tpu.memory_space<vmem_shared>>
      %dma_wait3A_164 = tpu.memref_slice %arg24[%mul3A_2] : memref<51200xf32, #tpu.memory_space<vmem_shared>> -> memref<3200xf32, #tpu.memory_space<vmem_shared>>
      tpu.wait_dma2 semaphore(%run_scoped3A_162 : memref<!tpu.dma_semaphore, #tpu.memory_space<semaphore_mem>>) src(%arg9 : memref<3200xf32, #tpu.memory_space<vmem>>) dst(%dma_wait3A_164 : memref<3200xf32, #tpu.memory_space<vmem_shared>>)
      tpu.yield
    }) : () -> ()
    "tpu.region"() ({
      %run_scoped3A_162 = tpu.sem_alloc : memref<!tpu.dma_semaphore, #tpu.memory_space<semaphore_mem>>
      %dma_start3A = tpu.memref_slice %arg25[%mul3A_2] : memref<51200xf32, #tpu.memory_space<vmem_shared>> -> memref<3200xf32, #tpu.memory_space<vmem_shared>>
      %dma_start3A_163 = tpu.memref_slice %arg25[%mul3A_2] : memref<51200xf32, #tpu.memory_space<vmem_shared>> -> memref<3200xf32, #tpu.memory_space<vmem_shared>>
      tpu.enqueue_dma source(%arg9 : memref<3200xf32, #tpu.memory_space<vmem>>) target(%dma_start3A_163 : memref<3200xf32, #tpu.memory_space<vmem_shared>>) target_semaphore(%run_scoped3A_162 : memref<!tpu.dma_semaphore, #tpu.memory_space<semaphore_mem>>)
      %dma_wait3A = tpu.memref_slice %arg25[%mul3A_2] : memref<51200xf32, #tpu.memory_space<vmem_shared>> -> memref<3200xf32, #tpu.memory_space<vmem_shared>>
      %dma_wait3A_164 = tpu.memref_slice %arg25[%mul3A_2] : memref<51200xf32, #tpu.memory_space<vmem_shared>> -> memref<3200xf32, #tpu.memory_space<vmem_shared>>
      tpu.wait_dma2 semaphore(%run_scoped3A_162 : memref<!tpu.dma_semaphore, #tpu.memory_space<semaphore_mem>>) src(%arg9 : memref<3200xf32, #tpu.memory_space<vmem>>) dst(%dma_wait3A_164 : memref<3200xf32, #tpu.memory_space<vmem_shared>>)
      tpu.yield
    }) : () -> ()
    "tpu.region"() ({
      %run_scoped3A_162 = tpu.sem_alloc : memref<!tpu.dma_semaphore, #tpu.memory_space<semaphore_mem>>
      %dma_start3A = tpu.memref_slice %arg26[%mul3A_2] : memref<51200xf32, #tpu.memory_space<vmem_shared>> -> memref<3200xf32, #tpu.memory_space<vmem_shared>>
      %dma_start3A_163 = tpu.memref_slice %arg26[%mul3A_2] : memref<51200xf32, #tpu.memory_space<vmem_shared>> -> memref<3200xf32, #tpu.memory_space<vmem_shared>>
      tpu.enqueue_dma source(%arg9 : memref<3200xf32, #tpu.memory_space<vmem>>) target(%dma_start3A_163 : memref<3200xf32, #tpu.memory_space<vmem_shared>>) target_semaphore(%run_scoped3A_162 : memref<!tpu.dma_semaphore, #tpu.memory_space<semaphore_mem>>)
      %dma_wait3A = tpu.memref_slice %arg26[%mul3A_2] : memref<51200xf32, #tpu.memory_space<vmem_shared>> -> memref<3200xf32, #tpu.memory_space<vmem_shared>>
      %dma_wait3A_164 = tpu.memref_slice %arg26[%mul3A_2] : memref<51200xf32, #tpu.memory_space<vmem_shared>> -> memref<3200xf32, #tpu.memory_space<vmem_shared>>
      tpu.wait_dma2 semaphore(%run_scoped3A_162 : memref<!tpu.dma_semaphore, #tpu.memory_space<semaphore_mem>>) src(%arg9 : memref<3200xf32, #tpu.memory_space<vmem>>) dst(%dma_wait3A_164 : memref<3200xf32, #tpu.memory_space<vmem_shared>>)
      tpu.yield
    }) : () -> ()
    "tpu.region"() ({
      %run_scoped3A_162 = tpu.sem_alloc : memref<!tpu.dma_semaphore, #tpu.memory_space<semaphore_mem>>
      %dma_start3A = tpu.memref_slice %arg27[%mul3A_2] : memref<51200xf32, #tpu.memory_space<vmem_shared>> -> memref<3200xf32, #tpu.memory_space<vmem_shared>>
      %dma_start3A_163 = tpu.memref_slice %arg27[%mul3A_2] : memref<51200xf32, #tpu.memory_space<vmem_shared>> -> memref<3200xf32, #tpu.memory_space<vmem_shared>>
      tpu.enqueue_dma source(%arg9 : memref<3200xf32, #tpu.memory_space<vmem>>) target(%dma_start3A_163 : memref<3200xf32, #tpu.memory_space<vmem_shared>>) target_semaphore(%run_scoped3A_162 : memref<!tpu.dma_semaphore, #tpu.memory_space<semaphore_mem>>)
      %dma_wait3A = tpu.memref_slice %arg27[%mul3A_2] : memref<51200xf32, #tpu.memory_space<vmem_shared>> -> memref<3200xf32, #tpu.memory_space<vmem_shared>>
      %dma_wait3A_164 = tpu.memref_slice %arg27[%mul3A_2] : memref<51200xf32, #tpu.memory_space<vmem_shared>> -> memref<3200xf32, #tpu.memory_space<vmem_shared>>
      tpu.wait_dma2 semaphore(%run_scoped3A_162 : memref<!tpu.dma_semaphore, #tpu.memory_space<semaphore_mem>>) src(%arg9 : memref<3200xf32, #tpu.memory_space<vmem>>) dst(%dma_wait3A_164 : memref<3200xf32, #tpu.memory_space<vmem_shared>>)
      tpu.yield
    }) : () -> ()
    %run_scoped3A = arith.constant 0 : i32
    %run_scoped3A_11 = arith.constant 0 : i32
    "tpu.region"() ({
      %run_scoped3A_162 = tpu.sem_alloc : memref<!tpu.dma_semaphore, #tpu.memory_space<semaphore_mem>>
      %dma_start3A = tpu.memref_slice %arg5[%run_scoped3A, %run_scoped3A_11, %mul3A_2] : memref<2x1x51200xf32, #tpu.memory_space<hbm>> -> memref<1x1x3200xf32, #tpu.memory_space<hbm>>
      %dma_start3A_163 = tpu.memref_squeeze %dma_start3A : memref<1x1x3200xf32, #tpu.memory_space<hbm>> -> memref<3200xf32, #tpu.memory_space<hbm>>
      %dma_start3A_164 = tpu.memref_slice %arg5[%run_scoped3A, %run_scoped3A_11, %mul3A_2] : memref<2x1x51200xf32, #tpu.memory_space<hbm>> -> memref<1x1x3200xf32, #tpu.memory_space<hbm>>
      %dma_start3A_165 = tpu.memref_squeeze %dma_start3A_164 : memref<1x1x3200xf32, #tpu.memory_space<hbm>> -> memref<3200xf32, #tpu.memory_space<hbm>>
      tpu.enqueue_dma source(%dma_start3A_165 : memref<3200xf32, #tpu.memory_space<hbm>>) target(%arg9 : memref<3200xf32, #tpu.memory_space<vmem>>) target_semaphore(%run_scoped3A_162 : memref<!tpu.dma_semaphore, #tpu.memory_space<semaphore_mem>>)
      %dma_wait3A = tpu.memref_slice %arg5[%run_scoped3A, %run_scoped3A_11, %mul3A_2] : memref<2x1x51200xf32, #tpu.memory_space<hbm>> -> memref<1x1x3200xf32, #tpu.memory_space<hbm>>
      %dma_wait3A_166 = tpu.memref_squeeze %dma_wait3A : memref<1x1x3200xf32, #tpu.memory_space<hbm>> -> memref<3200xf32, #tpu.memory_space<hbm>>
      %dma_wait3A_167 = tpu.memref_slice %arg5[%run_scoped3A, %run_scoped3A_11, %mul3A_2] : memref<2x1x51200xf32, #tpu.memory_space<hbm>> -> memref<1x1x3200xf32, #tpu.memory_space<hbm>>
      %dma_wait3A_168 = tpu.memref_squeeze %dma_wait3A_167 : memref<1x1x3200xf32, #tpu.memory_space<hbm>> -> memref<3200xf32, #tpu.memory_space<hbm>>
      tpu.wait_dma2 semaphore(%run_scoped3A_162 : memref<!tpu.dma_semaphore, #tpu.memory_space<semaphore_mem>>) src(%dma_wait3A_168 : memref<3200xf32, #tpu.memory_space<hbm>>) dst(%arg9 : memref<3200xf32, #tpu.memory_space<vmem>>)
      tpu.yield
    }) : () -> ()
    %run_scoped3A_12 = arith.constant 1 : i32
    %run_scoped3A_13 = arith.constant 0 : i32
    "tpu.region"() ({
      %run_scoped3A_162 = tpu.sem_alloc : memref<!tpu.dma_semaphore, #tpu.memory_space<semaphore_mem>>
      %dma_start3A = tpu.memref_slice %arg5[%run_scoped3A_12, %run_scoped3A_13, %mul3A_2] : memref<2x1x51200xf32, #tpu.memory_space<hbm>> -> memref<1x1x3200xf32, #tpu.memory_space<hbm>>
      %dma_start3A_163 = tpu.memref_squeeze %dma_start3A : memref<1x1x3200xf32, #tpu.memory_space<hbm>> -> memref<3200xf32, #tpu.memory_space<hbm>>
      %dma_start3A_164 = tpu.memref_slice %arg5[%run_scoped3A_12, %run_scoped3A_13, %mul3A_2] : memref<2x1x51200xf32, #tpu.memory_space<hbm>> -> memref<1x1x3200xf32, #tpu.memory_space<hbm>>
      %dma_start3A_165 = tpu.memref_squeeze %dma_start3A_164 : memref<1x1x3200xf32, #tpu.memory_space<hbm>> -> memref<3200xf32, #tpu.memory_space<hbm>>
      tpu.enqueue_dma source(%dma_start3A_165 : memref<3200xf32, #tpu.memory_space<hbm>>) target(%arg10 : memref<3200xf32, #tpu.memory_space<vmem>>) target_semaphore(%run_scoped3A_162 : memref<!tpu.dma_semaphore, #tpu.memory_space<semaphore_mem>>)
      %dma_wait3A = tpu.memref_slice %arg5[%run_scoped3A_12, %run_scoped3A_13, %mul3A_2] : memref<2x1x51200xf32, #tpu.memory_space<hbm>> -> memref<1x1x3200xf32, #tpu.memory_space<hbm>>
      %dma_wait3A_166 = tpu.memref_squeeze %dma_wait3A : memref<1x1x3200xf32, #tpu.memory_space<hbm>> -> memref<3200xf32, #tpu.memory_space<hbm>>
      %dma_wait3A_167 = tpu.memref_slice %arg5[%run_scoped3A_12, %run_scoped3A_13, %mul3A_2] : memref<2x1x51200xf32, #tpu.memory_space<hbm>> -> memref<1x1x3200xf32, #tpu.memory_space<hbm>>
      %dma_wait3A_168 = tpu.memref_squeeze %dma_wait3A_167 : memref<1x1x3200xf32, #tpu.memory_space<hbm>> -> memref<3200xf32, #tpu.memory_space<hbm>>
      tpu.wait_dma2 semaphore(%run_scoped3A_162 : memref<!tpu.dma_semaphore, #tpu.memory_space<semaphore_mem>>) src(%dma_wait3A_168 : memref<3200xf32, #tpu.memory_space<hbm>>) dst(%arg10 : memref<3200xf32, #tpu.memory_space<vmem>>)
      tpu.yield
    }) : () -> ()
    %broadcast_in_dim3A = arith.constant 0.000000e+00 : f32
    %broadcast_in_dim3A_14 = vector.broadcast %broadcast_in_dim3A : f32 to vector<16xf32>
    %scan3A_15 = arith.constant 0 : i32
    %scan3A_16 = arith.constant 200 : i32
    %scan3A_17 = arith.addi %scan3A_15, %scan3A_16 : i32
    %scan3A_18 = arith.constant 1 : i32
    %scan3A_19 = scf.for %scan3A_162 = %scan3A_15 to %scan3A_17 step %scan3A_18 iter_args(%scan3A_163 = %broadcast_in_dim3A_14) -> (vector<16xf32>)  : i32 {
      %mul3A_164 = arith.constant 16 : i32
      %mul3A_165 = arith.muli %scan3A_162, %mul3A_164 : i32
      %get3A_166 = arith.index_cast %mul3A_165 : i32 to index
      %get3A_167 = tpu.vector_load %arg9[%get3A_166] {strides = array<i32>} : memref<3200xf32, #tpu.memory_space<vmem>>, vector<16xf32>,
      %get3A_168 = vector.shape_cast %get3A_167 : vector<16xf32> to vector<16xf32>
      %mul3A_169 = arith.constant 16 : i32
      %mul3A_170 = arith.muli %scan3A_162, %mul3A_169 : i32
      %get3A_171 = arith.index_cast %mul3A_170 : i32 to index
      %get3A_172 = tpu.vector_load %arg10[%get3A_171] {strides = array<i32>} : memref<3200xf32, #tpu.memory_space<vmem>>, vector<16xf32>,
      %get3A_173 = vector.shape_cast %get3A_172 : vector<16xf32> to vector<16xf32>
      %add3A_174 = arith.addf %get3A_168, %get3A_173 : vector<16xf32>
      %mul3A_175 = arith.constant 16 : i32
      %mul3A_176 = arith.muli %scan3A_162, %mul3A_175 : i32
      %swap3A_177 = arith.index_cast %mul3A_176 : i32 to index
      %swap3A_178 = tpu.vector_load %arg9[%swap3A_177] {strides = array<i32>} : memref<3200xf32, #tpu.memory_space<vmem>>, vector<16xf32>,
      %swap3A_179 = vector.shape_cast %swap3A_178 : vector<16xf32> to vector<16xf32>
      %swap3A_180 = vector.shape_cast %add3A_174 : vector<16xf32> to vector<16xf32>
      tpu.vector_store %arg9[%swap3A_177], %swap3A_180 {strides = array<i32>} : memref<3200xf32, #tpu.memory_space<vmem>>, vector<16xf32>,
      %max3A_181 = arith.maximumf %scan3A_163, %add3A_174 : vector<16xf32>
      scf.yield %max3A_181 : vector<16xf32>
    }
    %scan3A_20 = arith.constant 200 : i32
    "tpu.region"() ({
      %run_scoped3A_162 = tpu.sem_alloc : memref<!tpu.dma_semaphore, #tpu.memory_space<semaphore_mem>>
      %dma_start3A = tpu.memref_slice %arg23[%mul3A_2] : memref<51200xf32, #tpu.memory_space<vmem_shared>> -> memref<3200xf32, #tpu.memory_space<vmem_shared>>
      %dma_start3A_163 = tpu.memref_slice %arg23[%mul3A_2] : memref<51200xf32, #tpu.memory_space<vmem_shared>> -> memref<3200xf32, #tpu.memory_space<vmem_shared>>
      tpu.enqueue_dma source(%arg9 : memref<3200xf32, #tpu.memory_space<vmem>>) target(%dma_start3A_163 : memref<3200xf32, #tpu.memory_space<vmem_shared>>) target_semaphore(%run_scoped3A_162 : memref<!tpu.dma_semaphore, #tpu.memory_space<semaphore_mem>>)
      %dma_wait3A = tpu.memref_slice %arg23[%mul3A_2] : memref<51200xf32, #tpu.memory_space<vmem_shared>> -> memref<3200xf32, #tpu.memory_space<vmem_shared>>
      %dma_wait3A_164 = tpu.memref_slice %arg23[%mul3A_2] : memref<51200xf32, #tpu.memory_space<vmem_shared>> -> memref<3200xf32, #tpu.memory_space<vmem_shared>>
      tpu.wait_dma2 semaphore(%run_scoped3A_162 : memref<!tpu.dma_semaphore, #tpu.memory_space<semaphore_mem>>) src(%arg9 : memref<3200xf32, #tpu.memory_space<vmem>>) dst(%dma_wait3A_164 : memref<3200xf32, #tpu.memory_space<vmem_shared>>)
      tpu.yield
    }) : () -> ()
    %swap3A = arith.constant 0 : index
    %swap3A_21 = tpu.vector_load %arg12[%swap3A] {strides = array<i32>} : memref<16xf32, #tpu.memory_space<vmem>>, vector<16xf32>,
    %swap3A_22 = vector.shape_cast %swap3A_21 : vector<16xf32> to vector<16xf32>
    %swap3A_23 = vector.shape_cast %scan3A_19 : vector<16xf32> to vector<16xf32>
    tpu.vector_store %arg12[%swap3A], %swap3A_23 {strides = array<i32>} : memref<16xf32, #tpu.memory_space<vmem>>, vector<16xf32>,
    %mul3A_24 = arith.constant 16 : i32
    %mul3A_25 = arith.muli %arg1, %mul3A_24 : i32
    "tpu.region"() ({
      %run_scoped3A_162 = tpu.sem_alloc : memref<!tpu.dma_semaphore, #tpu.memory_space<semaphore_mem>>
      %dma_start3A = tpu.memref_slice %arg28[%mul3A_25] : memref<256xf32, #tpu.memory_space<vmem_shared>> -> memref<16xf32, #tpu.memory_space<vmem_shared>>
      %dma_start3A_163 = tpu.memref_slice %arg28[%mul3A_25] : memref<256xf32, #tpu.memory_space<vmem_shared>> -> memref<16xf32, #tpu.memory_space<vmem_shared>>
      tpu.enqueue_dma source(%arg12 : memref<16xf32, #tpu.memory_space<vmem>>) target(%dma_start3A_163 : memref<16xf32, #tpu.memory_space<vmem_shared>>) target_semaphore(%run_scoped3A_162 : memref<!tpu.dma_semaphore, #tpu.memory_space<semaphore_mem>>)
      %dma_wait3A = tpu.memref_slice %arg28[%mul3A_25] : memref<256xf32, #tpu.memory_space<vmem_shared>> -> memref<16xf32, #tpu.memory_space<vmem_shared>>
      %dma_wait3A_164 = tpu.memref_slice %arg28[%mul3A_25] : memref<256xf32, #tpu.memory_space<vmem_shared>> -> memref<16xf32, #tpu.memory_space<vmem_shared>>
      tpu.wait_dma2 semaphore(%run_scoped3A_162 : memref<!tpu.dma_semaphore, #tpu.memory_space<semaphore_mem>>) src(%arg12 : memref<16xf32, #tpu.memory_space<vmem>>) dst(%dma_wait3A_164 : memref<16xf32, #tpu.memory_space<vmem_shared>>)
      tpu.yield
    }) : () -> ()
    "tpu.region"() ({
      %run_scoped3A_162 = tpu.sem_alloc : memref<!tpu.dma_semaphore, #tpu.memory_space<semaphore_mem>>
      tpu.enqueue_dma source(%arg6 : memref<16xf32, #tpu.memory_space<hbm>>) target(%arg11 : memref<16xf32, #tpu.memory_space<vmem>>) target_semaphore(%run_scoped3A_162 : memref<!tpu.dma_semaphore, #tpu.memory_space<semaphore_mem>>)
      tpu.wait_dma2 semaphore(%run_scoped3A_162 : memref<!tpu.dma_semaphore, #tpu.memory_space<semaphore_mem>>) src(%arg6 : memref<16xf32, #tpu.memory_space<hbm>>) dst(%arg11 : memref<16xf32, #tpu.memory_space<vmem>>)
      tpu.yield
    }) : () -> ()
    %barrier3A = arith.constant 0 : index
    tpu.barrier barrier_id(%barrier3A)
    "tpu.region"() ({
      %run_scoped3A_162 = tpu.sem_alloc : memref<!tpu.dma_semaphore, #tpu.memory_space<semaphore_mem>>
      tpu.enqueue_dma source(%arg28 : memref<256xf32, #tpu.memory_space<vmem_shared>>) target(%arg13 : memref<256xf32, #tpu.memory_space<vmem>>) target_semaphore(%run_scoped3A_162 : memref<!tpu.dma_semaphore, #tpu.memory_space<semaphore_mem>>)
      tpu.wait_dma2 semaphore(%run_scoped3A_162 : memref<!tpu.dma_semaphore, #tpu.memory_space<semaphore_mem>>) src(%arg28 : memref<256xf32, #tpu.memory_space<vmem_shared>>) dst(%arg13 : memref<256xf32, #tpu.memory_space<vmem>>)
      tpu.yield
    }) : () -> ()
    %get3A = arith.constant 0 : index
    %get3A_26 = tpu.vector_load %arg13[%get3A] {strides = array<i32>} : memref<256xf32, #tpu.memory_space<vmem>>, vector<16xf32>,
    %get3A_27 = vector.shape_cast %get3A_26 : vector<16xf32> to vector<16xf32>
    %get3A_28 = arith.constant 16 : index
    %get3A_29 = tpu.vector_load %arg13[%get3A_28] {strides = array<i32>} : memref<256xf32, #tpu.memory_space<vmem>>, vector<16xf32>,
    %get3A_30 = vector.shape_cast %get3A_29 : vector<16xf32> to vector<16xf32>
    %max3A = arith.maximumf %get3A_27, %get3A_30 : vector<16xf32>
    %get3A_31 = arith.constant 32 : index
    %get3A_32 = tpu.vector_load %arg13[%get3A_31] {strides = array<i32>} : memref<256xf32, #tpu.memory_space<vmem>>, vector<16xf32>,
    %get3A_33 = vector.shape_cast %get3A_32 : vector<16xf32> to vector<16xf32>
    %max3A_34 = arith.maximumf %max3A, %get3A_33 : vector<16xf32>
    %get3A_35 = arith.constant 48 : index
    %get3A_36 = tpu.vector_load %arg13[%get3A_35] {strides = array<i32>} : memref<256xf32, #tpu.memory_space<vmem>>, vector<16xf32>,
    %get3A_37 = vector.shape_cast %get3A_36 : vector<16xf32> to vector<16xf32>
    %max3A_38 = arith.maximumf %max3A_34, %get3A_37 : vector<16xf32>
    %get3A_39 = arith.constant 64 : index
    %get3A_40 = tpu.vector_load %arg13[%get3A_39] {strides = array<i32>} : memref<256xf32, #tpu.memory_space<vmem>>, vector<16xf32>,
    %get3A_41 = vector.shape_cast %get3A_40 : vector<16xf32> to vector<16xf32>
    %max3A_42 = arith.maximumf %max3A_38, %get3A_41 : vector<16xf32>
    %get3A_43 = arith.constant 80 : index
    %get3A_44 = tpu.vector_load %arg13[%get3A_43] {strides = array<i32>} : memref<256xf32, #tpu.memory_space<vmem>>, vector<16xf32>,
    %get3A_45 = vector.shape_cast %get3A_44 : vector<16xf32> to vector<16xf32>
    %max3A_46 = arith.maximumf %max3A_42, %get3A_45 : vector<16xf32>
    %get3A_47 = arith.constant 96 : index
    %get3A_48 = tpu.vector_load %arg13[%get3A_47] {strides = array<i32>} : memref<256xf32, #tpu.memory_space<vmem>>, vector<16xf32>,
    %get3A_49 = vector.shape_cast %get3A_48 : vector<16xf32> to vector<16xf32>
    %max3A_50 = arith.maximumf %max3A_46, %get3A_49 : vector<16xf32>
    %get3A_51 = arith.constant 112 : index
    %get3A_52 = tpu.vector_load %arg13[%get3A_51] {strides = array<i32>} : memref<256xf32, #tpu.memory_space<vmem>>, vector<16xf32>,
    %get3A_53 = vector.shape_cast %get3A_52 : vector<16xf32> to vector<16xf32>
    %max3A_54 = arith.maximumf %max3A_50, %get3A_53 : vector<16xf32>
    %get3A_55 = arith.constant 128 : index
    %get3A_56 = tpu.vector_load %arg13[%get3A_55] {strides = array<i32>} : memref<256xf32, #tpu.memory_space<vmem>>, vector<16xf32>,
    %get3A_57 = vector.shape_cast %get3A_56 : vector<16xf32> to vector<16xf32>
    %max3A_58 = arith.maximumf %max3A_54, %get3A_57 : vector<16xf32>
    %get3A_59 = arith.constant 144 : index
    %get3A_60 = tpu.vector_load %arg13[%get3A_59] {strides = array<i32>} : memref<256xf32, #tpu.memory_space<vmem>>, vector<16xf32>,
    %get3A_61 = vector.shape_cast %get3A_60 : vector<16xf32> to vector<16xf32>
    %max3A_62 = arith.maximumf %max3A_58, %get3A_61 : vector<16xf32>
    %get3A_63 = arith.constant 160 : index
    %get3A_64 = tpu.vector_load %arg13[%get3A_63] {strides = array<i32>} : memref<256xf32, #tpu.memory_space<vmem>>, vector<16xf32>,
    %get3A_65 = vector.shape_cast %get3A_64 : vector<16xf32> to vector<16xf32>
    %max3A_66 = arith.maximumf %max3A_62, %get3A_65 : vector<16xf32>
    %get3A_67 = arith.constant 176 : index
    %get3A_68 = tpu.vector_load %arg13[%get3A_67] {strides = array<i32>} : memref<256xf32, #tpu.memory_space<vmem>>, vector<16xf32>,
    %get3A_69 = vector.shape_cast %get3A_68 : vector<16xf32> to vector<16xf32>
    %max3A_70 = arith.maximumf %max3A_66, %get3A_69 : vector<16xf32>
    %get3A_71 = arith.constant 192 : index
    %get3A_72 = tpu.vector_load %arg13[%get3A_71] {strides = array<i32>} : memref<256xf32, #tpu.memory_space<vmem>>, vector<16xf32>,
    %get3A_73 = vector.shape_cast %get3A_72 : vector<16xf32> to vector<16xf32>
    %max3A_74 = arith.maximumf %max3A_70, %get3A_73 : vector<16xf32>
    %get3A_75 = arith.constant 208 : index
    %get3A_76 = tpu.vector_load %arg13[%get3A_75] {strides = array<i32>} : memref<256xf32, #tpu.memory_space<vmem>>, vector<16xf32>,
    %get3A_77 = vector.shape_cast %get3A_76 : vector<16xf32> to vector<16xf32>
    %max3A_78 = arith.maximumf %max3A_74, %get3A_77 : vector<16xf32>
    %get3A_79 = arith.constant 224 : index
    %get3A_80 = tpu.vector_load %arg13[%get3A_79] {strides = array<i32>} : memref<256xf32, #tpu.memory_space<vmem>>, vector<16xf32>,
    %get3A_81 = vector.shape_cast %get3A_80 : vector<16xf32> to vector<16xf32>
    %max3A_82 = arith.maximumf %max3A_78, %get3A_81 : vector<16xf32>
    %get3A_83 = arith.constant 240 : index
    %get3A_84 = tpu.vector_load %arg13[%get3A_83] {strides = array<i32>} : memref<256xf32, #tpu.memory_space<vmem>>, vector<16xf32>,
    %get3A_85 = vector.shape_cast %get3A_84 : vector<16xf32> to vector<16xf32>
    %max3A_86 = arith.maximumf %max3A_82, %get3A_85 : vector<16xf32>
    %iota3A = tpu.iota {dimensions = array<i32: 0>} : vector<16xi32>
    %xor3A = arith.constant 8 : i32
    %xor3A_87 = vector.broadcast %xor3A : i32 to vector<16xi32>
    %xor3A_88 = arith.xori %iota3A, %xor3A_87 : vector<16xi32>
    %broadcast_in_dim3A_89 = vector.shape_cast %xor3A_88 : vector<16xi32> to vector<16x1xi32>
    %gather3A = vector.shape_cast %broadcast_in_dim3A_89 : vector<16x1xi32> to vector<16xi32>
    %gather3A_90 = tpu.dynamic_gather %max3A_86[%gather3A] in [0] : vector<16xf32>, vector<16xi32> -> vector<16xf32>
    %max3A_91 = arith.maximumf %max3A_86, %gather3A_90 : vector<16xf32>
    %xor3A_92 = arith.constant 4 : i32
    %xor3A_93 = vector.broadcast %xor3A_92 : i32 to vector<16xi32>
    %xor3A_94 = arith.xori %iota3A, %xor3A_93 : vector<16xi32>
    %broadcast_in_dim3A_95 = vector.shape_cast %xor3A_94 : vector<16xi32> to vector<16x1xi32>
    %gather3A_96 = vector.shape_cast %broadcast_in_dim3A_95 : vector<16x1xi32> to vector<16xi32>
    %gather3A_97 = tpu.dynamic_gather %max3A_91[%gather3A_96] in [0] : vector<16xf32>, vector<16xi32> -> vector<16xf32>
    %max3A_98 = arith.maximumf %max3A_91, %gather3A_97 : vector<16xf32>
    %xor3A_99 = arith.constant 2 : i32
    %xor3A_100 = vector.broadcast %xor3A_99 : i32 to vector<16xi32>
    %xor3A_101 = arith.xori %iota3A, %xor3A_100 : vector<16xi32>
    %broadcast_in_dim3A_102 = vector.shape_cast %xor3A_101 : vector<16xi32> to vector<16x1xi32>
    %gather3A_103 = vector.shape_cast %broadcast_in_dim3A_102 : vector<16x1xi32> to vector<16xi32>
    %gather3A_104 = tpu.dynamic_gather %max3A_98[%gather3A_103] in [0] : vector<16xf32>, vector<16xi32> -> vector<16xf32>
    %max3A_105 = arith.maximumf %max3A_98, %gather3A_104 : vector<16xf32>
    %xor3A_106 = arith.constant 1 : i32
    %xor3A_107 = vector.broadcast %xor3A_106 : i32 to vector<16xi32>
    %xor3A_108 = arith.xori %iota3A, %xor3A_107 : vector<16xi32>
    %broadcast_in_dim3A_109 = vector.shape_cast %xor3A_108 : vector<16xi32> to vector<16x1xi32>
    %gather3A_110 = vector.shape_cast %broadcast_in_dim3A_109 : vector<16x1xi32> to vector<16xi32>
    %gather3A_111 = tpu.dynamic_gather %max3A_105[%gather3A_110] in [0] : vector<16xf32>, vector<16xi32> -> vector<16xf32>
    %max3A_112 = arith.maximumf %max3A_105, %gather3A_111 : vector<16xf32>
    %get3A_113 = arith.constant 0 : index
    %get3A_114 = tpu.vector_load %arg11[%get3A_113] {strides = array<i32>} : memref<16xf32, #tpu.memory_space<vmem>>, vector<16xf32>,
    %get3A_115 = vector.shape_cast %get3A_114 : vector<16xf32> to vector<16xf32>
    %broadcast_in_dim3A_116 = arith.constant 0 : i32
    %broadcast_in_dim3A_117 = vector.broadcast %broadcast_in_dim3A_116 : i32 to vector<16xi32>
    %broadcast_in_dim3A_118 = vector.shape_cast %broadcast_in_dim3A_117 : vector<16xi32> to vector<16x1xi32>
    %gather3A_119 = vector.shape_cast %broadcast_in_dim3A_118 : vector<16x1xi32> to vector<16xi32>
    %gather3A_120 = tpu.dynamic_gather %get3A_115[%gather3A_119] in [0] : vector<16xf32>, vector<16xi32> -> vector<16xf32>
    %broadcast_in_dim3A_121 = arith.constant 1 : i32
    %broadcast_in_dim3A_122 = vector.broadcast %broadcast_in_dim3A_121 : i32 to vector<16xi32>
    %broadcast_in_dim3A_123 = vector.shape_cast %broadcast_in_dim3A_122 : vector<16xi32> to vector<16x1xi32>
    %gather3A_124 = vector.shape_cast %broadcast_in_dim3A_123 : vector<16x1xi32> to vector<16xi32>
    %gather3A_125 = tpu.dynamic_gather %get3A_115[%gather3A_124] in [0] : vector<16xf32>, vector<16xi32> -> vector<16xf32>
    %broadcast_in_dim3A_126 = arith.constant 2 : i32
    %broadcast_in_dim3A_127 = vector.broadcast %broadcast_in_dim3A_126 : i32 to vector<16xi32>
    %broadcast_in_dim3A_128 = vector.shape_cast %broadcast_in_dim3A_127 : vector<16xi32> to vector<16x1xi32>
    %gather3A_129 = vector.shape_cast %broadcast_in_dim3A_128 : vector<16x1xi32> to vector<16xi32>
    %gather3A_130 = tpu.dynamic_gather %get3A_115[%gather3A_129] in [0] : vector<16xf32>, vector<16xi32> -> vector<16xf32>
    %broadcast_in_dim3A_131 = arith.constant 3 : i32
    %broadcast_in_dim3A_132 = vector.broadcast %broadcast_in_dim3A_131 : i32 to vector<16xi32>
    %broadcast_in_dim3A_133 = vector.shape_cast %broadcast_in_dim3A_132 : vector<16xi32> to vector<16x1xi32>
    %gather3A_134 = vector.shape_cast %broadcast_in_dim3A_133 : vector<16x1xi32> to vector<16xi32>
    %gather3A_135 = tpu.dynamic_gather %get3A_115[%gather3A_134] in [0] : vector<16xf32>, vector<16xi32> -> vector<16xf32>
    %max3A_136 = arith.constant 0.000000e+00 : f32
    %max3A_137 = vector.broadcast %max3A_136 : f32 to vector<16xf32>
    %max3A_138 = arith.maximumf %gather3A_120, %max3A_137 : vector<16xf32>
    %mul3A_139 = arith.mulf %max3A_138, %max3A_112 : vector<16xf32>
    %max3A_140 = arith.constant 0.000000e+00 : f32
    %max3A_141 = vector.broadcast %max3A_140 : f32 to vector<16xf32>
    %max3A_142 = arith.maximumf %gather3A_125, %max3A_141 : vector<16xf32>
    %mul3A_143 = arith.mulf %max3A_142, %max3A_112 : vector<16xf32>
    %scan3A_144 = arith.constant 0 : i32
    %scan3A_145 = arith.constant 0 : i32
    %scan3A_146 = arith.constant 4 : i32
    %scan3A_147 = arith.addi %scan3A_145, %scan3A_146 : i32
    %scan3A_148 = arith.constant 1 : i32
    %scan3A_149 = scf.for %scan3A_162 = %scan3A_145 to %scan3A_147 step %scan3A_148 iter_args(%scan3A_163 = %scan3A_144) -> (i32)  : i32 {
      %mul3A_164 = arith.constant 6400 : i32
      %mul3A_165 = arith.muli %scan3A_162, %mul3A_164 : i32
      %add3A_166 = arith.addi %mul3A_4, %mul3A_165 : i32
      "tpu.region"() ({
        %run_scoped3A_175 = tpu.sem_alloc : memref<!tpu.dma_semaphore, #tpu.memory_space<semaphore_mem>>
        %dma_start3A = tpu.memref_slice %arg2[%add3A_166] : memref<819200xi32, #tpu.memory_space<hbm>> -> memref<6400xi32, #tpu.memory_space<hbm>>
        %dma_start3A_176 = tpu.memref_slice %arg2[%add3A_166] : memref<819200xi32, #tpu.memory_space<hbm>> -> memref<6400xi32, #tpu.memory_space<hbm>>
        tpu.enqueue_dma source(%dma_start3A_176 : memref<6400xi32, #tpu.memory_space<hbm>>) target(%arg14 : memref<6400xi32, #tpu.memory_space<vmem>>) target_semaphore(%run_scoped3A_175 : memref<!tpu.dma_semaphore, #tpu.memory_space<semaphore_mem>>)
        %dma_wait3A = tpu.memref_slice %arg2[%add3A_166] : memref<819200xi32, #tpu.memory_space<hbm>> -> memref<6400xi32, #tpu.memory_space<hbm>>
        %dma_wait3A_177 = tpu.memref_slice %arg2[%add3A_166] : memref<819200xi32, #tpu.memory_space<hbm>> -> memref<6400xi32, #tpu.memory_space<hbm>>
        tpu.wait_dma2 semaphore(%run_scoped3A_175 : memref<!tpu.dma_semaphore, #tpu.memory_space<semaphore_mem>>) src(%dma_wait3A_177 : memref<6400xi32, #tpu.memory_space<hbm>>) dst(%arg14 : memref<6400xi32, #tpu.memory_space<vmem>>)
        tpu.yield
      }) : () -> ()
      "tpu.region"() ({
        %run_scoped3A_175 = tpu.sem_alloc : memref<!tpu.dma_semaphore, #tpu.memory_space<semaphore_mem>>
        %dma_start3A = tpu.memref_slice %arg3[%add3A_166] : memref<819200xi32, #tpu.memory_space<hbm>> -> memref<6400xi32, #tpu.memory_space<hbm>>
        %dma_start3A_176 = tpu.memref_slice %arg3[%add3A_166] : memref<819200xi32, #tpu.memory_space<hbm>> -> memref<6400xi32, #tpu.memory_space<hbm>>
        tpu.enqueue_dma source(%dma_start3A_176 : memref<6400xi32, #tpu.memory_space<hbm>>) target(%arg15 : memref<6400xi32, #tpu.memory_space<vmem>>) target_semaphore(%run_scoped3A_175 : memref<!tpu.dma_semaphore, #tpu.memory_space<semaphore_mem>>)
        %dma_wait3A = tpu.memref_slice %arg3[%add3A_166] : memref<819200xi32, #tpu.memory_space<hbm>> -> memref<6400xi32, #tpu.memory_space<hbm>>
        %dma_wait3A_177 = tpu.memref_slice %arg3[%add3A_166] : memref<819200xi32, #tpu.memory_space<hbm>> -> memref<6400xi32, #tpu.memory_space<hbm>>
        tpu.wait_dma2 semaphore(%run_scoped3A_175 : memref<!tpu.dma_semaphore, #tpu.memory_space<semaphore_mem>>) src(%dma_wait3A_177 : memref<6400xi32, #tpu.memory_space<hbm>>) dst(%arg15 : memref<6400xi32, #tpu.memory_space<vmem>>)
        tpu.yield
      }) : () -> ()
      "tpu.region"() ({
        %run_scoped3A_175 = tpu.sem_alloc : memref<!tpu.dma_semaphore, #tpu.memory_space<semaphore_mem>>
        %dma_start3A = tpu.memref_slice %arg4[%add3A_166] : memref<819200xf32, #tpu.memory_space<hbm>> -> memref<6400xf32, #tpu.memory_space<hbm>>
        %dma_start3A_176 = tpu.memref_slice %arg4[%add3A_166] : memref<819200xf32, #tpu.memory_space<hbm>> -> memref<6400xf32, #tpu.memory_space<hbm>>
        tpu.enqueue_dma source(%dma_start3A_176 : memref<6400xf32, #tpu.memory_space<hbm>>) target(%arg16 : memref<6400xf32, #tpu.memory_space<vmem>>) target_semaphore(%run_scoped3A_175 : memref<!tpu.dma_semaphore, #tpu.memory_space<semaphore_mem>>)
        %dma_wait3A = tpu.memref_slice %arg4[%add3A_166] : memref<819200xf32, #tpu.memory_space<hbm>> -> memref<6400xf32, #tpu.memory_space<hbm>>
        %dma_wait3A_177 = tpu.memref_slice %arg4[%add3A_166] : memref<819200xf32, #tpu.memory_space<hbm>> -> memref<6400xf32, #tpu.memory_space<hbm>>
        tpu.wait_dma2 semaphore(%run_scoped3A_175 : memref<!tpu.dma_semaphore, #tpu.memory_space<semaphore_mem>>) src(%dma_wait3A_177 : memref<6400xf32, #tpu.memory_space<hbm>>) dst(%arg16 : memref<6400xf32, #tpu.memory_space<vmem>>)
        tpu.yield
      }) : () -> ()
      "tpu.region"() ({
        %run_scoped3A_175 = tpu.sem_alloc : memref<!tpu.dma_semaphore, #tpu.memory_space<semaphore_mem>>
        %dma_start3A = arith.constant 0 : i32
        %dma_start3A_176 = tpu.memref_slice %arg23[%dma_start3A] : memref<51200xf32, #tpu.memory_space<vmem_shared>> -> memref<51200xf32, #tpu.memory_space<vmem_shared>>
        tpu.enqueue_indirect_dma source(%dma_start3A_176 : memref<51200xf32, #tpu.memory_space<vmem_shared>>) target(%arg17 : memref<6400xf32, #tpu.memory_space<vmem>>) offsets(%arg14 : memref<6400xi32, #tpu.memory_space<vmem>>) semaphore(%run_scoped3A_175 : memref<!tpu.dma_semaphore, #tpu.memory_space<semaphore_mem>>)
        %dma_wait3A = arith.constant 0 : i32
        %dma_wait3A_177 = tpu.memref_slice %arg23[%dma_wait3A] : memref<51200xf32, #tpu.memory_space<vmem_shared>> -> memref<51200xf32, #tpu.memory_space<vmem_shared>>
        tpu.wait_indirect_dma semaphore(%run_scoped3A_175 : memref<!tpu.dma_semaphore, #tpu.memory_space<semaphore_mem>>) src(%dma_wait3A_177 : memref<51200xf32, #tpu.memory_space<vmem_shared>>) dst(%arg17 : memref<6400xf32, #tpu.memory_space<vmem>>)
        tpu.yield
      }) : () -> ()
      "tpu.region"() ({
        %run_scoped3A_175 = tpu.sem_alloc : memref<!tpu.dma_semaphore, #tpu.memory_space<semaphore_mem>>
        %dma_start3A = arith.constant 0 : i32
        %dma_start3A_176 = tpu.memref_slice %arg23[%dma_start3A] : memref<51200xf32, #tpu.memory_space<vmem_shared>> -> memref<51200xf32, #tpu.memory_space<vmem_shared>>
        tpu.enqueue_indirect_dma source(%dma_start3A_176 : memref<51200xf32, #tpu.memory_space<vmem_shared>>) target(%arg18 : memref<6400xf32, #tpu.memory_space<vmem>>) offsets(%arg15 : memref<6400xi32, #tpu.memory_space<vmem>>) semaphore(%run_scoped3A_175 : memref<!tpu.dma_semaphore, #tpu.memory_space<semaphore_mem>>)
        %dma_wait3A = arith.constant 0 : i32
        %dma_wait3A_177 = tpu.memref_slice %arg23[%dma_wait3A] : memref<51200xf32, #tpu.memory_space<vmem_shared>> -> memref<51200xf32, #tpu.memory_space<vmem_shared>>
        tpu.wait_indirect_dma semaphore(%run_scoped3A_175 : memref<!tpu.dma_semaphore, #tpu.memory_space<semaphore_mem>>) src(%dma_wait3A_177 : memref<51200xf32, #tpu.memory_space<vmem_shared>>) dst(%arg18 : memref<6400xf32, #tpu.memory_space<vmem>>)
        tpu.yield
      }) : () -> ()
      %scan3A_167 = arith.constant 0 : i32
      %scan3A_168 = arith.constant 0 : i32
      %scan3A_169 = arith.constant 400 : i32
      %scan3A_170 = arith.addi %scan3A_168, %scan3A_169 : i32
      %scan3A_171 = arith.constant 1 : i32
      %scan3A_172 = scf.for %scan3A_175 = %scan3A_168 to %scan3A_170 step %scan3A_171 iter_args(%scan3A_176 = %scan3A_167) -> (i32)  : i32 {
        %mul3A_177 = arith.constant 16 : i32
        %mul3A_178 = arith.muli %scan3A_175, %mul3A_177 : i32
        %get3A_179 = arith.index_cast %mul3A_178 : i32 to index
        %get3A_180 = tpu.vector_load %arg17[%get3A_179] {strides = array<i32>} : memref<6400xf32, #tpu.memory_space<vmem>>, vector<16xf32>,
        %get3A_181 = vector.shape_cast %get3A_180 : vector<16xf32> to vector<16xf32>
        %get3A_182 = arith.index_cast %mul3A_178 : i32 to index
        %get3A_183 = tpu.vector_load %arg18[%get3A_182] {strides = array<i32>} : memref<6400xf32, #tpu.memory_space<vmem>>, vector<16xf32>,
        %get3A_184 = vector.shape_cast %get3A_183 : vector<16xf32> to vector<16xf32>
        %get3A_185 = arith.index_cast %mul3A_178 : i32 to index
        %get3A_186 = tpu.vector_load %arg16[%get3A_185] {strides = array<i32>} : memref<6400xf32, #tpu.memory_space<vmem>>, vector<16xf32>,
        %get3A_187 = vector.shape_cast %get3A_186 : vector<16xf32> to vector<16xf32>
        %mul3A_188 = arith.mulf %get3A_184, %gather3A_130 : vector<16xf32>
        %mul3A_189 = arith.mulf %get3A_181, %gather3A_120 : vector<16xf32>
        %add3A_190 = arith.addf %mul3A_189, %mul3A_188 : vector<16xf32>
        %gt3A = arith.constant 0.000000e+00 : f32
        %gt3A_191 = vector.broadcast %gt3A : f32 to vector<16xf32>
        %gt3A_192 = arith.cmpf ogt, %add3A_190, %gt3A_191 : vector<16xf32>
        %mul3A_193 = arith.constant 2.000000e-01 : f32
        %mul3A_194 = vector.broadcast %mul3A_193 : f32 to vector<16xf32>
        %mul3A_195 = arith.mulf %add3A_190, %mul3A_194 : vector<16xf32>
        %select_n3A = arith.select %gt3A_192, %add3A_190, %mul3A_195 : vector<16xi1>, vector<16xf32>
        %add3A_196 = arith.addf %mul3A_188, %mul3A_139 : vector<16xf32>
        %gt3A_197 = arith.constant 0.000000e+00 : f32
        %gt3A_198 = vector.broadcast %gt3A_197 : f32 to vector<16xf32>
        %gt3A_199 = arith.cmpf ogt, %add3A_196, %gt3A_198 : vector<16xf32>
        %mul3A_200 = arith.constant 2.000000e-01 : f32
        %mul3A_201 = vector.broadcast %mul3A_200 : f32 to vector<16xf32>
        %mul3A_202 = arith.mulf %add3A_196, %mul3A_201 : vector<16xf32>
        %select_n3A_203 = arith.select %gt3A_199, %add3A_196, %mul3A_202 : vector<16xi1>, vector<16xf32>
        %sub3A = arith.subf %select_n3A, %select_n3A_203 : vector<16xf32>
        %exp3A = math.exp %sub3A : vector<16xf32>
        %mul3A_204 = arith.mulf %exp3A, %get3A_187 : vector<16xf32>
        %mul3A_205 = arith.mulf %get3A_184, %gather3A_135 : vector<16xf32>
        %mul3A_206 = arith.mulf %get3A_181, %gather3A_125 : vector<16xf32>
        %add3A_207 = arith.addf %mul3A_206, %mul3A_205 : vector<16xf32>
        %gt3A_208 = arith.constant 0.000000e+00 : f32
        %gt3A_209 = vector.broadcast %gt3A_208 : f32 to vector<16xf32>
        %gt3A_210 = arith.cmpf ogt, %add3A_207, %gt3A_209 : vector<16xf32>
        %mul3A_211 = arith.constant 2.000000e-01 : f32
        %mul3A_212 = vector.broadcast %mul3A_211 : f32 to vector<16xf32>
        %mul3A_213 = arith.mulf %add3A_207, %mul3A_212 : vector<16xf32>
        %select_n3A_214 = arith.select %gt3A_210, %add3A_207, %mul3A_213 : vector<16xi1>, vector<16xf32>
        %add3A_215 = arith.addf %mul3A_205, %mul3A_143 : vector<16xf32>
        %gt3A_216 = arith.constant 0.000000e+00 : f32
        %gt3A_217 = vector.broadcast %gt3A_216 : f32 to vector<16xf32>
        %gt3A_218 = arith.cmpf ogt, %add3A_215, %gt3A_217 : vector<16xf32>
        %mul3A_219 = arith.constant 2.000000e-01 : f32
        %mul3A_220 = vector.broadcast %mul3A_219 : f32 to vector<16xf32>
        %mul3A_221 = arith.mulf %add3A_215, %mul3A_220 : vector<16xf32>
        %select_n3A_222 = arith.select %gt3A_218, %add3A_215, %mul3A_221 : vector<16xi1>, vector<16xf32>
        %sub3A_223 = arith.subf %select_n3A_214, %select_n3A_222 : vector<16xf32>
        %exp3A_224 = math.exp %sub3A_223 : vector<16xf32>
        %mul3A_225 = arith.mulf %exp3A_224, %get3A_187 : vector<16xf32>
        %swap3A_226 = arith.index_cast %mul3A_178 : i32 to index
        %swap3A_227 = tpu.vector_load %arg19[%swap3A_226] {strides = array<i32>} : memref<6400xf32, #tpu.memory_space<vmem>>, vector<16xf32>,
        %swap3A_228 = vector.shape_cast %swap3A_227 : vector<16xf32> to vector<16xf32>
        %swap3A_229 = vector.shape_cast %mul3A_204 : vector<16xf32> to vector<16xf32>
        tpu.vector_store %arg19[%swap3A_226], %swap3A_229 {strides = array<i32>} : memref<6400xf32, #tpu.memory_space<vmem>>, vector<16xf32>,
        %swap3A_230 = arith.index_cast %mul3A_178 : i32 to index
        %swap3A_231 = tpu.vector_load %arg20[%swap3A_230] {strides = array<i32>} : memref<6400xf32, #tpu.memory_space<vmem>>, vector<16xf32>,
        %swap3A_232 = vector.shape_cast %swap3A_231 : vector<16xf32> to vector<16xf32>
        %swap3A_233 = vector.shape_cast %mul3A_225 : vector<16xf32> to vector<16xf32>
        tpu.vector_store %arg20[%swap3A_230], %swap3A_233 {strides = array<i32>} : memref<6400xf32, #tpu.memory_space<vmem>>, vector<16xf32>,
        %mul3A_234 = arith.mulf %mul3A_204, %get3A_181 : vector<16xf32>
        %swap3A_235 = arith.index_cast %mul3A_178 : i32 to index
        %swap3A_236 = tpu.vector_load %arg21[%swap3A_235] {strides = array<i32>} : memref<6400xf32, #tpu.memory_space<vmem>>, vector<16xf32>,
        %swap3A_237 = vector.shape_cast %swap3A_236 : vector<16xf32> to vector<16xf32>
        %swap3A_238 = vector.shape_cast %mul3A_234 : vector<16xf32> to vector<16xf32>
        tpu.vector_store %arg21[%swap3A_235], %swap3A_238 {strides = array<i32>} : memref<6400xf32, #tpu.memory_space<vmem>>, vector<16xf32>,
        %mul3A_239 = arith.mulf %mul3A_225, %get3A_181 : vector<16xf32>
        %swap3A_240 = arith.index_cast %mul3A_178 : i32 to index
        %swap3A_241 = tpu.vector_load %arg22[%swap3A_240] {strides = array<i32>} : memref<6400xf32, #tpu.memory_space<vmem>>, vector<16xf32>,
        %swap3A_242 = vector.shape_cast %swap3A_241 : vector<16xf32> to vector<16xf32>
        %swap3A_243 = vector.shape_cast %mul3A_239 : vector<16xf32> to vector<16xf32>
        tpu.vector_store %arg22[%swap3A_240], %swap3A_243 {strides = array<i32>} : memref<6400xf32, #tpu.memory_space<vmem>>, vector<16xf32>,
        %scan3A_244 = arith.constant 0 : i32
        scf.yield %scan3A_244 : i32
      }
      %scan3A_173 = arith.constant 400 : i32
      "tpu.region"() ({
        %run_scoped3A_175 = tpu.sem_alloc : memref<!tpu.dma_semaphore, #tpu.memory_space<semaphore_mem>>
        %dma_start3A = arith.constant 0 : i32
        %dma_start3A_176 = tpu.memref_slice %arg24[%dma_start3A] : memref<51200xf32, #tpu.memory_space<vmem_shared>> -> memref<51200xf32, #tpu.memory_space<vmem_shared>>
        tpu.enqueue_indirect_dma source(%arg19 : memref<6400xf32, #tpu.memory_space<vmem>>) target(%dma_start3A_176 : memref<51200xf32, #tpu.memory_space<vmem_shared>>) offsets(%arg15 : memref<6400xi32, #tpu.memory_space<vmem>>) semaphore(%run_scoped3A_175 : memref<!tpu.dma_semaphore, #tpu.memory_space<semaphore_mem>>) {add = true}
        %dma_wait3A = arith.constant 0 : i32
        %dma_wait3A_177 = tpu.memref_slice %arg24[%dma_wait3A] : memref<51200xf32, #tpu.memory_space<vmem_shared>> -> memref<51200xf32, #tpu.memory_space<vmem_shared>>
        tpu.wait_indirect_dma semaphore(%run_scoped3A_175 : memref<!tpu.dma_semaphore, #tpu.memory_space<semaphore_mem>>) src(%arg19 : memref<6400xf32, #tpu.memory_space<vmem>>) dst(%dma_wait3A_177 : memref<51200xf32, #tpu.memory_space<vmem_shared>>)
        tpu.yield
      }) : () -> ()
      "tpu.region"() ({
        %run_scoped3A_175 = tpu.sem_alloc : memref<!tpu.dma_semaphore, #tpu.memory_space<semaphore_mem>>
        %dma_start3A = arith.constant 0 : i32
        %dma_start3A_176 = tpu.memref_slice %arg25[%dma_start3A] : memref<51200xf32, #tpu.memory_space<vmem_shared>> -> memref<51200xf32, #tpu.memory_space<vmem_shared>>
        tpu.enqueue_indirect_dma source(%arg20 : memref<6400xf32, #tpu.memory_space<vmem>>) target(%dma_start3A_176 : memref<51200xf32, #tpu.memory_space<vmem_shared>>) offsets(%arg15 : memref<6400xi32, #tpu.memory_space<vmem>>) semaphore(%run_scoped3A_175 : memref<!tpu.dma_semaphore, #tpu.memory_space<semaphore_mem>>) {add = true}
        %dma_wait3A = arith.constant 0 : i32
        %dma_wait3A_177 = tpu.memref_slice %arg25[%dma_wait3A] : memref<51200xf32, #tpu.memory_space<vmem_shared>> -> memref<51200xf32, #tpu.memory_space<vmem_shared>>
        tpu.wait_indirect_dma semaphore(%run_scoped3A_175 : memref<!tpu.dma_semaphore, #tpu.memory_space<semaphore_mem>>) src(%arg20 : memref<6400xf32, #tpu.memory_space<vmem>>) dst(%dma_wait3A_177 : memref<51200xf32, #tpu.memory_space<vmem_shared>>)
        tpu.yield
      }) : () -> ()
      "tpu.region"() ({
        %run_scoped3A_175 = tpu.sem_alloc : memref<!tpu.dma_semaphore, #tpu.memory_space<semaphore_mem>>
        %dma_start3A = arith.constant 0 : i32
        %dma_start3A_176 = tpu.memref_slice %arg26[%dma_start3A] : memref<51200xf32, #tpu.memory_space<vmem_shared>> -> memref<51200xf32, #tpu.memory_space<vmem_shared>>
        tpu.enqueue_indirect_dma source(%arg21 : memref<6400xf32, #tpu.memory_space<vmem>>) target(%dma_start3A_176 : memref<51200xf32, #tpu.memory_space<vmem_shared>>) offsets(%arg15 : memref<6400xi32, #tpu.memory_space<vmem>>) semaphore(%run_scoped3A_175 : memref<!tpu.dma_semaphore, #tpu.memory_space<semaphore_mem>>) {add = true}
        %dma_wait3A = arith.constant 0 : i32
        %dma_wait3A_177 = tpu.memref_slice %arg26[%dma_wait3A] : memref<51200xf32, #tpu.memory_space<vmem_shared>> -> memref<51200xf32, #tpu.memory_space<vmem_shared>>
        tpu.wait_indirect_dma semaphore(%run_scoped3A_175 : memref<!tpu.dma_semaphore, #tpu.memory_space<semaphore_mem>>) src(%arg21 : memref<6400xf32, #tpu.memory_space<vmem>>) dst(%dma_wait3A_177 : memref<51200xf32, #tpu.memory_space<vmem_shared>>)
        tpu.yield
      }) : () -> ()
      "tpu.region"() ({
        %run_scoped3A_175 = tpu.sem_alloc : memref<!tpu.dma_semaphore, #tpu.memory_space<semaphore_mem>>
        %dma_start3A = arith.constant 0 : i32
        %dma_start3A_176 = tpu.memref_slice %arg27[%dma_start3A] : memref<51200xf32, #tpu.memory_space<vmem_shared>> -> memref<51200xf32, #tpu.memory_space<vmem_shared>>
        tpu.enqueue_indirect_dma source(%arg22 : memref<6400xf32, #tpu.memory_space<vmem>>) target(%dma_start3A_176 : memref<51200xf32, #tpu.memory_space<vmem_shared>>) offsets(%arg15 : memref<6400xi32, #tpu.memory_space<vmem>>) semaphore(%run_scoped3A_175 : memref<!tpu.dma_semaphore, #tpu.memory_space<semaphore_mem>>) {add = true}
        %dma_wait3A = arith.constant 0 : i32
        %dma_wait3A_177 = tpu.memref_slice %arg27[%dma_wait3A] : memref<51200xf32, #tpu.memory_space<vmem_shared>> -> memref<51200xf32, #tpu.memory_space<vmem_shared>>
        tpu.wait_indirect_dma semaphore(%run_scoped3A_175 : memref<!tpu.dma_semaphore, #tpu.memory_space<semaphore_mem>>) src(%arg22 : memref<6400xf32, #tpu.memory_space<vmem>>) dst(%dma_wait3A_177 : memref<51200xf32, #tpu.memory_space<vmem_shared>>)
        tpu.yield
      }) : () -> ()
      %scan3A_174 = arith.constant 0 : i32
      scf.yield %scan3A_174 : i32
    }
    %scan3A_150 = arith.constant 4 : i32
    %barrier3A_151 = arith.constant 0 : index
    tpu.barrier barrier_id(%barrier3A_151)
    "tpu.region"() ({
      %run_scoped3A_162 = tpu.sem_alloc : memref<!tpu.dma_semaphore, #tpu.memory_space<semaphore_mem>>
      %dma_start3A = tpu.memref_slice %arg24[%mul3A_2] : memref<51200xf32, #tpu.memory_space<vmem_shared>> -> memref<3200xf32, #tpu.memory_space<vmem_shared>>
      %dma_start3A_163 = tpu.memref_slice %arg24[%mul3A_2] : memref<51200xf32, #tpu.memory_space<vmem_shared>> -> memref<3200xf32, #tpu.memory_space<vmem_shared>>
      tpu.enqueue_dma source(%dma_start3A_163 : memref<3200xf32, #tpu.memory_space<vmem_shared>>) target(%arg9 : memref<3200xf32, #tpu.memory_space<vmem>>) target_semaphore(%run_scoped3A_162 : memref<!tpu.dma_semaphore, #tpu.memory_space<semaphore_mem>>)
      %dma_wait3A = tpu.memref_slice %arg24[%mul3A_2] : memref<51200xf32, #tpu.memory_space<vmem_shared>> -> memref<3200xf32, #tpu.memory_space<vmem_shared>>
      %dma_wait3A_164 = tpu.memref_slice %arg24[%mul3A_2] : memref<51200xf32, #tpu.memory_space<vmem_shared>> -> memref<3200xf32, #tpu.memory_space<vmem_shared>>
      tpu.wait_dma2 semaphore(%run_scoped3A_162 : memref<!tpu.dma_semaphore, #tpu.memory_space<semaphore_mem>>) src(%dma_wait3A_164 : memref<3200xf32, #tpu.memory_space<vmem_shared>>) dst(%arg9 : memref<3200xf32, #tpu.memory_space<vmem>>)
      tpu.yield
    }) : () -> ()
    %run_scoped3A_152 = arith.constant 0 : i32
    %run_scoped3A_153 = arith.constant 0 : i32
    "tpu.region"() ({
      %run_scoped3A_162 = tpu.sem_alloc : memref<!tpu.dma_semaphore, #tpu.memory_space<semaphore_mem>>
      %dma_start3A = tpu.memref_slice %arg7[%arg0, %run_scoped3A_152, %run_scoped3A_153, %mul3A_2] : memref<2x4x1x51200xf32, #tpu.memory_space<hbm>> -> memref<1x1x1x3200xf32, #tpu.memory_space<hbm>>
      %dma_start3A_163 = tpu.memref_squeeze %dma_start3A : memref<1x1x1x3200xf32, #tpu.memory_space<hbm>> -> memref<3200xf32, #tpu.memory_space<hbm>>
      %dma_start3A_164 = tpu.memref_slice %arg7[%arg0, %run_scoped3A_152, %run_scoped3A_153, %mul3A_2] : memref<2x4x1x51200xf32, #tpu.memory_space<hbm>> -> memref<1x1x1x3200xf32, #tpu.memory_space<hbm>>
      %dma_start3A_165 = tpu.memref_squeeze %dma_start3A_164 : memref<1x1x1x3200xf32, #tpu.memory_space<hbm>> -> memref<3200xf32, #tpu.memory_space<hbm>>
      tpu.enqueue_dma source(%arg9 : memref<3200xf32, #tpu.memory_space<vmem>>) target(%dma_start3A_165 : memref<3200xf32, #tpu.memory_space<hbm>>) target_semaphore(%run_scoped3A_162 : memref<!tpu.dma_semaphore, #tpu.memory_space<semaphore_mem>>)
      %dma_wait3A = tpu.memref_slice %arg7[%arg0, %run_scoped3A_152, %run_scoped3A_153, %mul3A_2] : memref<2x4x1x51200xf32, #tpu.memory_space<hbm>> -> memref<1x1x1x3200xf32, #tpu.memory_space<hbm>>
      %dma_wait3A_166 = tpu.memref_squeeze %dma_wait3A : memref<1x1x1x3200xf32, #tpu.memory_space<hbm>> -> memref<3200xf32, #tpu.memory_space<hbm>>
      %dma_wait3A_167 = tpu.memref_slice %arg7[%arg0, %run_scoped3A_152, %run_scoped3A_153, %mul3A_2] : memref<2x4x1x51200xf32, #tpu.memory_space<hbm>> -> memref<1x1x1x3200xf32, #tpu.memory_space<hbm>>
      %dma_wait3A_168 = tpu.memref_squeeze %dma_wait3A_167 : memref<1x1x1x3200xf32, #tpu.memory_space<hbm>> -> memref<3200xf32, #tpu.memory_space<hbm>>
      tpu.wait_dma2 semaphore(%run_scoped3A_162 : memref<!tpu.dma_semaphore, #tpu.memory_space<semaphore_mem>>) src(%arg9 : memref<3200xf32, #tpu.memory_space<vmem>>) dst(%dma_wait3A_168 : memref<3200xf32, #tpu.memory_space<hbm>>)
      tpu.yield
    }) : () -> ()
    "tpu.region"() ({
      %run_scoped3A_162 = tpu.sem_alloc : memref<!tpu.dma_semaphore, #tpu.memory_space<semaphore_mem>>
      %dma_start3A = tpu.memref_slice %arg25[%mul3A_2] : memref<51200xf32, #tpu.memory_space<vmem_shared>> -> memref<3200xf32, #tpu.memory_space<vmem_shared>>
      %dma_start3A_163 = tpu.memref_slice %arg25[%mul3A_2] : memref<51200xf32, #tpu.memory_space<vmem_shared>> -> memref<3200xf32, #tpu.memory_space<vmem_shared>>
      tpu.enqueue_dma source(%dma_start3A_163 : memref<3200xf32, #tpu.memory_space<vmem_shared>>) target(%arg9 : memref<3200xf32, #tpu.memory_space<vmem>>) target_semaphore(%run_scoped3A_162 : memref<!tpu.dma_semaphore, #tpu.memory_space<semaphore_mem>>)
      %dma_wait3A = tpu.memref_slice %arg25[%mul3A_2] : memref<51200xf32, #tpu.memory_space<vmem_shared>> -> memref<3200xf32, #tpu.memory_space<vmem_shared>>
      %dma_wait3A_164 = tpu.memref_slice %arg25[%mul3A_2] : memref<51200xf32, #tpu.memory_space<vmem_shared>> -> memref<3200xf32, #tpu.memory_space<vmem_shared>>
      tpu.wait_dma2 semaphore(%run_scoped3A_162 : memref<!tpu.dma_semaphore, #tpu.memory_space<semaphore_mem>>) src(%dma_wait3A_164 : memref<3200xf32, #tpu.memory_space<vmem_shared>>) dst(%arg9 : memref<3200xf32, #tpu.memory_space<vmem>>)
      tpu.yield
    }) : () -> ()
    %run_scoped3A_154 = arith.constant 1 : i32
    %run_scoped3A_155 = arith.constant 0 : i32
    "tpu.region"() ({
      %run_scoped3A_162 = tpu.sem_alloc : memref<!tpu.dma_semaphore, #tpu.memory_space<semaphore_mem>>
      %dma_start3A = tpu.memref_slice %arg7[%arg0, %run_scoped3A_154, %run_scoped3A_155, %mul3A_2] : memref<2x4x1x51200xf32, #tpu.memory_space<hbm>> -> memref<1x1x1x3200xf32, #tpu.memory_space<hbm>>
      %dma_start3A_163 = tpu.memref_squeeze %dma_start3A : memref<1x1x1x3200xf32, #tpu.memory_space<hbm>> -> memref<3200xf32, #tpu.memory_space<hbm>>
      %dma_start3A_164 = tpu.memref_slice %arg7[%arg0, %run_scoped3A_154, %run_scoped3A_155, %mul3A_2] : memref<2x4x1x51200xf32, #tpu.memory_space<hbm>> -> memref<1x1x1x3200xf32, #tpu.memory_space<hbm>>
      %dma_start3A_165 = tpu.memref_squeeze %dma_start3A_164 : memref<1x1x1x3200xf32, #tpu.memory_space<hbm>> -> memref<3200xf32, #tpu.memory_space<hbm>>
      tpu.enqueue_dma source(%arg9 : memref<3200xf32, #tpu.memory_space<vmem>>) target(%dma_start3A_165 : memref<3200xf32, #tpu.memory_space<hbm>>) target_semaphore(%run_scoped3A_162 : memref<!tpu.dma_semaphore, #tpu.memory_space<semaphore_mem>>)
      %dma_wait3A = tpu.memref_slice %arg7[%arg0, %run_scoped3A_154, %run_scoped3A_155, %mul3A_2] : memref<2x4x1x51200xf32, #tpu.memory_space<hbm>> -> memref<1x1x1x3200xf32, #tpu.memory_space<hbm>>
      %dma_wait3A_166 = tpu.memref_squeeze %dma_wait3A : memref<1x1x1x3200xf32, #tpu.memory_space<hbm>> -> memref<3200xf32, #tpu.memory_space<hbm>>
      %dma_wait3A_167 = tpu.memref_slice %arg7[%arg0, %run_scoped3A_154, %run_scoped3A_155, %mul3A_2] : memref<2x4x1x51200xf32, #tpu.memory_space<hbm>> -> memref<1x1x1x3200xf32, #tpu.memory_space<hbm>>
      %dma_wait3A_168 = tpu.memref_squeeze %dma_wait3A_167 : memref<1x1x1x3200xf32, #tpu.memory_space<hbm>> -> memref<3200xf32, #tpu.memory_space<hbm>>
      tpu.wait_dma2 semaphore(%run_scoped3A_162 : memref<!tpu.dma_semaphore, #tpu.memory_space<semaphore_mem>>) src(%arg9 : memref<3200xf32, #tpu.memory_space<vmem>>) dst(%dma_wait3A_168 : memref<3200xf32, #tpu.memory_space<hbm>>)
      tpu.yield
    }) : () -> ()
    "tpu.region"() ({
      %run_scoped3A_162 = tpu.sem_alloc : memref<!tpu.dma_semaphore, #tpu.memory_space<semaphore_mem>>
      %dma_start3A = tpu.memref_slice %arg26[%mul3A_2] : memref<51200xf32, #tpu.memory_space<vmem_shared>> -> memref<3200xf32, #tpu.memory_space<vmem_shared>>
      %dma_start3A_163 = tpu.memref_slice %arg26[%mul3A_2] : memref<51200xf32, #tpu.memory_space<vmem_shared>> -> memref<3200xf32, #tpu.memory_space<vmem_shared>>
      tpu.enqueue_dma source(%dma_start3A_163 : memref<3200xf32, #tpu.memory_space<vmem_shared>>) target(%arg9 : memref<3200xf32, #tpu.memory_space<vmem>>) target_semaphore(%run_scoped3A_162 : memref<!tpu.dma_semaphore, #tpu.memory_space<semaphore_mem>>)
      %dma_wait3A = tpu.memref_slice %arg26[%mul3A_2] : memref<51200xf32, #tpu.memory_space<vmem_shared>> -> memref<3200xf32, #tpu.memory_space<vmem_shared>>
      %dma_wait3A_164 = tpu.memref_slice %arg26[%mul3A_2] : memref<51200xf32, #tpu.memory_space<vmem_shared>> -> memref<3200xf32, #tpu.memory_space<vmem_shared>>
      tpu.wait_dma2 semaphore(%run_scoped3A_162 : memref<!tpu.dma_semaphore, #tpu.memory_space<semaphore_mem>>) src(%dma_wait3A_164 : memref<3200xf32, #tpu.memory_space<vmem_shared>>) dst(%arg9 : memref<3200xf32, #tpu.memory_space<vmem>>)
      tpu.yield
    }) : () -> ()
    %run_scoped3A_156 = arith.constant 2 : i32
    %run_scoped3A_157 = arith.constant 0 : i32
    "tpu.region"() ({
      %run_scoped3A_162 = tpu.sem_alloc : memref<!tpu.dma_semaphore, #tpu.memory_space<semaphore_mem>>
      %dma_start3A = tpu.memref_slice %arg7[%arg0, %run_scoped3A_156, %run_scoped3A_157, %mul3A_2] : memref<2x4x1x51200xf32, #tpu.memory_space<hbm>> -> memref<1x1x1x3200xf32, #tpu.memory_space<hbm>>
      %dma_start3A_163 = tpu.memref_squeeze %dma_start3A : memref<1x1x1x3200xf32, #tpu.memory_space<hbm>> -> memref<3200xf32, #tpu.memory_space<hbm>>
      %dma_start3A_164 = tpu.memref_slice %arg7[%arg0, %run_scoped3A_156, %run_scoped3A_157, %mul3A_2] : memref<2x4x1x51200xf32, #tpu.memory_space<hbm>> -> memref<1x1x1x3200xf32, #tpu.memory_space<hbm>>
      %dma_start3A_165 = tpu.memref_squeeze %dma_start3A_164 : memref<1x1x1x3200xf32, #tpu.memory_space<hbm>> -> memref<3200xf32, #tpu.memory_space<hbm>>
      tpu.enqueue_dma source(%arg9 : memref<3200xf32, #tpu.memory_space<vmem>>) target(%dma_start3A_165 : memref<3200xf32, #tpu.memory_space<hbm>>) target_semaphore(%run_scoped3A_162 : memref<!tpu.dma_semaphore, #tpu.memory_space<semaphore_mem>>)
      %dma_wait3A = tpu.memref_slice %arg7[%arg0, %run_scoped3A_156, %run_scoped3A_157, %mul3A_2] : memref<2x4x1x51200xf32, #tpu.memory_space<hbm>> -> memref<1x1x1x3200xf32, #tpu.memory_space<hbm>>
      %dma_wait3A_166 = tpu.memref_squeeze %dma_wait3A : memref<1x1x1x3200xf32, #tpu.memory_space<hbm>> -> memref<3200xf32, #tpu.memory_space<hbm>>
      %dma_wait3A_167 = tpu.memref_slice %arg7[%arg0, %run_scoped3A_156, %run_scoped3A_157, %mul3A_2] : memref<2x4x1x51200xf32, #tpu.memory_space<hbm>> -> memref<1x1x1x3200xf32, #tpu.memory_space<hbm>>
      %dma_wait3A_168 = tpu.memref_squeeze %dma_wait3A_167 : memref<1x1x1x3200xf32, #tpu.memory_space<hbm>> -> memref<3200xf32, #tpu.memory_space<hbm>>
      tpu.wait_dma2 semaphore(%run_scoped3A_162 : memref<!tpu.dma_semaphore, #tpu.memory_space<semaphore_mem>>) src(%arg9 : memref<3200xf32, #tpu.memory_space<vmem>>) dst(%dma_wait3A_168 : memref<3200xf32, #tpu.memory_space<hbm>>)
      tpu.yield
    }) : () -> ()
    "tpu.region"() ({
      %run_scoped3A_162 = tpu.sem_alloc : memref<!tpu.dma_semaphore, #tpu.memory_space<semaphore_mem>>
      %dma_start3A = tpu.memref_slice %arg27[%mul3A_2] : memref<51200xf32, #tpu.memory_space<vmem_shared>> -> memref<3200xf32, #tpu.memory_space<vmem_shared>>
      %dma_start3A_163 = tpu.memref_slice %arg27[%mul3A_2] : memref<51200xf32, #tpu.memory_space<vmem_shared>> -> memref<3200xf32, #tpu.memory_space<vmem_shared>>
      tpu.enqueue_dma source(%dma_start3A_163 : memref<3200xf32, #tpu.memory_space<vmem_shared>>) target(%arg9 : memref<3200xf32, #tpu.memory_space<vmem>>) target_semaphore(%run_scoped3A_162 : memref<!tpu.dma_semaphore, #tpu.memory_space<semaphore_mem>>)
      %dma_wait3A = tpu.memref_slice %arg27[%mul3A_2] : memref<51200xf32, #tpu.memory_space<vmem_shared>> -> memref<3200xf32, #tpu.memory_space<vmem_shared>>
      %dma_wait3A_164 = tpu.memref_slice %arg27[%mul3A_2] : memref<51200xf32, #tpu.memory_space<vmem_shared>> -> memref<3200xf32, #tpu.memory_space<vmem_shared>>
      tpu.wait_dma2 semaphore(%run_scoped3A_162 : memref<!tpu.dma_semaphore, #tpu.memory_space<semaphore_mem>>) src(%dma_wait3A_164 : memref<3200xf32, #tpu.memory_space<vmem_shared>>) dst(%arg9 : memref<3200xf32, #tpu.memory_space<vmem>>)
      tpu.yield
    }) : () -> ()
    %run_scoped3A_158 = arith.constant 3 : i32
    %run_scoped3A_159 = arith.constant 0 : i32
    "tpu.region"() ({
      %run_scoped3A_162 = tpu.sem_alloc : memref<!tpu.dma_semaphore, #tpu.memory_space<semaphore_mem>>
      %dma_start3A = tpu.memref_slice %arg7[%arg0, %run_scoped3A_158, %run_scoped3A_159, %mul3A_2] : memref<2x4x1x51200xf32, #tpu.memory_space<hbm>> -> memref<1x1x1x3200xf32, #tpu.memory_space<hbm>>
      %dma_start3A_163 = tpu.memref_squeeze %dma_start3A : memref<1x1x1x3200xf32, #tpu.memory_space<hbm>> -> memref<3200xf32, #tpu.memory_space<hbm>>
      %dma_start3A_164 = tpu.memref_slice %arg7[%arg0, %run_scoped3A_158, %run_scoped3A_159, %mul3A_2] : memref<2x4x1x51200xf32, #tpu.memory_space<hbm>> -> memref<1x1x1x3200xf32, #tpu.memory_space<hbm>>
      %dma_start3A_165 = tpu.memref_squeeze %dma_start3A_164 : memref<1x1x1x3200xf32, #tpu.memory_space<hbm>> -> memref<3200xf32, #tpu.memory_space<hbm>>
      tpu.enqueue_dma source(%arg9 : memref<3200xf32, #tpu.memory_space<vmem>>) target(%dma_start3A_165 : memref<3200xf32, #tpu.memory_space<hbm>>) target_semaphore(%run_scoped3A_162 : memref<!tpu.dma_semaphore, #tpu.memory_space<semaphore_mem>>)
      %dma_wait3A = tpu.memref_slice %arg7[%arg0, %run_scoped3A_158, %run_scoped3A_159, %mul3A_2] : memref<2x4x1x51200xf32, #tpu.memory_space<hbm>> -> memref<1x1x1x3200xf32, #tpu.memory_space<hbm>>
      %dma_wait3A_166 = tpu.memref_squeeze %dma_wait3A : memref<1x1x1x3200xf32, #tpu.memory_space<hbm>> -> memref<3200xf32, #tpu.memory_space<hbm>>
      %dma_wait3A_167 = tpu.memref_slice %arg7[%arg0, %run_scoped3A_158, %run_scoped3A_159, %mul3A_2] : memref<2x4x1x51200xf32, #tpu.memory_space<hbm>> -> memref<1x1x1x3200xf32, #tpu.memory_space<hbm>>
      %dma_wait3A_168 = tpu.memref_squeeze %dma_wait3A_167 : memref<1x1x1x3200xf32, #tpu.memory_space<hbm>> -> memref<3200xf32, #tpu.memory_space<hbm>>
      tpu.wait_dma2 semaphore(%run_scoped3A_162 : memref<!tpu.dma_semaphore, #tpu.memory_space<semaphore_mem>>) src(%arg9 : memref<3200xf32, #tpu.memory_space<vmem>>) dst(%dma_wait3A_168 : memref<3200xf32, #tpu.memory_space<hbm>>)
      tpu.yield
    }) : () -> ()
    %eq3A = arith.constant 0 : i32
    %eq3A_160 = arith.cmpi eq, %arg1, %eq3A : i32
    %convert_element_type3A = arith.extui %eq3A_160 : i1 to i32
    %cond3A = arith.constant 0 : i32
    %cond3A_161 = arith.cmpi ne, %convert_element_type3A, %cond3A : i32
    scf.if %cond3A_161 {
      %swap3A_162 = arith.constant 0 : index
      %swap3A_163 = tpu.vector_load %arg12[%swap3A_162] {strides = array<i32>} : memref<16xf32, #tpu.memory_space<vmem>>, vector<16xf32>,
      %swap3A_164 = vector.shape_cast %swap3A_163 : vector<16xf32> to vector<16xf32>
      %swap3A_165 = vector.shape_cast %max3A_112 : vector<16xf32> to vector<16xf32>
      tpu.vector_store %arg12[%swap3A_162], %swap3A_165 {strides = array<i32>} : memref<16xf32, #tpu.memory_space<vmem>>, vector<16xf32>,
      %run_scoped3A_166 = arith.constant 0 : i32
      "tpu.region"() ({
        %run_scoped3A_167 = tpu.sem_alloc : memref<!tpu.dma_semaphore, #tpu.memory_space<semaphore_mem>>
        %dma_start3A = arith.constant 0 : i32
        %dma_start3A_168 = tpu.memref_slice %arg8[%arg0, %run_scoped3A_166, %dma_start3A] : memref<2x1x16xf32, #tpu.memory_space<hbm>> -> memref<1x1x16xf32, #tpu.memory_space<hbm>>
        %dma_start3A_169 = tpu.memref_squeeze %dma_start3A_168 : memref<1x1x16xf32, #tpu.memory_space<hbm>> -> memref<16xf32, #tpu.memory_space<hbm>>
        %dma_start3A_170 = arith.constant 0 : i32
        %dma_start3A_171 = tpu.memref_slice %arg8[%arg0, %run_scoped3A_166, %dma_start3A_170] : memref<2x1x16xf32, #tpu.memory_space<hbm>> -> memref<1x1x16xf32, #tpu.memory_space<hbm>>
        %dma_start3A_172 = tpu.memref_squeeze %dma_start3A_171 : memref<1x1x16xf32, #tpu.memory_space<hbm>> -> memref<16xf32, #tpu.memory_space<hbm>>
        tpu.enqueue_dma source(%arg12 : memref<16xf32, #tpu.memory_space<vmem>>) target(%dma_start3A_172 : memref<16xf32, #tpu.memory_space<hbm>>) target_semaphore(%run_scoped3A_167 : memref<!tpu.dma_semaphore, #tpu.memory_space<semaphore_mem>>)
        %dma_wait3A = arith.constant 0 : i32
        %dma_wait3A_173 = tpu.memref_slice %arg8[%arg0, %run_scoped3A_166, %dma_wait3A] : memref<2x1x16xf32, #tpu.memory_space<hbm>> -> memref<1x1x16xf32, #tpu.memory_space<hbm>>
        %dma_wait3A_174 = tpu.memref_squeeze %dma_wait3A_173 : memref<1x1x16xf32, #tpu.memory_space<hbm>> -> memref<16xf32, #tpu.memory_space<hbm>>
        %dma_wait3A_175 = arith.constant 0 : i32
        %dma_wait3A_176 = tpu.memref_slice %arg8[%arg0, %run_scoped3A_166, %dma_wait3A_175] : memref<2x1x16xf32, #tpu.memory_space<hbm>> -> memref<1x1x16xf32, #tpu.memory_space<hbm>>
        %dma_wait3A_177 = tpu.memref_squeeze %dma_wait3A_176 : memref<1x1x16xf32, #tpu.memory_space<hbm>> -> memref<16xf32, #tpu.memory_space<hbm>>
        tpu.wait_dma2 semaphore(%run_scoped3A_167 : memref<!tpu.dma_semaphore, #tpu.memory_space<semaphore_mem>>) src(%arg12 : memref<16xf32, #tpu.memory_space<vmem>>) dst(%dma_wait3A_177 : memref<16xf32, #tpu.memory_space<hbm>>)
        tpu.yield
      }) : () -> ()
    } else {
    }
    return
  }
}

#map = affine_map<(d0, d1) -> (0)>
#map1 = affine_map<(d0, d1) -> (0, 0, 0)>
module attributes {stable_mosaic.version = 14 : i64} {
  func.func @k(%arg0: i32, %arg1: i32, %arg2: memref<819200xi32, #tpu.memory_space<hbm>>, %arg3: memref<819200xi32, #tpu.memory_space<hbm>>, %arg4: memref<819200xf32, #tpu.memory_space<hbm>>, %arg5: memref<2x1x51200xf32, #tpu.memory_space<hbm>>, %arg6: memref<3200xf32, #tpu.memory_space<vmem>>, %arg7: memref<6400xi32, #tpu.memory_space<vmem>>, %arg8: memref<6400xf32, #tpu.memory_space<vmem>>, %arg9: memref<51200xf32, #tpu.memory_space<vmem_shared>>) attributes {dimension_semantics = [#tpu.dimension_semantics<core_parallel>, #tpu.dimension_semantics<subcore_parallel>], iteration_bounds = array<i64: 2, 16>, scalar_prefetch = 0 : i64, scratch_operands = 4 : i64, tpu.core_type = #tpu.core_type<sc_vector_subcore>, window_params = [{transform_indices = #map}, {transform_indices = #map}, {transform_indices = #map}, {transform_indices = #map1}]} {
    %mul3A = arith.constant 16 : i32
    %mul3A_0 = arith.muli %arg0, %mul3A : i32
    %add3A = arith.addi %mul3A_0, %arg1 : i32
    %mul3A_1 = arith.constant 3200 : i32
    %mul3A_2 = arith.muli %arg1, %mul3A_1 : i32
    %mul3A_3 = arith.constant 25600 : i32
    %mul3A_4 = arith.muli %add3A, %mul3A_3 : i32
    %scan3A = arith.constant 0 : i32
    %scan3A_5 = arith.constant 0 : i32
    %scan3A_6 = arith.constant 200 : i32
    %scan3A_7 = arith.addi %scan3A_5, %scan3A_6 : i32
    %scan3A_8 = arith.constant 1 : i32
    %scan3A_9 = scf.for %scan3A_19 = %scan3A_5 to %scan3A_7 step %scan3A_8 iter_args(%scan3A_20 = %scan3A) -> (i32)  : i32 {
      %broadcast_in_dim3A = arith.constant 0.000000e+00 : f32
      %broadcast_in_dim3A_21 = vector.broadcast %broadcast_in_dim3A : f32 to vector<16xf32>
      %mul3A_22 = arith.constant 16 : i32
      %mul3A_23 = arith.muli %scan3A_19, %mul3A_22 : i32
      %swap3A = arith.index_cast %mul3A_23 : i32 to index
      %swap3A_24 = tpu.vector_load %arg6[%swap3A] {strides = array<i32>} : memref<3200xf32, #tpu.memory_space<vmem>>, vector<16xf32>,
      %swap3A_25 = vector.shape_cast %swap3A_24 : vector<16xf32> to vector<16xf32>
      %swap3A_26 = vector.shape_cast %broadcast_in_dim3A_21 : vector<16xf32> to vector<16xf32>
      tpu.vector_store %arg6[%swap3A], %swap3A_26 {strides = array<i32>} : memref<3200xf32, #tpu.memory_space<vmem>>, vector<16xf32>,
      %scan3A_27 = arith.constant 0 : i32
      scf.yield %scan3A_27 : i32
    }
    %scan3A_10 = arith.constant 200 : i32
    "tpu.region"() ({
      %run_scoped3A_19 = tpu.sem_alloc : memref<!tpu.dma_semaphore, #tpu.memory_space<semaphore_mem>>
      %dma_start3A = tpu.memref_slice %arg9[%mul3A_2] : memref<51200xf32, #tpu.memory_space<vmem_shared>> -> memref<3200xf32, #tpu.memory_space<vmem_shared>>
      %dma_start3A_20 = tpu.memref_slice %arg9[%mul3A_2] : memref<51200xf32, #tpu.memory_space<vmem_shared>> -> memref<3200xf32, #tpu.memory_space<vmem_shared>>
      tpu.enqueue_dma source(%arg6 : memref<3200xf32, #tpu.memory_space<vmem>>) target(%dma_start3A_20 : memref<3200xf32, #tpu.memory_space<vmem_shared>>) target_semaphore(%run_scoped3A_19 : memref<!tpu.dma_semaphore, #tpu.memory_space<semaphore_mem>>)
      %dma_wait3A = tpu.memref_slice %arg9[%mul3A_2] : memref<51200xf32, #tpu.memory_space<vmem_shared>> -> memref<3200xf32, #tpu.memory_space<vmem_shared>>
      %dma_wait3A_21 = tpu.memref_slice %arg9[%mul3A_2] : memref<51200xf32, #tpu.memory_space<vmem_shared>> -> memref<3200xf32, #tpu.memory_space<vmem_shared>>
      tpu.wait_dma2 semaphore(%run_scoped3A_19 : memref<!tpu.dma_semaphore, #tpu.memory_space<semaphore_mem>>) src(%arg6 : memref<3200xf32, #tpu.memory_space<vmem>>) dst(%dma_wait3A_21 : memref<3200xf32, #tpu.memory_space<vmem_shared>>)
      tpu.yield
    }) : () -> ()
    %barrier3A = arith.constant 0 : index
    tpu.barrier barrier_id(%barrier3A)
    %scan3A_11 = arith.constant 0 : i32
    %scan3A_12 = arith.constant 0 : i32
    %scan3A_13 = arith.constant 4 : i32
    %scan3A_14 = arith.addi %scan3A_12, %scan3A_13 : i32
    %scan3A_15 = arith.constant 1 : i32
    %scan3A_16 = scf.for %scan3A_19 = %scan3A_12 to %scan3A_14 step %scan3A_15 iter_args(%scan3A_20 = %scan3A_11) -> (i32)  : i32 {
      %mul3A_21 = arith.constant 6400 : i32
      %mul3A_22 = arith.muli %scan3A_19, %mul3A_21 : i32
      %add3A_23 = arith.addi %mul3A_4, %mul3A_22 : i32
      "tpu.region"() ({
        %run_scoped3A_25 = tpu.sem_alloc : memref<!tpu.dma_semaphore, #tpu.memory_space<semaphore_mem>>
        %dma_start3A = tpu.memref_slice %arg3[%add3A_23] : memref<819200xi32, #tpu.memory_space<hbm>> -> memref<6400xi32, #tpu.memory_space<hbm>>
        %dma_start3A_26 = tpu.memref_slice %arg3[%add3A_23] : memref<819200xi32, #tpu.memory_space<hbm>> -> memref<6400xi32, #tpu.memory_space<hbm>>
        tpu.enqueue_dma source(%dma_start3A_26 : memref<6400xi32, #tpu.memory_space<hbm>>) target(%arg7 : memref<6400xi32, #tpu.memory_space<vmem>>) target_semaphore(%run_scoped3A_25 : memref<!tpu.dma_semaphore, #tpu.memory_space<semaphore_mem>>)
        %dma_wait3A = tpu.memref_slice %arg3[%add3A_23] : memref<819200xi32, #tpu.memory_space<hbm>> -> memref<6400xi32, #tpu.memory_space<hbm>>
        %dma_wait3A_27 = tpu.memref_slice %arg3[%add3A_23] : memref<819200xi32, #tpu.memory_space<hbm>> -> memref<6400xi32, #tpu.memory_space<hbm>>
        tpu.wait_dma2 semaphore(%run_scoped3A_25 : memref<!tpu.dma_semaphore, #tpu.memory_space<semaphore_mem>>) src(%dma_wait3A_27 : memref<6400xi32, #tpu.memory_space<hbm>>) dst(%arg7 : memref<6400xi32, #tpu.memory_space<vmem>>)
        tpu.yield
      }) : () -> ()
      "tpu.region"() ({
        %run_scoped3A_25 = tpu.sem_alloc : memref<!tpu.dma_semaphore, #tpu.memory_space<semaphore_mem>>
        %dma_start3A = tpu.memref_slice %arg4[%add3A_23] : memref<819200xf32, #tpu.memory_space<hbm>> -> memref<6400xf32, #tpu.memory_space<hbm>>
        %dma_start3A_26 = tpu.memref_slice %arg4[%add3A_23] : memref<819200xf32, #tpu.memory_space<hbm>> -> memref<6400xf32, #tpu.memory_space<hbm>>
        tpu.enqueue_dma source(%dma_start3A_26 : memref<6400xf32, #tpu.memory_space<hbm>>) target(%arg8 : memref<6400xf32, #tpu.memory_space<vmem>>) target_semaphore(%run_scoped3A_25 : memref<!tpu.dma_semaphore, #tpu.memory_space<semaphore_mem>>)
        %dma_wait3A = tpu.memref_slice %arg4[%add3A_23] : memref<819200xf32, #tpu.memory_space<hbm>> -> memref<6400xf32, #tpu.memory_space<hbm>>
        %dma_wait3A_27 = tpu.memref_slice %arg4[%add3A_23] : memref<819200xf32, #tpu.memory_space<hbm>> -> memref<6400xf32, #tpu.memory_space<hbm>>
        tpu.wait_dma2 semaphore(%run_scoped3A_25 : memref<!tpu.dma_semaphore, #tpu.memory_space<semaphore_mem>>) src(%dma_wait3A_27 : memref<6400xf32, #tpu.memory_space<hbm>>) dst(%arg8 : memref<6400xf32, #tpu.memory_space<vmem>>)
        tpu.yield
      }) : () -> ()
      "tpu.region"() ({
        %run_scoped3A_25 = tpu.sem_alloc : memref<!tpu.dma_semaphore, #tpu.memory_space<semaphore_mem>>
        %dma_start3A = arith.constant 0 : i32
        %dma_start3A_26 = tpu.memref_slice %arg9[%dma_start3A] : memref<51200xf32, #tpu.memory_space<vmem_shared>> -> memref<51200xf32, #tpu.memory_space<vmem_shared>>
        tpu.enqueue_indirect_dma source(%arg8 : memref<6400xf32, #tpu.memory_space<vmem>>) target(%dma_start3A_26 : memref<51200xf32, #tpu.memory_space<vmem_shared>>) offsets(%arg7 : memref<6400xi32, #tpu.memory_space<vmem>>) semaphore(%run_scoped3A_25 : memref<!tpu.dma_semaphore, #tpu.memory_space<semaphore_mem>>) {add = true}
        %dma_wait3A = arith.constant 0 : i32
        %dma_wait3A_27 = tpu.memref_slice %arg9[%dma_wait3A] : memref<51200xf32, #tpu.memory_space<vmem_shared>> -> memref<51200xf32, #tpu.memory_space<vmem_shared>>
        tpu.wait_indirect_dma semaphore(%run_scoped3A_25 : memref<!tpu.dma_semaphore, #tpu.memory_space<semaphore_mem>>) src(%arg8 : memref<6400xf32, #tpu.memory_space<vmem>>) dst(%dma_wait3A_27 : memref<51200xf32, #tpu.memory_space<vmem_shared>>)
        tpu.yield
      }) : () -> ()
      %scan3A_24 = arith.constant 0 : i32
      scf.yield %scan3A_24 : i32
    }
    %scan3A_17 = arith.constant 4 : i32
    %barrier3A_18 = arith.constant 0 : index
    tpu.barrier barrier_id(%barrier3A_18)
    "tpu.region"() ({
      %run_scoped3A_19 = tpu.sem_alloc : memref<!tpu.dma_semaphore, #tpu.memory_space<semaphore_mem>>
      %dma_start3A = tpu.memref_slice %arg9[%mul3A_2] : memref<51200xf32, #tpu.memory_space<vmem_shared>> -> memref<3200xf32, #tpu.memory_space<vmem_shared>>
      %dma_start3A_20 = tpu.memref_slice %arg9[%mul3A_2] : memref<51200xf32, #tpu.memory_space<vmem_shared>> -> memref<3200xf32, #tpu.memory_space<vmem_shared>>
      tpu.enqueue_dma source(%dma_start3A_20 : memref<3200xf32, #tpu.memory_space<vmem_shared>>) target(%arg6 : memref<3200xf32, #tpu.memory_space<vmem>>) target_semaphore(%run_scoped3A_19 : memref<!tpu.dma_semaphore, #tpu.memory_space<semaphore_mem>>)
      %dma_wait3A = tpu.memref_slice %arg9[%mul3A_2] : memref<51200xf32, #tpu.memory_space<vmem_shared>> -> memref<3200xf32, #tpu.memory_space<vmem_shared>>
      %dma_wait3A_21 = tpu.memref_slice %arg9[%mul3A_2] : memref<51200xf32, #tpu.memory_space<vmem_shared>> -> memref<3200xf32, #tpu.memory_space<vmem_shared>>
      tpu.wait_dma2 semaphore(%run_scoped3A_19 : memref<!tpu.dma_semaphore, #tpu.memory_space<semaphore_mem>>) src(%dma_wait3A_21 : memref<3200xf32, #tpu.memory_space<vmem_shared>>) dst(%arg6 : memref<3200xf32, #tpu.memory_space<vmem>>)
      tpu.yield
    }) : () -> ()
    %run_scoped3A = arith.constant 0 : i32
    "tpu.region"() ({
      %run_scoped3A_19 = tpu.sem_alloc : memref<!tpu.dma_semaphore, #tpu.memory_space<semaphore_mem>>
      %dma_start3A = tpu.memref_slice %arg5[%arg0, %run_scoped3A, %mul3A_2] : memref<2x1x51200xf32, #tpu.memory_space<hbm>> -> memref<1x1x3200xf32, #tpu.memory_space<hbm>>
      %dma_start3A_20 = tpu.memref_squeeze %dma_start3A : memref<1x1x3200xf32, #tpu.memory_space<hbm>> -> memref<3200xf32, #tpu.memory_space<hbm>>
      %dma_start3A_21 = tpu.memref_slice %arg5[%arg0, %run_scoped3A, %mul3A_2] : memref<2x1x51200xf32, #tpu.memory_space<hbm>> -> memref<1x1x3200xf32, #tpu.memory_space<hbm>>
      %dma_start3A_22 = tpu.memref_squeeze %dma_start3A_21 : memref<1x1x3200xf32, #tpu.memory_space<hbm>> -> memref<3200xf32, #tpu.memory_space<hbm>>
      tpu.enqueue_dma source(%arg6 : memref<3200xf32, #tpu.memory_space<vmem>>) target(%dma_start3A_22 : memref<3200xf32, #tpu.memory_space<hbm>>) target_semaphore(%run_scoped3A_19 : memref<!tpu.dma_semaphore, #tpu.memory_space<semaphore_mem>>)
      %dma_wait3A = tpu.memref_slice %arg5[%arg0, %run_scoped3A, %mul3A_2] : memref<2x1x51200xf32, #tpu.memory_space<hbm>> -> memref<1x1x3200xf32, #tpu.memory_space<hbm>>
      %dma_wait3A_23 = tpu.memref_squeeze %dma_wait3A : memref<1x1x3200xf32, #tpu.memory_space<hbm>> -> memref<3200xf32, #tpu.memory_space<hbm>>
      %dma_wait3A_24 = tpu.memref_slice %arg5[%arg0, %run_scoped3A, %mul3A_2] : memref<2x1x51200xf32, #tpu.memory_space<hbm>> -> memref<1x1x3200xf32, #tpu.memory_space<hbm>>
      %dma_wait3A_25 = tpu.memref_squeeze %dma_wait3A_24 : memref<1x1x3200xf32, #tpu.memory_space<hbm>> -> memref<3200xf32, #tpu.memory_space<hbm>>
      tpu.wait_dma2 semaphore(%run_scoped3A_19 : memref<!tpu.dma_semaphore, #tpu.memory_space<semaphore_mem>>) src(%arg6 : memref<3200xf32, #tpu.memory_space<vmem>>) dst(%dma_wait3A_25 : memref<3200xf32, #tpu.memory_space<hbm>>)
      tpu.yield
    }) : () -> ()
    return
  }
}

#map = affine_map<(d0, d1) -> (0)>
#map1 = affine_map<(d0, d1) -> (0, 0, 0, 0)>
#map2 = affine_map<(d0, d1) -> (0, 0, 0)>
module attributes {stable_mosaic.version = 14 : i64} {
  func.func @k(%arg0: i32, %arg1: i32, %arg2: memref<819200xi32, #tpu.memory_space<hbm>>, %arg3: memref<819200xi32, #tpu.memory_space<hbm>>, %arg4: memref<819200xf32, #tpu.memory_space<hbm>>, %arg5: memref<2x4x1x51200xf32, #tpu.memory_space<hbm>>, %arg6: memref<2x1x16xf32, #tpu.memory_space<hbm>>, %arg7: memref<16xf32, #tpu.memory_space<hbm>>, %arg8: memref<2x6x1x51200xf32, #tpu.memory_space<hbm>>, %arg9: memref<3200xf32, #tpu.memory_space<vmem>>, %arg10: memref<3200xf32, #tpu.memory_space<vmem>>, %arg11: memref<3200xf32, #tpu.memory_space<vmem>>, %arg12: memref<16xf32, #tpu.memory_space<vmem>>, %arg13: memref<16xf32, #tpu.memory_space<vmem>>, %arg14: memref<16xf32, #tpu.memory_space<vmem>>, %arg15: memref<6400xi32, #tpu.memory_space<vmem>>, %arg16: memref<6400xi32, #tpu.memory_space<vmem>>, %arg17: memref<6400xf32, #tpu.memory_space<vmem>>, %arg18: memref<6400xf32, #tpu.memory_space<vmem>>, %arg19: memref<6400xf32, #tpu.memory_space<vmem>>, %arg20: memref<6400xf32, #tpu.memory_space<vmem>>, %arg21: memref<6400xf32, #tpu.memory_space<vmem>>, %arg22: memref<6400xf32, #tpu.memory_space<vmem>>, %arg23: memref<6400xf32, #tpu.memory_space<vmem>>, %arg24: memref<6400xf32, #tpu.memory_space<vmem>>, %arg25: memref<6400xf32, #tpu.memory_space<vmem>>, %arg26: memref<6400xf32, #tpu.memory_space<vmem>>, %arg27: memref<6400xf32, #tpu.memory_space<vmem>>, %arg28: memref<51200xf32, #tpu.memory_space<vmem_shared>>, %arg29: memref<51200xf32, #tpu.memory_space<vmem_shared>>, %arg30: memref<51200xf32, #tpu.memory_space<vmem_shared>>, %arg31: memref<51200xf32, #tpu.memory_space<vmem_shared>>, %arg32: memref<51200xf32, #tpu.memory_space<vmem_shared>>, %arg33: memref<51200xf32, #tpu.memory_space<vmem_shared>>, %arg34: memref<51200xf32, #tpu.memory_space<vmem_shared>>, %arg35: memref<51200xf32, #tpu.memory_space<vmem_shared>>) attributes {dimension_semantics = [#tpu.dimension_semantics<core_parallel>, #tpu.dimension_semantics<subcore_parallel>], iteration_bounds = array<i64: 2, 16>, scalar_prefetch = 0 : i64, scratch_operands = 27 : i64, tpu.core_type = #tpu.core_type<sc_vector_subcore>, window_params = [{transform_indices = #map}, {transform_indices = #map}, {transform_indices = #map}, {transform_indices = #map1}, {transform_indices = #map2}, {transform_indices = #map}, {transform_indices = #map1}]} {
    %mul3A = arith.constant 16 : i32
    %mul3A_0 = arith.muli %arg0, %mul3A : i32
    %add3A = arith.addi %mul3A_0, %arg1 : i32
    %mul3A_1 = arith.constant 3200 : i32
    %mul3A_2 = arith.muli %arg1, %mul3A_1 : i32
    %mul3A_3 = arith.constant 25600 : i32
    %mul3A_4 = arith.muli %add3A, %mul3A_3 : i32
    %scan3A = arith.constant 0 : i32
    %scan3A_5 = arith.constant 0 : i32
    %scan3A_6 = arith.constant 200 : i32
    %scan3A_7 = arith.addi %scan3A_5, %scan3A_6 : i32
    %scan3A_8 = arith.constant 1 : i32
    %scan3A_9 = scf.for %scan3A_148 = %scan3A_5 to %scan3A_7 step %scan3A_8 iter_args(%scan3A_149 = %scan3A) -> (i32)  : i32 {
      %broadcast_in_dim3A_150 = arith.constant 0.000000e+00 : f32
      %broadcast_in_dim3A_151 = vector.broadcast %broadcast_in_dim3A_150 : f32 to vector<16xf32>
      %mul3A_152 = arith.constant 16 : i32
      %mul3A_153 = arith.muli %scan3A_148, %mul3A_152 : i32
      %swap3A = arith.index_cast %mul3A_153 : i32 to index
      %swap3A_154 = tpu.vector_load %arg9[%swap3A] {strides = array<i32>} : memref<3200xf32, #tpu.memory_space<vmem>>, vector<16xf32>,
      %swap3A_155 = vector.shape_cast %swap3A_154 : vector<16xf32> to vector<16xf32>
      %swap3A_156 = vector.shape_cast %broadcast_in_dim3A_151 : vector<16xf32> to vector<16xf32>
      tpu.vector_store %arg9[%swap3A], %swap3A_156 {strides = array<i32>} : memref<3200xf32, #tpu.memory_space<vmem>>, vector<16xf32>,
      %scan3A_157 = arith.constant 0 : i32
      scf.yield %scan3A_157 : i32
    }
    %scan3A_10 = arith.constant 200 : i32
    "tpu.region"() ({
      %run_scoped3A_148 = tpu.sem_alloc : memref<!tpu.dma_semaphore, #tpu.memory_space<semaphore_mem>>
      %dma_start3A = tpu.memref_slice %arg30[%mul3A_2] : memref<51200xf32, #tpu.memory_space<vmem_shared>> -> memref<3200xf32, #tpu.memory_space<vmem_shared>>
      %dma_start3A_149 = tpu.memref_slice %arg30[%mul3A_2] : memref<51200xf32, #tpu.memory_space<vmem_shared>> -> memref<3200xf32, #tpu.memory_space<vmem_shared>>
      tpu.enqueue_dma source(%arg9 : memref<3200xf32, #tpu.memory_space<vmem>>) target(%dma_start3A_149 : memref<3200xf32, #tpu.memory_space<vmem_shared>>) target_semaphore(%run_scoped3A_148 : memref<!tpu.dma_semaphore, #tpu.memory_space<semaphore_mem>>)
      %dma_wait3A = tpu.memref_slice %arg30[%mul3A_2] : memref<51200xf32, #tpu.memory_space<vmem_shared>> -> memref<3200xf32, #tpu.memory_space<vmem_shared>>
      %dma_wait3A_150 = tpu.memref_slice %arg30[%mul3A_2] : memref<51200xf32, #tpu.memory_space<vmem_shared>> -> memref<3200xf32, #tpu.memory_space<vmem_shared>>
      tpu.wait_dma2 semaphore(%run_scoped3A_148 : memref<!tpu.dma_semaphore, #tpu.memory_space<semaphore_mem>>) src(%arg9 : memref<3200xf32, #tpu.memory_space<vmem>>) dst(%dma_wait3A_150 : memref<3200xf32, #tpu.memory_space<vmem_shared>>)
      tpu.yield
    }) : () -> ()
    "tpu.region"() ({
      %run_scoped3A_148 = tpu.sem_alloc : memref<!tpu.dma_semaphore, #tpu.memory_space<semaphore_mem>>
      %dma_start3A = tpu.memref_slice %arg31[%mul3A_2] : memref<51200xf32, #tpu.memory_space<vmem_shared>> -> memref<3200xf32, #tpu.memory_space<vmem_shared>>
      %dma_start3A_149 = tpu.memref_slice %arg31[%mul3A_2] : memref<51200xf32, #tpu.memory_space<vmem_shared>> -> memref<3200xf32, #tpu.memory_space<vmem_shared>>
      tpu.enqueue_dma source(%arg9 : memref<3200xf32, #tpu.memory_space<vmem>>) target(%dma_start3A_149 : memref<3200xf32, #tpu.memory_space<vmem_shared>>) target_semaphore(%run_scoped3A_148 : memref<!tpu.dma_semaphore, #tpu.memory_space<semaphore_mem>>)
      %dma_wait3A = tpu.memref_slice %arg31[%mul3A_2] : memref<51200xf32, #tpu.memory_space<vmem_shared>> -> memref<3200xf32, #tpu.memory_space<vmem_shared>>
      %dma_wait3A_150 = tpu.memref_slice %arg31[%mul3A_2] : memref<51200xf32, #tpu.memory_space<vmem_shared>> -> memref<3200xf32, #tpu.memory_space<vmem_shared>>
      tpu.wait_dma2 semaphore(%run_scoped3A_148 : memref<!tpu.dma_semaphore, #tpu.memory_space<semaphore_mem>>) src(%arg9 : memref<3200xf32, #tpu.memory_space<vmem>>) dst(%dma_wait3A_150 : memref<3200xf32, #tpu.memory_space<vmem_shared>>)
      tpu.yield
    }) : () -> ()
    "tpu.region"() ({
      %run_scoped3A_148 = tpu.sem_alloc : memref<!tpu.dma_semaphore, #tpu.memory_space<semaphore_mem>>
      %dma_start3A = tpu.memref_slice %arg32[%mul3A_2] : memref<51200xf32, #tpu.memory_space<vmem_shared>> -> memref<3200xf32, #tpu.memory_space<vmem_shared>>
      %dma_start3A_149 = tpu.memref_slice %arg32[%mul3A_2] : memref<51200xf32, #tpu.memory_space<vmem_shared>> -> memref<3200xf32, #tpu.memory_space<vmem_shared>>
      tpu.enqueue_dma source(%arg9 : memref<3200xf32, #tpu.memory_space<vmem>>) target(%dma_start3A_149 : memref<3200xf32, #tpu.memory_space<vmem_shared>>) target_semaphore(%run_scoped3A_148 : memref<!tpu.dma_semaphore, #tpu.memory_space<semaphore_mem>>)
      %dma_wait3A = tpu.memref_slice %arg32[%mul3A_2] : memref<51200xf32, #tpu.memory_space<vmem_shared>> -> memref<3200xf32, #tpu.memory_space<vmem_shared>>
      %dma_wait3A_150 = tpu.memref_slice %arg32[%mul3A_2] : memref<51200xf32, #tpu.memory_space<vmem_shared>> -> memref<3200xf32, #tpu.memory_space<vmem_shared>>
      tpu.wait_dma2 semaphore(%run_scoped3A_148 : memref<!tpu.dma_semaphore, #tpu.memory_space<semaphore_mem>>) src(%arg9 : memref<3200xf32, #tpu.memory_space<vmem>>) dst(%dma_wait3A_150 : memref<3200xf32, #tpu.memory_space<vmem_shared>>)
      tpu.yield
    }) : () -> ()
    "tpu.region"() ({
      %run_scoped3A_148 = tpu.sem_alloc : memref<!tpu.dma_semaphore, #tpu.memory_space<semaphore_mem>>
      %dma_start3A = tpu.memref_slice %arg33[%mul3A_2] : memref<51200xf32, #tpu.memory_space<vmem_shared>> -> memref<3200xf32, #tpu.memory_space<vmem_shared>>
      %dma_start3A_149 = tpu.memref_slice %arg33[%mul3A_2] : memref<51200xf32, #tpu.memory_space<vmem_shared>> -> memref<3200xf32, #tpu.memory_space<vmem_shared>>
      tpu.enqueue_dma source(%arg9 : memref<3200xf32, #tpu.memory_space<vmem>>) target(%dma_start3A_149 : memref<3200xf32, #tpu.memory_space<vmem_shared>>) target_semaphore(%run_scoped3A_148 : memref<!tpu.dma_semaphore, #tpu.memory_space<semaphore_mem>>)
      %dma_wait3A = tpu.memref_slice %arg33[%mul3A_2] : memref<51200xf32, #tpu.memory_space<vmem_shared>> -> memref<3200xf32, #tpu.memory_space<vmem_shared>>
      %dma_wait3A_150 = tpu.memref_slice %arg33[%mul3A_2] : memref<51200xf32, #tpu.memory_space<vmem_shared>> -> memref<3200xf32, #tpu.memory_space<vmem_shared>>
      tpu.wait_dma2 semaphore(%run_scoped3A_148 : memref<!tpu.dma_semaphore, #tpu.memory_space<semaphore_mem>>) src(%arg9 : memref<3200xf32, #tpu.memory_space<vmem>>) dst(%dma_wait3A_150 : memref<3200xf32, #tpu.memory_space<vmem_shared>>)
      tpu.yield
    }) : () -> ()
    "tpu.region"() ({
      %run_scoped3A_148 = tpu.sem_alloc : memref<!tpu.dma_semaphore, #tpu.memory_space<semaphore_mem>>
      %dma_start3A = tpu.memref_slice %arg34[%mul3A_2] : memref<51200xf32, #tpu.memory_space<vmem_shared>> -> memref<3200xf32, #tpu.memory_space<vmem_shared>>
      %dma_start3A_149 = tpu.memref_slice %arg34[%mul3A_2] : memref<51200xf32, #tpu.memory_space<vmem_shared>> -> memref<3200xf32, #tpu.memory_space<vmem_shared>>
      tpu.enqueue_dma source(%arg9 : memref<3200xf32, #tpu.memory_space<vmem>>) target(%dma_start3A_149 : memref<3200xf32, #tpu.memory_space<vmem_shared>>) target_semaphore(%run_scoped3A_148 : memref<!tpu.dma_semaphore, #tpu.memory_space<semaphore_mem>>)
      %dma_wait3A = tpu.memref_slice %arg34[%mul3A_2] : memref<51200xf32, #tpu.memory_space<vmem_shared>> -> memref<3200xf32, #tpu.memory_space<vmem_shared>>
      %dma_wait3A_150 = tpu.memref_slice %arg34[%mul3A_2] : memref<51200xf32, #tpu.memory_space<vmem_shared>> -> memref<3200xf32, #tpu.memory_space<vmem_shared>>
      tpu.wait_dma2 semaphore(%run_scoped3A_148 : memref<!tpu.dma_semaphore, #tpu.memory_space<semaphore_mem>>) src(%arg9 : memref<3200xf32, #tpu.memory_space<vmem>>) dst(%dma_wait3A_150 : memref<3200xf32, #tpu.memory_space<vmem_shared>>)
      tpu.yield
    }) : () -> ()
    "tpu.region"() ({
      %run_scoped3A_148 = tpu.sem_alloc : memref<!tpu.dma_semaphore, #tpu.memory_space<semaphore_mem>>
      %dma_start3A = tpu.memref_slice %arg35[%mul3A_2] : memref<51200xf32, #tpu.memory_space<vmem_shared>> -> memref<3200xf32, #tpu.memory_space<vmem_shared>>
      %dma_start3A_149 = tpu.memref_slice %arg35[%mul3A_2] : memref<51200xf32, #tpu.memory_space<vmem_shared>> -> memref<3200xf32, #tpu.memory_space<vmem_shared>>
      tpu.enqueue_dma source(%arg9 : memref<3200xf32, #tpu.memory_space<vmem>>) target(%dma_start3A_149 : memref<3200xf32, #tpu.memory_space<vmem_shared>>) target_semaphore(%run_scoped3A_148 : memref<!tpu.dma_semaphore, #tpu.memory_space<semaphore_mem>>)
      %dma_wait3A = tpu.memref_slice %arg35[%mul3A_2] : memref<51200xf32, #tpu.memory_space<vmem_shared>> -> memref<3200xf32, #tpu.memory_space<vmem_shared>>
      %dma_wait3A_150 = tpu.memref_slice %arg35[%mul3A_2] : memref<51200xf32, #tpu.memory_space<vmem_shared>> -> memref<3200xf32, #tpu.memory_space<vmem_shared>>
      tpu.wait_dma2 semaphore(%run_scoped3A_148 : memref<!tpu.dma_semaphore, #tpu.memory_space<semaphore_mem>>) src(%arg9 : memref<3200xf32, #tpu.memory_space<vmem>>) dst(%dma_wait3A_150 : memref<3200xf32, #tpu.memory_space<vmem_shared>>)
      tpu.yield
    }) : () -> ()
    %run_scoped3A = arith.constant 0 : i32
    %run_scoped3A_11 = arith.constant 0 : i32
    %run_scoped3A_12 = arith.constant 0 : i32
    "tpu.region"() ({
      %run_scoped3A_148 = tpu.sem_alloc : memref<!tpu.dma_semaphore, #tpu.memory_space<semaphore_mem>>
      %dma_start3A = tpu.memref_slice %arg5[%run_scoped3A, %run_scoped3A_11, %run_scoped3A_12, %mul3A_2] : memref<2x4x1x51200xf32, #tpu.memory_space<hbm>> -> memref<1x1x1x3200xf32, #tpu.memory_space<hbm>>
      %dma_start3A_149 = tpu.memref_squeeze %dma_start3A : memref<1x1x1x3200xf32, #tpu.memory_space<hbm>> -> memref<3200xf32, #tpu.memory_space<hbm>>
      %dma_start3A_150 = tpu.memref_slice %arg5[%run_scoped3A, %run_scoped3A_11, %run_scoped3A_12, %mul3A_2] : memref<2x4x1x51200xf32, #tpu.memory_space<hbm>> -> memref<1x1x1x3200xf32, #tpu.memory_space<hbm>>
      %dma_start3A_151 = tpu.memref_squeeze %dma_start3A_150 : memref<1x1x1x3200xf32, #tpu.memory_space<hbm>> -> memref<3200xf32, #tpu.memory_space<hbm>>
      tpu.enqueue_dma source(%dma_start3A_151 : memref<3200xf32, #tpu.memory_space<hbm>>) target(%arg9 : memref<3200xf32, #tpu.memory_space<vmem>>) target_semaphore(%run_scoped3A_148 : memref<!tpu.dma_semaphore, #tpu.memory_space<semaphore_mem>>)
      %dma_wait3A = tpu.memref_slice %arg5[%run_scoped3A, %run_scoped3A_11, %run_scoped3A_12, %mul3A_2] : memref<2x4x1x51200xf32, #tpu.memory_space<hbm>> -> memref<1x1x1x3200xf32, #tpu.memory_space<hbm>>
      %dma_wait3A_152 = tpu.memref_squeeze %dma_wait3A : memref<1x1x1x3200xf32, #tpu.memory_space<hbm>> -> memref<3200xf32, #tpu.memory_space<hbm>>
      %dma_wait3A_153 = tpu.memref_slice %arg5[%run_scoped3A, %run_scoped3A_11, %run_scoped3A_12, %mul3A_2] : memref<2x4x1x51200xf32, #tpu.memory_space<hbm>> -> memref<1x1x1x3200xf32, #tpu.memory_space<hbm>>
      %dma_wait3A_154 = tpu.memref_squeeze %dma_wait3A_153 : memref<1x1x1x3200xf32, #tpu.memory_space<hbm>> -> memref<3200xf32, #tpu.memory_space<hbm>>
      tpu.wait_dma2 semaphore(%run_scoped3A_148 : memref<!tpu.dma_semaphore, #tpu.memory_space<semaphore_mem>>) src(%dma_wait3A_154 : memref<3200xf32, #tpu.memory_space<hbm>>) dst(%arg9 : memref<3200xf32, #tpu.memory_space<vmem>>)
      tpu.yield
    }) : () -> ()
    %run_scoped3A_13 = arith.constant 1 : i32
    %run_scoped3A_14 = arith.constant 0 : i32
    %run_scoped3A_15 = arith.constant 0 : i32
    "tpu.region"() ({
      %run_scoped3A_148 = tpu.sem_alloc : memref<!tpu.dma_semaphore, #tpu.memory_space<semaphore_mem>>
      %dma_start3A = tpu.memref_slice %arg5[%run_scoped3A_13, %run_scoped3A_14, %run_scoped3A_15, %mul3A_2] : memref<2x4x1x51200xf32, #tpu.memory_space<hbm>> -> memref<1x1x1x3200xf32, #tpu.memory_space<hbm>>
      %dma_start3A_149 = tpu.memref_squeeze %dma_start3A : memref<1x1x1x3200xf32, #tpu.memory_space<hbm>> -> memref<3200xf32, #tpu.memory_space<hbm>>
      %dma_start3A_150 = tpu.memref_slice %arg5[%run_scoped3A_13, %run_scoped3A_14, %run_scoped3A_15, %mul3A_2] : memref<2x4x1x51200xf32, #tpu.memory_space<hbm>> -> memref<1x1x1x3200xf32, #tpu.memory_space<hbm>>
      %dma_start3A_151 = tpu.memref_squeeze %dma_start3A_150 : memref<1x1x1x3200xf32, #tpu.memory_space<hbm>> -> memref<3200xf32, #tpu.memory_space<hbm>>
      tpu.enqueue_dma source(%dma_start3A_151 : memref<3200xf32, #tpu.memory_space<hbm>>) target(%arg10 : memref<3200xf32, #tpu.memory_space<vmem>>) target_semaphore(%run_scoped3A_148 : memref<!tpu.dma_semaphore, #tpu.memory_space<semaphore_mem>>)
      %dma_wait3A = tpu.memref_slice %arg5[%run_scoped3A_13, %run_scoped3A_14, %run_scoped3A_15, %mul3A_2] : memref<2x4x1x51200xf32, #tpu.memory_space<hbm>> -> memref<1x1x1x3200xf32, #tpu.memory_space<hbm>>
      %dma_wait3A_152 = tpu.memref_squeeze %dma_wait3A : memref<1x1x1x3200xf32, #tpu.memory_space<hbm>> -> memref<3200xf32, #tpu.memory_space<hbm>>
      %dma_wait3A_153 = tpu.memref_slice %arg5[%run_scoped3A_13, %run_scoped3A_14, %run_scoped3A_15, %mul3A_2] : memref<2x4x1x51200xf32, #tpu.memory_space<hbm>> -> memref<1x1x1x3200xf32, #tpu.memory_space<hbm>>
      %dma_wait3A_154 = tpu.memref_squeeze %dma_wait3A_153 : memref<1x1x1x3200xf32, #tpu.memory_space<hbm>> -> memref<3200xf32, #tpu.memory_space<hbm>>
      tpu.wait_dma2 semaphore(%run_scoped3A_148 : memref<!tpu.dma_semaphore, #tpu.memory_space<semaphore_mem>>) src(%dma_wait3A_154 : memref<3200xf32, #tpu.memory_space<hbm>>) dst(%arg10 : memref<3200xf32, #tpu.memory_space<vmem>>)
      tpu.yield
    }) : () -> ()
    %scan3A_16 = arith.constant 0 : i32
    %scan3A_17 = arith.constant 0 : i32
    %scan3A_18 = arith.constant 200 : i32
    %scan3A_19 = arith.addi %scan3A_17, %scan3A_18 : i32
    %scan3A_20 = arith.constant 1 : i32
    %scan3A_21 = scf.for %scan3A_148 = %scan3A_17 to %scan3A_19 step %scan3A_20 iter_args(%scan3A_149 = %scan3A_16) -> (i32)  : i32 {
      %mul3A_150 = arith.constant 16 : i32
      %mul3A_151 = arith.muli %scan3A_148, %mul3A_150 : i32
      %get3A_152 = arith.index_cast %mul3A_151 : i32 to index
      %get3A_153 = tpu.vector_load %arg9[%get3A_152] {strides = array<i32>} : memref<3200xf32, #tpu.memory_space<vmem>>, vector<16xf32>,
      %get3A_154 = vector.shape_cast %get3A_153 : vector<16xf32> to vector<16xf32>
      %get3A_155 = arith.index_cast %mul3A_151 : i32 to index
      %get3A_156 = tpu.vector_load %arg10[%get3A_155] {strides = array<i32>} : memref<3200xf32, #tpu.memory_space<vmem>>, vector<16xf32>,
      %get3A_157 = vector.shape_cast %get3A_156 : vector<16xf32> to vector<16xf32>
      %add3A_158 = arith.addf %get3A_154, %get3A_157 : vector<16xf32>
      %add3A_159 = arith.constant 9.99999971E-10 : f32
      %add3A_160 = vector.broadcast %add3A_159 : f32 to vector<16xf32>
      %add3A_161 = arith.addf %add3A_158, %add3A_160 : vector<16xf32>
      %swap3A = arith.index_cast %mul3A_151 : i32 to index
      %swap3A_162 = tpu.vector_load %arg11[%swap3A] {strides = array<i32>} : memref<3200xf32, #tpu.memory_space<vmem>>, vector<16xf32>,
      %swap3A_163 = vector.shape_cast %swap3A_162 : vector<16xf32> to vector<16xf32>
      %swap3A_164 = vector.shape_cast %add3A_161 : vector<16xf32> to vector<16xf32>
      tpu.vector_store %arg11[%swap3A], %swap3A_164 {strides = array<i32>} : memref<3200xf32, #tpu.memory_space<vmem>>, vector<16xf32>,
      %scan3A_165 = arith.constant 0 : i32
      scf.yield %scan3A_165 : i32
    }
    %scan3A_22 = arith.constant 200 : i32
    %run_scoped3A_23 = arith.constant 0 : i32
    %run_scoped3A_24 = arith.constant 2 : i32
    %run_scoped3A_25 = arith.constant 0 : i32
    "tpu.region"() ({
      %run_scoped3A_148 = tpu.sem_alloc : memref<!tpu.dma_semaphore, #tpu.memory_space<semaphore_mem>>
      %dma_start3A = tpu.memref_slice %arg5[%run_scoped3A_23, %run_scoped3A_24, %run_scoped3A_25, %mul3A_2] : memref<2x4x1x51200xf32, #tpu.memory_space<hbm>> -> memref<1x1x1x3200xf32, #tpu.memory_space<hbm>>
      %dma_start3A_149 = tpu.memref_squeeze %dma_start3A : memref<1x1x1x3200xf32, #tpu.memory_space<hbm>> -> memref<3200xf32, #tpu.memory_space<hbm>>
      %dma_start3A_150 = tpu.memref_slice %arg5[%run_scoped3A_23, %run_scoped3A_24, %run_scoped3A_25, %mul3A_2] : memref<2x4x1x51200xf32, #tpu.memory_space<hbm>> -> memref<1x1x1x3200xf32, #tpu.memory_space<hbm>>
      %dma_start3A_151 = tpu.memref_squeeze %dma_start3A_150 : memref<1x1x1x3200xf32, #tpu.memory_space<hbm>> -> memref<3200xf32, #tpu.memory_space<hbm>>
      tpu.enqueue_dma source(%dma_start3A_151 : memref<3200xf32, #tpu.memory_space<hbm>>) target(%arg9 : memref<3200xf32, #tpu.memory_space<vmem>>) target_semaphore(%run_scoped3A_148 : memref<!tpu.dma_semaphore, #tpu.memory_space<semaphore_mem>>)
      %dma_wait3A = tpu.memref_slice %arg5[%run_scoped3A_23, %run_scoped3A_24, %run_scoped3A_25, %mul3A_2] : memref<2x4x1x51200xf32, #tpu.memory_space<hbm>> -> memref<1x1x1x3200xf32, #tpu.memory_space<hbm>>
      %dma_wait3A_152 = tpu.memref_squeeze %dma_wait3A : memref<1x1x1x3200xf32, #tpu.memory_space<hbm>> -> memref<3200xf32, #tpu.memory_space<hbm>>
      %dma_wait3A_153 = tpu.memref_slice %arg5[%run_scoped3A_23, %run_scoped3A_24, %run_scoped3A_25, %mul3A_2] : memref<2x4x1x51200xf32, #tpu.memory_space<hbm>> -> memref<1x1x1x3200xf32, #tpu.memory_space<hbm>>
      %dma_wait3A_154 = tpu.memref_squeeze %dma_wait3A_153 : memref<1x1x1x3200xf32, #tpu.memory_space<hbm>> -> memref<3200xf32, #tpu.memory_space<hbm>>
      tpu.wait_dma2 semaphore(%run_scoped3A_148 : memref<!tpu.dma_semaphore, #tpu.memory_space<semaphore_mem>>) src(%dma_wait3A_154 : memref<3200xf32, #tpu.memory_space<hbm>>) dst(%arg9 : memref<3200xf32, #tpu.memory_space<vmem>>)
      tpu.yield
    }) : () -> ()
    %run_scoped3A_26 = arith.constant 1 : i32
    %run_scoped3A_27 = arith.constant 2 : i32
    %run_scoped3A_28 = arith.constant 0 : i32
    "tpu.region"() ({
      %run_scoped3A_148 = tpu.sem_alloc : memref<!tpu.dma_semaphore, #tpu.memory_space<semaphore_mem>>
      %dma_start3A = tpu.memref_slice %arg5[%run_scoped3A_26, %run_scoped3A_27, %run_scoped3A_28, %mul3A_2] : memref<2x4x1x51200xf32, #tpu.memory_space<hbm>> -> memref<1x1x1x3200xf32, #tpu.memory_space<hbm>>
      %dma_start3A_149 = tpu.memref_squeeze %dma_start3A : memref<1x1x1x3200xf32, #tpu.memory_space<hbm>> -> memref<3200xf32, #tpu.memory_space<hbm>>
      %dma_start3A_150 = tpu.memref_slice %arg5[%run_scoped3A_26, %run_scoped3A_27, %run_scoped3A_28, %mul3A_2] : memref<2x4x1x51200xf32, #tpu.memory_space<hbm>> -> memref<1x1x1x3200xf32, #tpu.memory_space<hbm>>
      %dma_start3A_151 = tpu.memref_squeeze %dma_start3A_150 : memref<1x1x1x3200xf32, #tpu.memory_space<hbm>> -> memref<3200xf32, #tpu.memory_space<hbm>>
      tpu.enqueue_dma source(%dma_start3A_151 : memref<3200xf32, #tpu.memory_space<hbm>>) target(%arg10 : memref<3200xf32, #tpu.memory_space<vmem>>) target_semaphore(%run_scoped3A_148 : memref<!tpu.dma_semaphore, #tpu.memory_space<semaphore_mem>>)
      %dma_wait3A = tpu.memref_slice %arg5[%run_scoped3A_26, %run_scoped3A_27, %run_scoped3A_28, %mul3A_2] : memref<2x4x1x51200xf32, #tpu.memory_space<hbm>> -> memref<1x1x1x3200xf32, #tpu.memory_space<hbm>>
      %dma_wait3A_152 = tpu.memref_squeeze %dma_wait3A : memref<1x1x1x3200xf32, #tpu.memory_space<hbm>> -> memref<3200xf32, #tpu.memory_space<hbm>>
      %dma_wait3A_153 = tpu.memref_slice %arg5[%run_scoped3A_26, %run_scoped3A_27, %run_scoped3A_28, %mul3A_2] : memref<2x4x1x51200xf32, #tpu.memory_space<hbm>> -> memref<1x1x1x3200xf32, #tpu.memory_space<hbm>>
      %dma_wait3A_154 = tpu.memref_squeeze %dma_wait3A_153 : memref<1x1x1x3200xf32, #tpu.memory_space<hbm>> -> memref<3200xf32, #tpu.memory_space<hbm>>
      tpu.wait_dma2 semaphore(%run_scoped3A_148 : memref<!tpu.dma_semaphore, #tpu.memory_space<semaphore_mem>>) src(%dma_wait3A_154 : memref<3200xf32, #tpu.memory_space<hbm>>) dst(%arg10 : memref<3200xf32, #tpu.memory_space<vmem>>)
      tpu.yield
    }) : () -> ()
    %scan3A_29 = arith.constant 0 : i32
    %scan3A_30 = arith.constant 0 : i32
    %scan3A_31 = arith.constant 200 : i32
    %scan3A_32 = arith.addi %scan3A_30, %scan3A_31 : i32
    %scan3A_33 = arith.constant 1 : i32
    %scan3A_34 = scf.for %scan3A_148 = %scan3A_30 to %scan3A_32 step %scan3A_33 iter_args(%scan3A_149 = %scan3A_29) -> (i32)  : i32 {
      %mul3A_150 = arith.constant 16 : i32
      %mul3A_151 = arith.muli %scan3A_148, %mul3A_150 : i32
      %get3A_152 = arith.index_cast %mul3A_151 : i32 to index
      %get3A_153 = tpu.vector_load %arg9[%get3A_152] {strides = array<i32>} : memref<3200xf32, #tpu.memory_space<vmem>>, vector<16xf32>,
      %get3A_154 = vector.shape_cast %get3A_153 : vector<16xf32> to vector<16xf32>
      %get3A_155 = arith.index_cast %mul3A_151 : i32 to index
      %get3A_156 = tpu.vector_load %arg10[%get3A_155] {strides = array<i32>} : memref<3200xf32, #tpu.memory_space<vmem>>, vector<16xf32>,
      %get3A_157 = vector.shape_cast %get3A_156 : vector<16xf32> to vector<16xf32>
      %add3A_158 = arith.addf %get3A_154, %get3A_157 : vector<16xf32>
      %get3A_159 = arith.index_cast %mul3A_151 : i32 to index
      %get3A_160 = tpu.vector_load %arg11[%get3A_159] {strides = array<i32>} : memref<3200xf32, #tpu.memory_space<vmem>>, vector<16xf32>,
      %get3A_161 = vector.shape_cast %get3A_160 : vector<16xf32> to vector<16xf32>
      %div3A = arith.divf %add3A_158, %get3A_161 : vector<16xf32>
      %swap3A = arith.index_cast %mul3A_151 : i32 to index
      %swap3A_162 = tpu.vector_load %arg9[%swap3A] {strides = array<i32>} : memref<3200xf32, #tpu.memory_space<vmem>>, vector<16xf32>,
      %swap3A_163 = vector.shape_cast %swap3A_162 : vector<16xf32> to vector<16xf32>
      %swap3A_164 = vector.shape_cast %div3A : vector<16xf32> to vector<16xf32>
      tpu.vector_store %arg9[%swap3A], %swap3A_164 {strides = array<i32>} : memref<3200xf32, #tpu.memory_space<vmem>>, vector<16xf32>,
      %scan3A_165 = arith.constant 0 : i32
      scf.yield %scan3A_165 : i32
    }
    %scan3A_35 = arith.constant 200 : i32
    "tpu.region"() ({
      %run_scoped3A_148 = tpu.sem_alloc : memref<!tpu.dma_semaphore, #tpu.memory_space<semaphore_mem>>
      %dma_start3A = tpu.memref_slice %arg28[%mul3A_2] : memref<51200xf32, #tpu.memory_space<vmem_shared>> -> memref<3200xf32, #tpu.memory_space<vmem_shared>>
      %dma_start3A_149 = tpu.memref_slice %arg28[%mul3A_2] : memref<51200xf32, #tpu.memory_space<vmem_shared>> -> memref<3200xf32, #tpu.memory_space<vmem_shared>>
      tpu.enqueue_dma source(%arg9 : memref<3200xf32, #tpu.memory_space<vmem>>) target(%dma_start3A_149 : memref<3200xf32, #tpu.memory_space<vmem_shared>>) target_semaphore(%run_scoped3A_148 : memref<!tpu.dma_semaphore, #tpu.memory_space<semaphore_mem>>)
      %dma_wait3A = tpu.memref_slice %arg28[%mul3A_2] : memref<51200xf32, #tpu.memory_space<vmem_shared>> -> memref<3200xf32, #tpu.memory_space<vmem_shared>>
      %dma_wait3A_150 = tpu.memref_slice %arg28[%mul3A_2] : memref<51200xf32, #tpu.memory_space<vmem_shared>> -> memref<3200xf32, #tpu.memory_space<vmem_shared>>
      tpu.wait_dma2 semaphore(%run_scoped3A_148 : memref<!tpu.dma_semaphore, #tpu.memory_space<semaphore_mem>>) src(%arg9 : memref<3200xf32, #tpu.memory_space<vmem>>) dst(%dma_wait3A_150 : memref<3200xf32, #tpu.memory_space<vmem_shared>>)
      tpu.yield
    }) : () -> ()
    %run_scoped3A_36 = arith.constant 0 : i32
    %run_scoped3A_37 = arith.constant 1 : i32
    %run_scoped3A_38 = arith.constant 0 : i32
    "tpu.region"() ({
      %run_scoped3A_148 = tpu.sem_alloc : memref<!tpu.dma_semaphore, #tpu.memory_space<semaphore_mem>>
      %dma_start3A = tpu.memref_slice %arg5[%run_scoped3A_36, %run_scoped3A_37, %run_scoped3A_38, %mul3A_2] : memref<2x4x1x51200xf32, #tpu.memory_space<hbm>> -> memref<1x1x1x3200xf32, #tpu.memory_space<hbm>>
      %dma_start3A_149 = tpu.memref_squeeze %dma_start3A : memref<1x1x1x3200xf32, #tpu.memory_space<hbm>> -> memref<3200xf32, #tpu.memory_space<hbm>>
      %dma_start3A_150 = tpu.memref_slice %arg5[%run_scoped3A_36, %run_scoped3A_37, %run_scoped3A_38, %mul3A_2] : memref<2x4x1x51200xf32, #tpu.memory_space<hbm>> -> memref<1x1x1x3200xf32, #tpu.memory_space<hbm>>
      %dma_start3A_151 = tpu.memref_squeeze %dma_start3A_150 : memref<1x1x1x3200xf32, #tpu.memory_space<hbm>> -> memref<3200xf32, #tpu.memory_space<hbm>>
      tpu.enqueue_dma source(%dma_start3A_151 : memref<3200xf32, #tpu.memory_space<hbm>>) target(%arg9 : memref<3200xf32, #tpu.memory_space<vmem>>) target_semaphore(%run_scoped3A_148 : memref<!tpu.dma_semaphore, #tpu.memory_space<semaphore_mem>>)
      %dma_wait3A = tpu.memref_slice %arg5[%run_scoped3A_36, %run_scoped3A_37, %run_scoped3A_38, %mul3A_2] : memref<2x4x1x51200xf32, #tpu.memory_space<hbm>> -> memref<1x1x1x3200xf32, #tpu.memory_space<hbm>>
      %dma_wait3A_152 = tpu.memref_squeeze %dma_wait3A : memref<1x1x1x3200xf32, #tpu.memory_space<hbm>> -> memref<3200xf32, #tpu.memory_space<hbm>>
      %dma_wait3A_153 = tpu.memref_slice %arg5[%run_scoped3A_36, %run_scoped3A_37, %run_scoped3A_38, %mul3A_2] : memref<2x4x1x51200xf32, #tpu.memory_space<hbm>> -> memref<1x1x1x3200xf32, #tpu.memory_space<hbm>>
      %dma_wait3A_154 = tpu.memref_squeeze %dma_wait3A_153 : memref<1x1x1x3200xf32, #tpu.memory_space<hbm>> -> memref<3200xf32, #tpu.memory_space<hbm>>
      tpu.wait_dma2 semaphore(%run_scoped3A_148 : memref<!tpu.dma_semaphore, #tpu.memory_space<semaphore_mem>>) src(%dma_wait3A_154 : memref<3200xf32, #tpu.memory_space<hbm>>) dst(%arg9 : memref<3200xf32, #tpu.memory_space<vmem>>)
      tpu.yield
    }) : () -> ()
    %run_scoped3A_39 = arith.constant 1 : i32
    %run_scoped3A_40 = arith.constant 1 : i32
    %run_scoped3A_41 = arith.constant 0 : i32
    "tpu.region"() ({
      %run_scoped3A_148 = tpu.sem_alloc : memref<!tpu.dma_semaphore, #tpu.memory_space<semaphore_mem>>
      %dma_start3A = tpu.memref_slice %arg5[%run_scoped3A_39, %run_scoped3A_40, %run_scoped3A_41, %mul3A_2] : memref<2x4x1x51200xf32, #tpu.memory_space<hbm>> -> memref<1x1x1x3200xf32, #tpu.memory_space<hbm>>
      %dma_start3A_149 = tpu.memref_squeeze %dma_start3A : memref<1x1x1x3200xf32, #tpu.memory_space<hbm>> -> memref<3200xf32, #tpu.memory_space<hbm>>
      %dma_start3A_150 = tpu.memref_slice %arg5[%run_scoped3A_39, %run_scoped3A_40, %run_scoped3A_41, %mul3A_2] : memref<2x4x1x51200xf32, #tpu.memory_space<hbm>> -> memref<1x1x1x3200xf32, #tpu.memory_space<hbm>>
      %dma_start3A_151 = tpu.memref_squeeze %dma_start3A_150 : memref<1x1x1x3200xf32, #tpu.memory_space<hbm>> -> memref<3200xf32, #tpu.memory_space<hbm>>
      tpu.enqueue_dma source(%dma_start3A_151 : memref<3200xf32, #tpu.memory_space<hbm>>) target(%arg10 : memref<3200xf32, #tpu.memory_space<vmem>>) target_semaphore(%run_scoped3A_148 : memref<!tpu.dma_semaphore, #tpu.memory_space<semaphore_mem>>)
      %dma_wait3A = tpu.memref_slice %arg5[%run_scoped3A_39, %run_scoped3A_40, %run_scoped3A_41, %mul3A_2] : memref<2x4x1x51200xf32, #tpu.memory_space<hbm>> -> memref<1x1x1x3200xf32, #tpu.memory_space<hbm>>
      %dma_wait3A_152 = tpu.memref_squeeze %dma_wait3A : memref<1x1x1x3200xf32, #tpu.memory_space<hbm>> -> memref<3200xf32, #tpu.memory_space<hbm>>
      %dma_wait3A_153 = tpu.memref_slice %arg5[%run_scoped3A_39, %run_scoped3A_40, %run_scoped3A_41, %mul3A_2] : memref<2x4x1x51200xf32, #tpu.memory_space<hbm>> -> memref<1x1x1x3200xf32, #tpu.memory_space<hbm>>
      %dma_wait3A_154 = tpu.memref_squeeze %dma_wait3A_153 : memref<1x1x1x3200xf32, #tpu.memory_space<hbm>> -> memref<3200xf32, #tpu.memory_space<hbm>>
      tpu.wait_dma2 semaphore(%run_scoped3A_148 : memref<!tpu.dma_semaphore, #tpu.memory_space<semaphore_mem>>) src(%dma_wait3A_154 : memref<3200xf32, #tpu.memory_space<hbm>>) dst(%arg10 : memref<3200xf32, #tpu.memory_space<vmem>>)
      tpu.yield
    }) : () -> ()
    %scan3A_42 = arith.constant 0 : i32
    %scan3A_43 = arith.constant 0 : i32
    %scan3A_44 = arith.constant 200 : i32
    %scan3A_45 = arith.addi %scan3A_43, %scan3A_44 : i32
    %scan3A_46 = arith.constant 1 : i32
    %scan3A_47 = scf.for %scan3A_148 = %scan3A_43 to %scan3A_45 step %scan3A_46 iter_args(%scan3A_149 = %scan3A_42) -> (i32)  : i32 {
      %mul3A_150 = arith.constant 16 : i32
      %mul3A_151 = arith.muli %scan3A_148, %mul3A_150 : i32
      %get3A_152 = arith.index_cast %mul3A_151 : i32 to index
      %get3A_153 = tpu.vector_load %arg9[%get3A_152] {strides = array<i32>} : memref<3200xf32, #tpu.memory_space<vmem>>, vector<16xf32>,
      %get3A_154 = vector.shape_cast %get3A_153 : vector<16xf32> to vector<16xf32>
      %get3A_155 = arith.index_cast %mul3A_151 : i32 to index
      %get3A_156 = tpu.vector_load %arg10[%get3A_155] {strides = array<i32>} : memref<3200xf32, #tpu.memory_space<vmem>>, vector<16xf32>,
      %get3A_157 = vector.shape_cast %get3A_156 : vector<16xf32> to vector<16xf32>
      %add3A_158 = arith.addf %get3A_154, %get3A_157 : vector<16xf32>
      %add3A_159 = arith.constant 9.99999971E-10 : f32
      %add3A_160 = vector.broadcast %add3A_159 : f32 to vector<16xf32>
      %add3A_161 = arith.addf %add3A_158, %add3A_160 : vector<16xf32>
      %swap3A = arith.index_cast %mul3A_151 : i32 to index
      %swap3A_162 = tpu.vector_load %arg11[%swap3A] {strides = array<i32>} : memref<3200xf32, #tpu.memory_space<vmem>>, vector<16xf32>,
      %swap3A_163 = vector.shape_cast %swap3A_162 : vector<16xf32> to vector<16xf32>
      %swap3A_164 = vector.shape_cast %add3A_161 : vector<16xf32> to vector<16xf32>
      tpu.vector_store %arg11[%swap3A], %swap3A_164 {strides = array<i32>} : memref<3200xf32, #tpu.memory_space<vmem>>, vector<16xf32>,
      %scan3A_165 = arith.constant 0 : i32
      scf.yield %scan3A_165 : i32
    }
    %scan3A_48 = arith.constant 200 : i32
    %run_scoped3A_49 = arith.constant 0 : i32
    %run_scoped3A_50 = arith.constant 3 : i32
    %run_scoped3A_51 = arith.constant 0 : i32
    "tpu.region"() ({
      %run_scoped3A_148 = tpu.sem_alloc : memref<!tpu.dma_semaphore, #tpu.memory_space<semaphore_mem>>
      %dma_start3A = tpu.memref_slice %arg5[%run_scoped3A_49, %run_scoped3A_50, %run_scoped3A_51, %mul3A_2] : memref<2x4x1x51200xf32, #tpu.memory_space<hbm>> -> memref<1x1x1x3200xf32, #tpu.memory_space<hbm>>
      %dma_start3A_149 = tpu.memref_squeeze %dma_start3A : memref<1x1x1x3200xf32, #tpu.memory_space<hbm>> -> memref<3200xf32, #tpu.memory_space<hbm>>
      %dma_start3A_150 = tpu.memref_slice %arg5[%run_scoped3A_49, %run_scoped3A_50, %run_scoped3A_51, %mul3A_2] : memref<2x4x1x51200xf32, #tpu.memory_space<hbm>> -> memref<1x1x1x3200xf32, #tpu.memory_space<hbm>>
      %dma_start3A_151 = tpu.memref_squeeze %dma_start3A_150 : memref<1x1x1x3200xf32, #tpu.memory_space<hbm>> -> memref<3200xf32, #tpu.memory_space<hbm>>
      tpu.enqueue_dma source(%dma_start3A_151 : memref<3200xf32, #tpu.memory_space<hbm>>) target(%arg9 : memref<3200xf32, #tpu.memory_space<vmem>>) target_semaphore(%run_scoped3A_148 : memref<!tpu.dma_semaphore, #tpu.memory_space<semaphore_mem>>)
      %dma_wait3A = tpu.memref_slice %arg5[%run_scoped3A_49, %run_scoped3A_50, %run_scoped3A_51, %mul3A_2] : memref<2x4x1x51200xf32, #tpu.memory_space<hbm>> -> memref<1x1x1x3200xf32, #tpu.memory_space<hbm>>
      %dma_wait3A_152 = tpu.memref_squeeze %dma_wait3A : memref<1x1x1x3200xf32, #tpu.memory_space<hbm>> -> memref<3200xf32, #tpu.memory_space<hbm>>
      %dma_wait3A_153 = tpu.memref_slice %arg5[%run_scoped3A_49, %run_scoped3A_50, %run_scoped3A_51, %mul3A_2] : memref<2x4x1x51200xf32, #tpu.memory_space<hbm>> -> memref<1x1x1x3200xf32, #tpu.memory_space<hbm>>
      %dma_wait3A_154 = tpu.memref_squeeze %dma_wait3A_153 : memref<1x1x1x3200xf32, #tpu.memory_space<hbm>> -> memref<3200xf32, #tpu.memory_space<hbm>>
      tpu.wait_dma2 semaphore(%run_scoped3A_148 : memref<!tpu.dma_semaphore, #tpu.memory_space<semaphore_mem>>) src(%dma_wait3A_154 : memref<3200xf32, #tpu.memory_space<hbm>>) dst(%arg9 : memref<3200xf32, #tpu.memory_space<vmem>>)
      tpu.yield
    }) : () -> ()
    %run_scoped3A_52 = arith.constant 1 : i32
    %run_scoped3A_53 = arith.constant 3 : i32
    %run_scoped3A_54 = arith.constant 0 : i32
    "tpu.region"() ({
      %run_scoped3A_148 = tpu.sem_alloc : memref<!tpu.dma_semaphore, #tpu.memory_space<semaphore_mem>>
      %dma_start3A = tpu.memref_slice %arg5[%run_scoped3A_52, %run_scoped3A_53, %run_scoped3A_54, %mul3A_2] : memref<2x4x1x51200xf32, #tpu.memory_space<hbm>> -> memref<1x1x1x3200xf32, #tpu.memory_space<hbm>>
      %dma_start3A_149 = tpu.memref_squeeze %dma_start3A : memref<1x1x1x3200xf32, #tpu.memory_space<hbm>> -> memref<3200xf32, #tpu.memory_space<hbm>>
      %dma_start3A_150 = tpu.memref_slice %arg5[%run_scoped3A_52, %run_scoped3A_53, %run_scoped3A_54, %mul3A_2] : memref<2x4x1x51200xf32, #tpu.memory_space<hbm>> -> memref<1x1x1x3200xf32, #tpu.memory_space<hbm>>
      %dma_start3A_151 = tpu.memref_squeeze %dma_start3A_150 : memref<1x1x1x3200xf32, #tpu.memory_space<hbm>> -> memref<3200xf32, #tpu.memory_space<hbm>>
      tpu.enqueue_dma source(%dma_start3A_151 : memref<3200xf32, #tpu.memory_space<hbm>>) target(%arg10 : memref<3200xf32, #tpu.memory_space<vmem>>) target_semaphore(%run_scoped3A_148 : memref<!tpu.dma_semaphore, #tpu.memory_space<semaphore_mem>>)
      %dma_wait3A = tpu.memref_slice %arg5[%run_scoped3A_52, %run_scoped3A_53, %run_scoped3A_54, %mul3A_2] : memref<2x4x1x51200xf32, #tpu.memory_space<hbm>> -> memref<1x1x1x3200xf32, #tpu.memory_space<hbm>>
      %dma_wait3A_152 = tpu.memref_squeeze %dma_wait3A : memref<1x1x1x3200xf32, #tpu.memory_space<hbm>> -> memref<3200xf32, #tpu.memory_space<hbm>>
      %dma_wait3A_153 = tpu.memref_slice %arg5[%run_scoped3A_52, %run_scoped3A_53, %run_scoped3A_54, %mul3A_2] : memref<2x4x1x51200xf32, #tpu.memory_space<hbm>> -> memref<1x1x1x3200xf32, #tpu.memory_space<hbm>>
      %dma_wait3A_154 = tpu.memref_squeeze %dma_wait3A_153 : memref<1x1x1x3200xf32, #tpu.memory_space<hbm>> -> memref<3200xf32, #tpu.memory_space<hbm>>
      tpu.wait_dma2 semaphore(%run_scoped3A_148 : memref<!tpu.dma_semaphore, #tpu.memory_space<semaphore_mem>>) src(%dma_wait3A_154 : memref<3200xf32, #tpu.memory_space<hbm>>) dst(%arg10 : memref<3200xf32, #tpu.memory_space<vmem>>)
      tpu.yield
    }) : () -> ()
    %scan3A_55 = arith.constant 0 : i32
    %scan3A_56 = arith.constant 0 : i32
    %scan3A_57 = arith.constant 200 : i32
    %scan3A_58 = arith.addi %scan3A_56, %scan3A_57 : i32
    %scan3A_59 = arith.constant 1 : i32
    %scan3A_60 = scf.for %scan3A_148 = %scan3A_56 to %scan3A_58 step %scan3A_59 iter_args(%scan3A_149 = %scan3A_55) -> (i32)  : i32 {
      %mul3A_150 = arith.constant 16 : i32
      %mul3A_151 = arith.muli %scan3A_148, %mul3A_150 : i32
      %get3A_152 = arith.index_cast %mul3A_151 : i32 to index
      %get3A_153 = tpu.vector_load %arg9[%get3A_152] {strides = array<i32>} : memref<3200xf32, #tpu.memory_space<vmem>>, vector<16xf32>,
      %get3A_154 = vector.shape_cast %get3A_153 : vector<16xf32> to vector<16xf32>
      %get3A_155 = arith.index_cast %mul3A_151 : i32 to index
      %get3A_156 = tpu.vector_load %arg10[%get3A_155] {strides = array<i32>} : memref<3200xf32, #tpu.memory_space<vmem>>, vector<16xf32>,
      %get3A_157 = vector.shape_cast %get3A_156 : vector<16xf32> to vector<16xf32>
      %add3A_158 = arith.addf %get3A_154, %get3A_157 : vector<16xf32>
      %get3A_159 = arith.index_cast %mul3A_151 : i32 to index
      %get3A_160 = tpu.vector_load %arg11[%get3A_159] {strides = array<i32>} : memref<3200xf32, #tpu.memory_space<vmem>>, vector<16xf32>,
      %get3A_161 = vector.shape_cast %get3A_160 : vector<16xf32> to vector<16xf32>
      %div3A = arith.divf %add3A_158, %get3A_161 : vector<16xf32>
      %swap3A = arith.index_cast %mul3A_151 : i32 to index
      %swap3A_162 = tpu.vector_load %arg9[%swap3A] {strides = array<i32>} : memref<3200xf32, #tpu.memory_space<vmem>>, vector<16xf32>,
      %swap3A_163 = vector.shape_cast %swap3A_162 : vector<16xf32> to vector<16xf32>
      %swap3A_164 = vector.shape_cast %div3A : vector<16xf32> to vector<16xf32>
      tpu.vector_store %arg9[%swap3A], %swap3A_164 {strides = array<i32>} : memref<3200xf32, #tpu.memory_space<vmem>>, vector<16xf32>,
      %scan3A_165 = arith.constant 0 : i32
      scf.yield %scan3A_165 : i32
    }
    %scan3A_61 = arith.constant 200 : i32
    "tpu.region"() ({
      %run_scoped3A_148 = tpu.sem_alloc : memref<!tpu.dma_semaphore, #tpu.memory_space<semaphore_mem>>
      %dma_start3A = tpu.memref_slice %arg29[%mul3A_2] : memref<51200xf32, #tpu.memory_space<vmem_shared>> -> memref<3200xf32, #tpu.memory_space<vmem_shared>>
      %dma_start3A_149 = tpu.memref_slice %arg29[%mul3A_2] : memref<51200xf32, #tpu.memory_space<vmem_shared>> -> memref<3200xf32, #tpu.memory_space<vmem_shared>>
      tpu.enqueue_dma source(%arg9 : memref<3200xf32, #tpu.memory_space<vmem>>) target(%dma_start3A_149 : memref<3200xf32, #tpu.memory_space<vmem_shared>>) target_semaphore(%run_scoped3A_148 : memref<!tpu.dma_semaphore, #tpu.memory_space<semaphore_mem>>)
      %dma_wait3A = tpu.memref_slice %arg29[%mul3A_2] : memref<51200xf32, #tpu.memory_space<vmem_shared>> -> memref<3200xf32, #tpu.memory_space<vmem_shared>>
      %dma_wait3A_150 = tpu.memref_slice %arg29[%mul3A_2] : memref<51200xf32, #tpu.memory_space<vmem_shared>> -> memref<3200xf32, #tpu.memory_space<vmem_shared>>
      tpu.wait_dma2 semaphore(%run_scoped3A_148 : memref<!tpu.dma_semaphore, #tpu.memory_space<semaphore_mem>>) src(%arg9 : memref<3200xf32, #tpu.memory_space<vmem>>) dst(%dma_wait3A_150 : memref<3200xf32, #tpu.memory_space<vmem_shared>>)
      tpu.yield
    }) : () -> ()
    "tpu.region"() ({
      %run_scoped3A_148 = tpu.sem_alloc : memref<!tpu.dma_semaphore, #tpu.memory_space<semaphore_mem>>
      tpu.enqueue_dma source(%arg7 : memref<16xf32, #tpu.memory_space<hbm>>) target(%arg14 : memref<16xf32, #tpu.memory_space<vmem>>) target_semaphore(%run_scoped3A_148 : memref<!tpu.dma_semaphore, #tpu.memory_space<semaphore_mem>>)
      tpu.wait_dma2 semaphore(%run_scoped3A_148 : memref<!tpu.dma_semaphore, #tpu.memory_space<semaphore_mem>>) src(%arg7 : memref<16xf32, #tpu.memory_space<hbm>>) dst(%arg14 : memref<16xf32, #tpu.memory_space<vmem>>)
      tpu.yield
    }) : () -> ()
    %run_scoped3A_62 = arith.constant 0 : i32
    %run_scoped3A_63 = arith.constant 0 : i32
    "tpu.region"() ({
      %run_scoped3A_148 = tpu.sem_alloc : memref<!tpu.dma_semaphore, #tpu.memory_space<semaphore_mem>>
      %dma_start3A = arith.constant 0 : i32
      %dma_start3A_149 = tpu.memref_slice %arg6[%run_scoped3A_62, %run_scoped3A_63, %dma_start3A] : memref<2x1x16xf32, #tpu.memory_space<hbm>> -> memref<1x1x16xf32, #tpu.memory_space<hbm>>
      %dma_start3A_150 = tpu.memref_squeeze %dma_start3A_149 : memref<1x1x16xf32, #tpu.memory_space<hbm>> -> memref<16xf32, #tpu.memory_space<hbm>>
      %dma_start3A_151 = arith.constant 0 : i32
      %dma_start3A_152 = tpu.memref_slice %arg6[%run_scoped3A_62, %run_scoped3A_63, %dma_start3A_151] : memref<2x1x16xf32, #tpu.memory_space<hbm>> -> memref<1x1x16xf32, #tpu.memory_space<hbm>>
      %dma_start3A_153 = tpu.memref_squeeze %dma_start3A_152 : memref<1x1x16xf32, #tpu.memory_space<hbm>> -> memref<16xf32, #tpu.memory_space<hbm>>
      tpu.enqueue_dma source(%dma_start3A_153 : memref<16xf32, #tpu.memory_space<hbm>>) target(%arg12 : memref<16xf32, #tpu.memory_space<vmem>>) target_semaphore(%run_scoped3A_148 : memref<!tpu.dma_semaphore, #tpu.memory_space<semaphore_mem>>)
      %dma_wait3A = arith.constant 0 : i32
      %dma_wait3A_154 = tpu.memref_slice %arg6[%run_scoped3A_62, %run_scoped3A_63, %dma_wait3A] : memref<2x1x16xf32, #tpu.memory_space<hbm>> -> memref<1x1x16xf32, #tpu.memory_space<hbm>>
      %dma_wait3A_155 = tpu.memref_squeeze %dma_wait3A_154 : memref<1x1x16xf32, #tpu.memory_space<hbm>> -> memref<16xf32, #tpu.memory_space<hbm>>
      %dma_wait3A_156 = arith.constant 0 : i32
      %dma_wait3A_157 = tpu.memref_slice %arg6[%run_scoped3A_62, %run_scoped3A_63, %dma_wait3A_156] : memref<2x1x16xf32, #tpu.memory_space<hbm>> -> memref<1x1x16xf32, #tpu.memory_space<hbm>>
      %dma_wait3A_158 = tpu.memref_squeeze %dma_wait3A_157 : memref<1x1x16xf32, #tpu.memory_space<hbm>> -> memref<16xf32, #tpu.memory_space<hbm>>
      tpu.wait_dma2 semaphore(%run_scoped3A_148 : memref<!tpu.dma_semaphore, #tpu.memory_space<semaphore_mem>>) src(%dma_wait3A_158 : memref<16xf32, #tpu.memory_space<hbm>>) dst(%arg12 : memref<16xf32, #tpu.memory_space<vmem>>)
      tpu.yield
    }) : () -> ()
    %run_scoped3A_64 = arith.constant 1 : i32
    %run_scoped3A_65 = arith.constant 0 : i32
    "tpu.region"() ({
      %run_scoped3A_148 = tpu.sem_alloc : memref<!tpu.dma_semaphore, #tpu.memory_space<semaphore_mem>>
      %dma_start3A = arith.constant 0 : i32
      %dma_start3A_149 = tpu.memref_slice %arg6[%run_scoped3A_64, %run_scoped3A_65, %dma_start3A] : memref<2x1x16xf32, #tpu.memory_space<hbm>> -> memref<1x1x16xf32, #tpu.memory_space<hbm>>
      %dma_start3A_150 = tpu.memref_squeeze %dma_start3A_149 : memref<1x1x16xf32, #tpu.memory_space<hbm>> -> memref<16xf32, #tpu.memory_space<hbm>>
      %dma_start3A_151 = arith.constant 0 : i32
      %dma_start3A_152 = tpu.memref_slice %arg6[%run_scoped3A_64, %run_scoped3A_65, %dma_start3A_151] : memref<2x1x16xf32, #tpu.memory_space<hbm>> -> memref<1x1x16xf32, #tpu.memory_space<hbm>>
      %dma_start3A_153 = tpu.memref_squeeze %dma_start3A_152 : memref<1x1x16xf32, #tpu.memory_space<hbm>> -> memref<16xf32, #tpu.memory_space<hbm>>
      tpu.enqueue_dma source(%dma_start3A_153 : memref<16xf32, #tpu.memory_space<hbm>>) target(%arg13 : memref<16xf32, #tpu.memory_space<vmem>>) target_semaphore(%run_scoped3A_148 : memref<!tpu.dma_semaphore, #tpu.memory_space<semaphore_mem>>)
      %dma_wait3A = arith.constant 0 : i32
      %dma_wait3A_154 = tpu.memref_slice %arg6[%run_scoped3A_64, %run_scoped3A_65, %dma_wait3A] : memref<2x1x16xf32, #tpu.memory_space<hbm>> -> memref<1x1x16xf32, #tpu.memory_space<hbm>>
      %dma_wait3A_155 = tpu.memref_squeeze %dma_wait3A_154 : memref<1x1x16xf32, #tpu.memory_space<hbm>> -> memref<16xf32, #tpu.memory_space<hbm>>
      %dma_wait3A_156 = arith.constant 0 : i32
      %dma_wait3A_157 = tpu.memref_slice %arg6[%run_scoped3A_64, %run_scoped3A_65, %dma_wait3A_156] : memref<2x1x16xf32, #tpu.memory_space<hbm>> -> memref<1x1x16xf32, #tpu.memory_space<hbm>>
      %dma_wait3A_158 = tpu.memref_squeeze %dma_wait3A_157 : memref<1x1x16xf32, #tpu.memory_space<hbm>> -> memref<16xf32, #tpu.memory_space<hbm>>
      tpu.wait_dma2 semaphore(%run_scoped3A_148 : memref<!tpu.dma_semaphore, #tpu.memory_space<semaphore_mem>>) src(%dma_wait3A_158 : memref<16xf32, #tpu.memory_space<hbm>>) dst(%arg13 : memref<16xf32, #tpu.memory_space<vmem>>)
      tpu.yield
    }) : () -> ()
    %barrier3A = arith.constant 0 : index
    tpu.barrier barrier_id(%barrier3A)
    %get3A = arith.constant 0 : index
    %get3A_66 = tpu.vector_load %arg12[%get3A] {strides = array<i32>} : memref<16xf32, #tpu.memory_space<vmem>>, vector<16xf32>,
    %get3A_67 = vector.shape_cast %get3A_66 : vector<16xf32> to vector<16xf32>
    %get3A_68 = arith.constant 0 : index
    %get3A_69 = tpu.vector_load %arg13[%get3A_68] {strides = array<i32>} : memref<16xf32, #tpu.memory_space<vmem>>, vector<16xf32>,
    %get3A_70 = vector.shape_cast %get3A_69 : vector<16xf32> to vector<16xf32>
    %max3A = arith.maximumf %get3A_67, %get3A_70 : vector<16xf32>
    %get3A_71 = arith.constant 0 : index
    %get3A_72 = tpu.vector_load %arg14[%get3A_71] {strides = array<i32>} : memref<16xf32, #tpu.memory_space<vmem>>, vector<16xf32>,
    %get3A_73 = vector.shape_cast %get3A_72 : vector<16xf32> to vector<16xf32>
    %broadcast_in_dim3A = arith.constant 0 : i32
    %broadcast_in_dim3A_74 = vector.broadcast %broadcast_in_dim3A : i32 to vector<16xi32>
    %broadcast_in_dim3A_75 = vector.shape_cast %broadcast_in_dim3A_74 : vector<16xi32> to vector<16x1xi32>
    %gather3A = vector.shape_cast %broadcast_in_dim3A_75 : vector<16x1xi32> to vector<16xi32>
    %gather3A_76 = tpu.dynamic_gather %get3A_73[%gather3A] in [0] : vector<16xf32>, vector<16xi32> -> vector<16xf32>
    %broadcast_in_dim3A_77 = arith.constant 1 : i32
    %broadcast_in_dim3A_78 = vector.broadcast %broadcast_in_dim3A_77 : i32 to vector<16xi32>
    %broadcast_in_dim3A_79 = vector.shape_cast %broadcast_in_dim3A_78 : vector<16xi32> to vector<16x1xi32>
    %gather3A_80 = vector.shape_cast %broadcast_in_dim3A_79 : vector<16x1xi32> to vector<16xi32>
    %gather3A_81 = tpu.dynamic_gather %get3A_73[%gather3A_80] in [0] : vector<16xf32>, vector<16xi32> -> vector<16xf32>
    %broadcast_in_dim3A_82 = arith.constant 2 : i32
    %broadcast_in_dim3A_83 = vector.broadcast %broadcast_in_dim3A_82 : i32 to vector<16xi32>
    %broadcast_in_dim3A_84 = vector.shape_cast %broadcast_in_dim3A_83 : vector<16xi32> to vector<16x1xi32>
    %gather3A_85 = vector.shape_cast %broadcast_in_dim3A_84 : vector<16x1xi32> to vector<16xi32>
    %gather3A_86 = tpu.dynamic_gather %get3A_73[%gather3A_85] in [0] : vector<16xf32>, vector<16xi32> -> vector<16xf32>
    %broadcast_in_dim3A_87 = arith.constant 3 : i32
    %broadcast_in_dim3A_88 = vector.broadcast %broadcast_in_dim3A_87 : i32 to vector<16xi32>
    %broadcast_in_dim3A_89 = vector.shape_cast %broadcast_in_dim3A_88 : vector<16xi32> to vector<16x1xi32>
    %gather3A_90 = vector.shape_cast %broadcast_in_dim3A_89 : vector<16x1xi32> to vector<16xi32>
    %gather3A_91 = tpu.dynamic_gather %get3A_73[%gather3A_90] in [0] : vector<16xf32>, vector<16xi32> -> vector<16xf32>
    %broadcast_in_dim3A_92 = arith.constant 4 : i32
    %broadcast_in_dim3A_93 = vector.broadcast %broadcast_in_dim3A_92 : i32 to vector<16xi32>
    %broadcast_in_dim3A_94 = vector.shape_cast %broadcast_in_dim3A_93 : vector<16xi32> to vector<16x1xi32>
    %gather3A_95 = vector.shape_cast %broadcast_in_dim3A_94 : vector<16x1xi32> to vector<16xi32>
    %gather3A_96 = tpu.dynamic_gather %get3A_73[%gather3A_95] in [0] : vector<16xf32>, vector<16xi32> -> vector<16xf32>
    %broadcast_in_dim3A_97 = arith.constant 5 : i32
    %broadcast_in_dim3A_98 = vector.broadcast %broadcast_in_dim3A_97 : i32 to vector<16xi32>
    %broadcast_in_dim3A_99 = vector.shape_cast %broadcast_in_dim3A_98 : vector<16xi32> to vector<16x1xi32>
    %gather3A_100 = vector.shape_cast %broadcast_in_dim3A_99 : vector<16x1xi32> to vector<16xi32>
    %gather3A_101 = tpu.dynamic_gather %get3A_73[%gather3A_100] in [0] : vector<16xf32>, vector<16xi32> -> vector<16xf32>
    %broadcast_in_dim3A_102 = arith.constant 6 : i32
    %broadcast_in_dim3A_103 = vector.broadcast %broadcast_in_dim3A_102 : i32 to vector<16xi32>
    %broadcast_in_dim3A_104 = vector.shape_cast %broadcast_in_dim3A_103 : vector<16xi32> to vector<16x1xi32>
    %gather3A_105 = vector.shape_cast %broadcast_in_dim3A_104 : vector<16x1xi32> to vector<16xi32>
    %gather3A_106 = tpu.dynamic_gather %get3A_73[%gather3A_105] in [0] : vector<16xf32>, vector<16xi32> -> vector<16xf32>
    %broadcast_in_dim3A_107 = arith.constant 7 : i32
    %broadcast_in_dim3A_108 = vector.broadcast %broadcast_in_dim3A_107 : i32 to vector<16xi32>
    %broadcast_in_dim3A_109 = vector.shape_cast %broadcast_in_dim3A_108 : vector<16xi32> to vector<16x1xi32>
    %gather3A_110 = vector.shape_cast %broadcast_in_dim3A_109 : vector<16x1xi32> to vector<16xi32>
    %gather3A_111 = tpu.dynamic_gather %get3A_73[%gather3A_110] in [0] : vector<16xf32>, vector<16xi32> -> vector<16xf32>
    %max3A_112 = arith.constant 0.000000e+00 : f32
    %max3A_113 = vector.broadcast %max3A_112 : f32 to vector<16xf32>
    %max3A_114 = arith.maximumf %gather3A_76, %max3A_113 : vector<16xf32>
    %max3A_115 = arith.constant 0.000000e+00 : f32
    %max3A_116 = vector.broadcast %max3A_115 : f32 to vector<16xf32>
    %max3A_117 = arith.maximumf %gather3A_86, %max3A_116 : vector<16xf32>
    %add3A_118 = arith.addf %max3A_114, %max3A_117 : vector<16xf32>
    %mul3A_119 = arith.mulf %max3A, %add3A_118 : vector<16xf32>
    %max3A_120 = arith.constant 0.000000e+00 : f32
    %max3A_121 = vector.broadcast %max3A_120 : f32 to vector<16xf32>
    %max3A_122 = arith.maximumf %gather3A_81, %max3A_121 : vector<16xf32>
    %max3A_123 = arith.constant 0.000000e+00 : f32
    %max3A_124 = vector.broadcast %max3A_123 : f32 to vector<16xf32>
    %max3A_125 = arith.maximumf %gather3A_91, %max3A_124 : vector<16xf32>
    %add3A_126 = arith.addf %max3A_122, %max3A_125 : vector<16xf32>
    %mul3A_127 = arith.mulf %max3A, %add3A_126 : vector<16xf32>
    %scan3A_128 = arith.constant 0 : i32
    %scan3A_129 = arith.constant 0 : i32
    %scan3A_130 = arith.constant 4 : i32
    %scan3A_131 = arith.addi %scan3A_129, %scan3A_130 : i32
    %scan3A_132 = arith.constant 1 : i32
    %scan3A_133 = scf.for %scan3A_148 = %scan3A_129 to %scan3A_131 step %scan3A_132 iter_args(%scan3A_149 = %scan3A_128) -> (i32)  : i32 {
      %mul3A_150 = arith.constant 6400 : i32
      %mul3A_151 = arith.muli %scan3A_148, %mul3A_150 : i32
      %add3A_152 = arith.addi %mul3A_4, %mul3A_151 : i32
      "tpu.region"() ({
        %run_scoped3A_161 = tpu.sem_alloc : memref<!tpu.dma_semaphore, #tpu.memory_space<semaphore_mem>>
        %dma_start3A = tpu.memref_slice %arg2[%add3A_152] : memref<819200xi32, #tpu.memory_space<hbm>> -> memref<6400xi32, #tpu.memory_space<hbm>>
        %dma_start3A_162 = tpu.memref_slice %arg2[%add3A_152] : memref<819200xi32, #tpu.memory_space<hbm>> -> memref<6400xi32, #tpu.memory_space<hbm>>
        tpu.enqueue_dma source(%dma_start3A_162 : memref<6400xi32, #tpu.memory_space<hbm>>) target(%arg15 : memref<6400xi32, #tpu.memory_space<vmem>>) target_semaphore(%run_scoped3A_161 : memref<!tpu.dma_semaphore, #tpu.memory_space<semaphore_mem>>)
        %dma_wait3A = tpu.memref_slice %arg2[%add3A_152] : memref<819200xi32, #tpu.memory_space<hbm>> -> memref<6400xi32, #tpu.memory_space<hbm>>
        %dma_wait3A_163 = tpu.memref_slice %arg2[%add3A_152] : memref<819200xi32, #tpu.memory_space<hbm>> -> memref<6400xi32, #tpu.memory_space<hbm>>
        tpu.wait_dma2 semaphore(%run_scoped3A_161 : memref<!tpu.dma_semaphore, #tpu.memory_space<semaphore_mem>>) src(%dma_wait3A_163 : memref<6400xi32, #tpu.memory_space<hbm>>) dst(%arg15 : memref<6400xi32, #tpu.memory_space<vmem>>)
        tpu.yield
      }) : () -> ()
      "tpu.region"() ({
        %run_scoped3A_161 = tpu.sem_alloc : memref<!tpu.dma_semaphore, #tpu.memory_space<semaphore_mem>>
        %dma_start3A = tpu.memref_slice %arg3[%add3A_152] : memref<819200xi32, #tpu.memory_space<hbm>> -> memref<6400xi32, #tpu.memory_space<hbm>>
        %dma_start3A_162 = tpu.memref_slice %arg3[%add3A_152] : memref<819200xi32, #tpu.memory_space<hbm>> -> memref<6400xi32, #tpu.memory_space<hbm>>
        tpu.enqueue_dma source(%dma_start3A_162 : memref<6400xi32, #tpu.memory_space<hbm>>) target(%arg16 : memref<6400xi32, #tpu.memory_space<vmem>>) target_semaphore(%run_scoped3A_161 : memref<!tpu.dma_semaphore, #tpu.memory_space<semaphore_mem>>)
        %dma_wait3A = tpu.memref_slice %arg3[%add3A_152] : memref<819200xi32, #tpu.memory_space<hbm>> -> memref<6400xi32, #tpu.memory_space<hbm>>
        %dma_wait3A_163 = tpu.memref_slice %arg3[%add3A_152] : memref<819200xi32, #tpu.memory_space<hbm>> -> memref<6400xi32, #tpu.memory_space<hbm>>
        tpu.wait_dma2 semaphore(%run_scoped3A_161 : memref<!tpu.dma_semaphore, #tpu.memory_space<semaphore_mem>>) src(%dma_wait3A_163 : memref<6400xi32, #tpu.memory_space<hbm>>) dst(%arg16 : memref<6400xi32, #tpu.memory_space<vmem>>)
        tpu.yield
      }) : () -> ()
      "tpu.region"() ({
        %run_scoped3A_161 = tpu.sem_alloc : memref<!tpu.dma_semaphore, #tpu.memory_space<semaphore_mem>>
        %dma_start3A = tpu.memref_slice %arg4[%add3A_152] : memref<819200xf32, #tpu.memory_space<hbm>> -> memref<6400xf32, #tpu.memory_space<hbm>>
        %dma_start3A_162 = tpu.memref_slice %arg4[%add3A_152] : memref<819200xf32, #tpu.memory_space<hbm>> -> memref<6400xf32, #tpu.memory_space<hbm>>
        tpu.enqueue_dma source(%dma_start3A_162 : memref<6400xf32, #tpu.memory_space<hbm>>) target(%arg17 : memref<6400xf32, #tpu.memory_space<vmem>>) target_semaphore(%run_scoped3A_161 : memref<!tpu.dma_semaphore, #tpu.memory_space<semaphore_mem>>)
        %dma_wait3A = tpu.memref_slice %arg4[%add3A_152] : memref<819200xf32, #tpu.memory_space<hbm>> -> memref<6400xf32, #tpu.memory_space<hbm>>
        %dma_wait3A_163 = tpu.memref_slice %arg4[%add3A_152] : memref<819200xf32, #tpu.memory_space<hbm>> -> memref<6400xf32, #tpu.memory_space<hbm>>
        tpu.wait_dma2 semaphore(%run_scoped3A_161 : memref<!tpu.dma_semaphore, #tpu.memory_space<semaphore_mem>>) src(%dma_wait3A_163 : memref<6400xf32, #tpu.memory_space<hbm>>) dst(%arg17 : memref<6400xf32, #tpu.memory_space<vmem>>)
        tpu.yield
      }) : () -> ()
      "tpu.region"() ({
        %run_scoped3A_161 = tpu.sem_alloc : memref<!tpu.dma_semaphore, #tpu.memory_space<semaphore_mem>>
        %dma_start3A = arith.constant 0 : i32
        %dma_start3A_162 = tpu.memref_slice %arg28[%dma_start3A] : memref<51200xf32, #tpu.memory_space<vmem_shared>> -> memref<51200xf32, #tpu.memory_space<vmem_shared>>
        tpu.enqueue_indirect_dma source(%dma_start3A_162 : memref<51200xf32, #tpu.memory_space<vmem_shared>>) target(%arg18 : memref<6400xf32, #tpu.memory_space<vmem>>) offsets(%arg15 : memref<6400xi32, #tpu.memory_space<vmem>>) semaphore(%run_scoped3A_161 : memref<!tpu.dma_semaphore, #tpu.memory_space<semaphore_mem>>)
        %dma_wait3A = arith.constant 0 : i32
        %dma_wait3A_163 = tpu.memref_slice %arg28[%dma_wait3A] : memref<51200xf32, #tpu.memory_space<vmem_shared>> -> memref<51200xf32, #tpu.memory_space<vmem_shared>>
        tpu.wait_indirect_dma semaphore(%run_scoped3A_161 : memref<!tpu.dma_semaphore, #tpu.memory_space<semaphore_mem>>) src(%dma_wait3A_163 : memref<51200xf32, #tpu.memory_space<vmem_shared>>) dst(%arg18 : memref<6400xf32, #tpu.memory_space<vmem>>)
        tpu.yield
      }) : () -> ()
      "tpu.region"() ({
        %run_scoped3A_161 = tpu.sem_alloc : memref<!tpu.dma_semaphore, #tpu.memory_space<semaphore_mem>>
        %dma_start3A = arith.constant 0 : i32
        %dma_start3A_162 = tpu.memref_slice %arg29[%dma_start3A] : memref<51200xf32, #tpu.memory_space<vmem_shared>> -> memref<51200xf32, #tpu.memory_space<vmem_shared>>
        tpu.enqueue_indirect_dma source(%dma_start3A_162 : memref<51200xf32, #tpu.memory_space<vmem_shared>>) target(%arg19 : memref<6400xf32, #tpu.memory_space<vmem>>) offsets(%arg15 : memref<6400xi32, #tpu.memory_space<vmem>>) semaphore(%run_scoped3A_161 : memref<!tpu.dma_semaphore, #tpu.memory_space<semaphore_mem>>)
        %dma_wait3A = arith.constant 0 : i32
        %dma_wait3A_163 = tpu.memref_slice %arg29[%dma_wait3A] : memref<51200xf32, #tpu.memory_space<vmem_shared>> -> memref<51200xf32, #tpu.memory_space<vmem_shared>>
        tpu.wait_indirect_dma semaphore(%run_scoped3A_161 : memref<!tpu.dma_semaphore, #tpu.memory_space<semaphore_mem>>) src(%dma_wait3A_163 : memref<51200xf32, #tpu.memory_space<vmem_shared>>) dst(%arg19 : memref<6400xf32, #tpu.memory_space<vmem>>)
        tpu.yield
      }) : () -> ()
      "tpu.region"() ({
        %run_scoped3A_161 = tpu.sem_alloc : memref<!tpu.dma_semaphore, #tpu.memory_space<semaphore_mem>>
        %dma_start3A = arith.constant 0 : i32
        %dma_start3A_162 = tpu.memref_slice %arg28[%dma_start3A] : memref<51200xf32, #tpu.memory_space<vmem_shared>> -> memref<51200xf32, #tpu.memory_space<vmem_shared>>
        tpu.enqueue_indirect_dma source(%dma_start3A_162 : memref<51200xf32, #tpu.memory_space<vmem_shared>>) target(%arg20 : memref<6400xf32, #tpu.memory_space<vmem>>) offsets(%arg16 : memref<6400xi32, #tpu.memory_space<vmem>>) semaphore(%run_scoped3A_161 : memref<!tpu.dma_semaphore, #tpu.memory_space<semaphore_mem>>)
        %dma_wait3A = arith.constant 0 : i32
        %dma_wait3A_163 = tpu.memref_slice %arg28[%dma_wait3A] : memref<51200xf32, #tpu.memory_space<vmem_shared>> -> memref<51200xf32, #tpu.memory_space<vmem_shared>>
        tpu.wait_indirect_dma semaphore(%run_scoped3A_161 : memref<!tpu.dma_semaphore, #tpu.memory_space<semaphore_mem>>) src(%dma_wait3A_163 : memref<51200xf32, #tpu.memory_space<vmem_shared>>) dst(%arg20 : memref<6400xf32, #tpu.memory_space<vmem>>)
        tpu.yield
      }) : () -> ()
      "tpu.region"() ({
        %run_scoped3A_161 = tpu.sem_alloc : memref<!tpu.dma_semaphore, #tpu.memory_space<semaphore_mem>>
        %dma_start3A = arith.constant 0 : i32
        %dma_start3A_162 = tpu.memref_slice %arg29[%dma_start3A] : memref<51200xf32, #tpu.memory_space<vmem_shared>> -> memref<51200xf32, #tpu.memory_space<vmem_shared>>
        tpu.enqueue_indirect_dma source(%dma_start3A_162 : memref<51200xf32, #tpu.memory_space<vmem_shared>>) target(%arg21 : memref<6400xf32, #tpu.memory_space<vmem>>) offsets(%arg16 : memref<6400xi32, #tpu.memory_space<vmem>>) semaphore(%run_scoped3A_161 : memref<!tpu.dma_semaphore, #tpu.memory_space<semaphore_mem>>)
        %dma_wait3A = arith.constant 0 : i32
        %dma_wait3A_163 = tpu.memref_slice %arg29[%dma_wait3A] : memref<51200xf32, #tpu.memory_space<vmem_shared>> -> memref<51200xf32, #tpu.memory_space<vmem_shared>>
        tpu.wait_indirect_dma semaphore(%run_scoped3A_161 : memref<!tpu.dma_semaphore, #tpu.memory_space<semaphore_mem>>) src(%dma_wait3A_163 : memref<51200xf32, #tpu.memory_space<vmem_shared>>) dst(%arg21 : memref<6400xf32, #tpu.memory_space<vmem>>)
        tpu.yield
      }) : () -> ()
      %scan3A_153 = arith.constant 0 : i32
      %scan3A_154 = arith.constant 0 : i32
      %scan3A_155 = arith.constant 400 : i32
      %scan3A_156 = arith.addi %scan3A_154, %scan3A_155 : i32
      %scan3A_157 = arith.constant 1 : i32
      %scan3A_158 = scf.for %scan3A_161 = %scan3A_154 to %scan3A_156 step %scan3A_157 iter_args(%scan3A_162 = %scan3A_153) -> (i32)  : i32 {
        %mul3A_163 = arith.constant 16 : i32
        %mul3A_164 = arith.muli %scan3A_161, %mul3A_163 : i32
        %get3A_165 = arith.index_cast %mul3A_164 : i32 to index
        %get3A_166 = tpu.vector_load %arg17[%get3A_165] {strides = array<i32>} : memref<6400xf32, #tpu.memory_space<vmem>>, vector<16xf32>,
        %get3A_167 = vector.shape_cast %get3A_166 : vector<16xf32> to vector<16xf32>
        %get3A_168 = arith.index_cast %mul3A_164 : i32 to index
        %get3A_169 = tpu.vector_load %arg18[%get3A_168] {strides = array<i32>} : memref<6400xf32, #tpu.memory_space<vmem>>, vector<16xf32>,
        %get3A_170 = vector.shape_cast %get3A_169 : vector<16xf32> to vector<16xf32>
        %get3A_171 = arith.index_cast %mul3A_164 : i32 to index
        %get3A_172 = tpu.vector_load %arg19[%get3A_171] {strides = array<i32>} : memref<6400xf32, #tpu.memory_space<vmem>>, vector<16xf32>,
        %get3A_173 = vector.shape_cast %get3A_172 : vector<16xf32> to vector<16xf32>
        %get3A_174 = arith.index_cast %mul3A_164 : i32 to index
        %get3A_175 = tpu.vector_load %arg20[%get3A_174] {strides = array<i32>} : memref<6400xf32, #tpu.memory_space<vmem>>, vector<16xf32>,
        %get3A_176 = vector.shape_cast %get3A_175 : vector<16xf32> to vector<16xf32>
        %get3A_177 = arith.index_cast %mul3A_164 : i32 to index
        %get3A_178 = tpu.vector_load %arg21[%get3A_177] {strides = array<i32>} : memref<6400xf32, #tpu.memory_space<vmem>>, vector<16xf32>,
        %get3A_179 = vector.shape_cast %get3A_178 : vector<16xf32> to vector<16xf32>
        %mul3A_180 = arith.mulf %get3A_176, %gather3A_96 : vector<16xf32>
        %mul3A_181 = arith.mulf %get3A_179, %gather3A_106 : vector<16xf32>
        %add3A_182 = arith.addf %mul3A_180, %mul3A_181 : vector<16xf32>
        %mul3A_183 = arith.mulf %get3A_170, %gather3A_76 : vector<16xf32>
        %mul3A_184 = arith.mulf %get3A_173, %gather3A_86 : vector<16xf32>
        %add3A_185 = arith.addf %mul3A_183, %mul3A_184 : vector<16xf32>
        %add3A_186 = arith.addf %add3A_185, %add3A_182 : vector<16xf32>
        %gt3A = arith.constant 0.000000e+00 : f32
        %gt3A_187 = vector.broadcast %gt3A : f32 to vector<16xf32>
        %gt3A_188 = arith.cmpf ogt, %add3A_186, %gt3A_187 : vector<16xf32>
        %mul3A_189 = arith.constant 2.000000e-01 : f32
        %mul3A_190 = vector.broadcast %mul3A_189 : f32 to vector<16xf32>
        %mul3A_191 = arith.mulf %add3A_186, %mul3A_190 : vector<16xf32>
        %select_n3A = arith.select %gt3A_188, %add3A_186, %mul3A_191 : vector<16xi1>, vector<16xf32>
        %add3A_192 = arith.addf %add3A_182, %mul3A_119 : vector<16xf32>
        %gt3A_193 = arith.constant 0.000000e+00 : f32
        %gt3A_194 = vector.broadcast %gt3A_193 : f32 to vector<16xf32>
        %gt3A_195 = arith.cmpf ogt, %add3A_192, %gt3A_194 : vector<16xf32>
        %mul3A_196 = arith.constant 2.000000e-01 : f32
        %mul3A_197 = vector.broadcast %mul3A_196 : f32 to vector<16xf32>
        %mul3A_198 = arith.mulf %add3A_192, %mul3A_197 : vector<16xf32>
        %select_n3A_199 = arith.select %gt3A_195, %add3A_192, %mul3A_198 : vector<16xi1>, vector<16xf32>
        %sub3A = arith.subf %select_n3A, %select_n3A_199 : vector<16xf32>
        %exp3A = math.exp %sub3A : vector<16xf32>
        %mul3A_200 = arith.mulf %exp3A, %get3A_167 : vector<16xf32>
        %mul3A_201 = arith.mulf %get3A_176, %gather3A_101 : vector<16xf32>
        %mul3A_202 = arith.mulf %get3A_179, %gather3A_111 : vector<16xf32>
        %add3A_203 = arith.addf %mul3A_201, %mul3A_202 : vector<16xf32>
        %mul3A_204 = arith.mulf %get3A_170, %gather3A_81 : vector<16xf32>
        %mul3A_205 = arith.mulf %get3A_173, %gather3A_91 : vector<16xf32>
        %add3A_206 = arith.addf %mul3A_204, %mul3A_205 : vector<16xf32>
        %add3A_207 = arith.addf %add3A_206, %add3A_203 : vector<16xf32>
        %gt3A_208 = arith.constant 0.000000e+00 : f32
        %gt3A_209 = vector.broadcast %gt3A_208 : f32 to vector<16xf32>
        %gt3A_210 = arith.cmpf ogt, %add3A_207, %gt3A_209 : vector<16xf32>
        %mul3A_211 = arith.constant 2.000000e-01 : f32
        %mul3A_212 = vector.broadcast %mul3A_211 : f32 to vector<16xf32>
        %mul3A_213 = arith.mulf %add3A_207, %mul3A_212 : vector<16xf32>
        %select_n3A_214 = arith.select %gt3A_210, %add3A_207, %mul3A_213 : vector<16xi1>, vector<16xf32>
        %add3A_215 = arith.addf %add3A_203, %mul3A_127 : vector<16xf32>
        %gt3A_216 = arith.constant 0.000000e+00 : f32
        %gt3A_217 = vector.broadcast %gt3A_216 : f32 to vector<16xf32>
        %gt3A_218 = arith.cmpf ogt, %add3A_215, %gt3A_217 : vector<16xf32>
        %mul3A_219 = arith.constant 2.000000e-01 : f32
        %mul3A_220 = vector.broadcast %mul3A_219 : f32 to vector<16xf32>
        %mul3A_221 = arith.mulf %add3A_215, %mul3A_220 : vector<16xf32>
        %select_n3A_222 = arith.select %gt3A_218, %add3A_215, %mul3A_221 : vector<16xi1>, vector<16xf32>
        %sub3A_223 = arith.subf %select_n3A_214, %select_n3A_222 : vector<16xf32>
        %exp3A_224 = math.exp %sub3A_223 : vector<16xf32>
        %mul3A_225 = arith.mulf %exp3A_224, %get3A_167 : vector<16xf32>
        %swap3A = arith.index_cast %mul3A_164 : i32 to index
        %swap3A_226 = tpu.vector_load %arg22[%swap3A] {strides = array<i32>} : memref<6400xf32, #tpu.memory_space<vmem>>, vector<16xf32>,
        %swap3A_227 = vector.shape_cast %swap3A_226 : vector<16xf32> to vector<16xf32>
        %swap3A_228 = vector.shape_cast %mul3A_200 : vector<16xf32> to vector<16xf32>
        tpu.vector_store %arg22[%swap3A], %swap3A_228 {strides = array<i32>} : memref<6400xf32, #tpu.memory_space<vmem>>, vector<16xf32>,
        %swap3A_229 = arith.index_cast %mul3A_164 : i32 to index
        %swap3A_230 = tpu.vector_load %arg23[%swap3A_229] {strides = array<i32>} : memref<6400xf32, #tpu.memory_space<vmem>>, vector<16xf32>,
        %swap3A_231 = vector.shape_cast %swap3A_230 : vector<16xf32> to vector<16xf32>
        %swap3A_232 = vector.shape_cast %mul3A_225 : vector<16xf32> to vector<16xf32>
        tpu.vector_store %arg23[%swap3A_229], %swap3A_232 {strides = array<i32>} : memref<6400xf32, #tpu.memory_space<vmem>>, vector<16xf32>,
        %mul3A_233 = arith.mulf %mul3A_200, %get3A_170 : vector<16xf32>
        %swap3A_234 = arith.index_cast %mul3A_164 : i32 to index
        %swap3A_235 = tpu.vector_load %arg24[%swap3A_234] {strides = array<i32>} : memref<6400xf32, #tpu.memory_space<vmem>>, vector<16xf32>,
        %swap3A_236 = vector.shape_cast %swap3A_235 : vector<16xf32> to vector<16xf32>
        %swap3A_237 = vector.shape_cast %mul3A_233 : vector<16xf32> to vector<16xf32>
        tpu.vector_store %arg24[%swap3A_234], %swap3A_237 {strides = array<i32>} : memref<6400xf32, #tpu.memory_space<vmem>>, vector<16xf32>,
        %mul3A_238 = arith.mulf %mul3A_200, %get3A_173 : vector<16xf32>
        %swap3A_239 = arith.index_cast %mul3A_164 : i32 to index
        %swap3A_240 = tpu.vector_load %arg25[%swap3A_239] {strides = array<i32>} : memref<6400xf32, #tpu.memory_space<vmem>>, vector<16xf32>,
        %swap3A_241 = vector.shape_cast %swap3A_240 : vector<16xf32> to vector<16xf32>
        %swap3A_242 = vector.shape_cast %mul3A_238 : vector<16xf32> to vector<16xf32>
        tpu.vector_store %arg25[%swap3A_239], %swap3A_242 {strides = array<i32>} : memref<6400xf32, #tpu.memory_space<vmem>>, vector<16xf32>,
        %mul3A_243 = arith.mulf %mul3A_225, %get3A_170 : vector<16xf32>
        %swap3A_244 = arith.index_cast %mul3A_164 : i32 to index
        %swap3A_245 = tpu.vector_load %arg26[%swap3A_244] {strides = array<i32>} : memref<6400xf32, #tpu.memory_space<vmem>>, vector<16xf32>,
        %swap3A_246 = vector.shape_cast %swap3A_245 : vector<16xf32> to vector<16xf32>
        %swap3A_247 = vector.shape_cast %mul3A_243 : vector<16xf32> to vector<16xf32>
        tpu.vector_store %arg26[%swap3A_244], %swap3A_247 {strides = array<i32>} : memref<6400xf32, #tpu.memory_space<vmem>>, vector<16xf32>,
        %mul3A_248 = arith.mulf %mul3A_225, %get3A_173 : vector<16xf32>
        %swap3A_249 = arith.index_cast %mul3A_164 : i32 to index
        %swap3A_250 = tpu.vector_load %arg27[%swap3A_249] {strides = array<i32>} : memref<6400xf32, #tpu.memory_space<vmem>>, vector<16xf32>,
        %swap3A_251 = vector.shape_cast %swap3A_250 : vector<16xf32> to vector<16xf32>
        %swap3A_252 = vector.shape_cast %mul3A_248 : vector<16xf32> to vector<16xf32>
        tpu.vector_store %arg27[%swap3A_249], %swap3A_252 {strides = array<i32>} : memref<6400xf32, #tpu.memory_space<vmem>>, vector<16xf32>,
        %scan3A_253 = arith.constant 0 : i32
        scf.yield %scan3A_253 : i32
      }
      %scan3A_159 = arith.constant 400 : i32
      "tpu.region"() ({
        %run_scoped3A_161 = tpu.sem_alloc : memref<!tpu.dma_semaphore, #tpu.memory_space<semaphore_mem>>
        %dma_start3A = arith.constant 0 : i32
        %dma_start3A_162 = tpu.memref_slice %arg30[%dma_start3A] : memref<51200xf32, #tpu.memory_space<vmem_shared>> -> memref<51200xf32, #tpu.memory_space<vmem_shared>>
        tpu.enqueue_indirect_dma source(%arg22 : memref<6400xf32, #tpu.memory_space<vmem>>) target(%dma_start3A_162 : memref<51200xf32, #tpu.memory_space<vmem_shared>>) offsets(%arg16 : memref<6400xi32, #tpu.memory_space<vmem>>) semaphore(%run_scoped3A_161 : memref<!tpu.dma_semaphore, #tpu.memory_space<semaphore_mem>>) {add = true}
        %dma_wait3A = arith.constant 0 : i32
        %dma_wait3A_163 = tpu.memref_slice %arg30[%dma_wait3A] : memref<51200xf32, #tpu.memory_space<vmem_shared>> -> memref<51200xf32, #tpu.memory_space<vmem_shared>>
        tpu.wait_indirect_dma semaphore(%run_scoped3A_161 : memref<!tpu.dma_semaphore, #tpu.memory_space<semaphore_mem>>) src(%arg22 : memref<6400xf32, #tpu.memory_space<vmem>>) dst(%dma_wait3A_163 : memref<51200xf32, #tpu.memory_space<vmem_shared>>)
        tpu.yield
      }) : () -> ()
      "tpu.region"() ({
        %run_scoped3A_161 = tpu.sem_alloc : memref<!tpu.dma_semaphore, #tpu.memory_space<semaphore_mem>>
        %dma_start3A = arith.constant 0 : i32
        %dma_start3A_162 = tpu.memref_slice %arg31[%dma_start3A] : memref<51200xf32, #tpu.memory_space<vmem_shared>> -> memref<51200xf32, #tpu.memory_space<vmem_shared>>
        tpu.enqueue_indirect_dma source(%arg23 : memref<6400xf32, #tpu.memory_space<vmem>>) target(%dma_start3A_162 : memref<51200xf32, #tpu.memory_space<vmem_shared>>) offsets(%arg16 : memref<6400xi32, #tpu.memory_space<vmem>>) semaphore(%run_scoped3A_161 : memref<!tpu.dma_semaphore, #tpu.memory_space<semaphore_mem>>) {add = true}
        %dma_wait3A = arith.constant 0 : i32
        %dma_wait3A_163 = tpu.memref_slice %arg31[%dma_wait3A] : memref<51200xf32, #tpu.memory_space<vmem_shared>> -> memref<51200xf32, #tpu.memory_space<vmem_shared>>
        tpu.wait_indirect_dma semaphore(%run_scoped3A_161 : memref<!tpu.dma_semaphore, #tpu.memory_space<semaphore_mem>>) src(%arg23 : memref<6400xf32, #tpu.memory_space<vmem>>) dst(%dma_wait3A_163 : memref<51200xf32, #tpu.memory_space<vmem_shared>>)
        tpu.yield
      }) : () -> ()
      "tpu.region"() ({
        %run_scoped3A_161 = tpu.sem_alloc : memref<!tpu.dma_semaphore, #tpu.memory_space<semaphore_mem>>
        %dma_start3A = arith.constant 0 : i32
        %dma_start3A_162 = tpu.memref_slice %arg32[%dma_start3A] : memref<51200xf32, #tpu.memory_space<vmem_shared>> -> memref<51200xf32, #tpu.memory_space<vmem_shared>>
        tpu.enqueue_indirect_dma source(%arg24 : memref<6400xf32, #tpu.memory_space<vmem>>) target(%dma_start3A_162 : memref<51200xf32, #tpu.memory_space<vmem_shared>>) offsets(%arg16 : memref<6400xi32, #tpu.memory_space<vmem>>) semaphore(%run_scoped3A_161 : memref<!tpu.dma_semaphore, #tpu.memory_space<semaphore_mem>>) {add = true}
        %dma_wait3A = arith.constant 0 : i32
        %dma_wait3A_163 = tpu.memref_slice %arg32[%dma_wait3A] : memref<51200xf32, #tpu.memory_space<vmem_shared>> -> memref<51200xf32, #tpu.memory_space<vmem_shared>>
        tpu.wait_indirect_dma semaphore(%run_scoped3A_161 : memref<!tpu.dma_semaphore, #tpu.memory_space<semaphore_mem>>) src(%arg24 : memref<6400xf32, #tpu.memory_space<vmem>>) dst(%dma_wait3A_163 : memref<51200xf32, #tpu.memory_space<vmem_shared>>)
        tpu.yield
      }) : () -> ()
      "tpu.region"() ({
        %run_scoped3A_161 = tpu.sem_alloc : memref<!tpu.dma_semaphore, #tpu.memory_space<semaphore_mem>>
        %dma_start3A = arith.constant 0 : i32
        %dma_start3A_162 = tpu.memref_slice %arg33[%dma_start3A] : memref<51200xf32, #tpu.memory_space<vmem_shared>> -> memref<51200xf32, #tpu.memory_space<vmem_shared>>
        tpu.enqueue_indirect_dma source(%arg25 : memref<6400xf32, #tpu.memory_space<vmem>>) target(%dma_start3A_162 : memref<51200xf32, #tpu.memory_space<vmem_shared>>) offsets(%arg16 : memref<6400xi32, #tpu.memory_space<vmem>>) semaphore(%run_scoped3A_161 : memref<!tpu.dma_semaphore, #tpu.memory_space<semaphore_mem>>) {add = true}
        %dma_wait3A = arith.constant 0 : i32
        %dma_wait3A_163 = tpu.memref_slice %arg33[%dma_wait3A] : memref<51200xf32, #tpu.memory_space<vmem_shared>> -> memref<51200xf32, #tpu.memory_space<vmem_shared>>
        tpu.wait_indirect_dma semaphore(%run_scoped3A_161 : memref<!tpu.dma_semaphore, #tpu.memory_space<semaphore_mem>>) src(%arg25 : memref<6400xf32, #tpu.memory_space<vmem>>) dst(%dma_wait3A_163 : memref<51200xf32, #tpu.memory_space<vmem_shared>>)
        tpu.yield
      }) : () -> ()
      "tpu.region"() ({
        %run_scoped3A_161 = tpu.sem_alloc : memref<!tpu.dma_semaphore, #tpu.memory_space<semaphore_mem>>
        %dma_start3A = arith.constant 0 : i32
        %dma_start3A_162 = tpu.memref_slice %arg34[%dma_start3A] : memref<51200xf32, #tpu.memory_space<vmem_shared>> -> memref<51200xf32, #tpu.memory_space<vmem_shared>>
        tpu.enqueue_indirect_dma source(%arg26 : memref<6400xf32, #tpu.memory_space<vmem>>) target(%dma_start3A_162 : memref<51200xf32, #tpu.memory_space<vmem_shared>>) offsets(%arg16 : memref<6400xi32, #tpu.memory_space<vmem>>) semaphore(%run_scoped3A_161 : memref<!tpu.dma_semaphore, #tpu.memory_space<semaphore_mem>>) {add = true}
        %dma_wait3A = arith.constant 0 : i32
        %dma_wait3A_163 = tpu.memref_slice %arg34[%dma_wait3A] : memref<51200xf32, #tpu.memory_space<vmem_shared>> -> memref<51200xf32, #tpu.memory_space<vmem_shared>>
        tpu.wait_indirect_dma semaphore(%run_scoped3A_161 : memref<!tpu.dma_semaphore, #tpu.memory_space<semaphore_mem>>) src(%arg26 : memref<6400xf32, #tpu.memory_space<vmem>>) dst(%dma_wait3A_163 : memref<51200xf32, #tpu.memory_space<vmem_shared>>)
        tpu.yield
      }) : () -> ()
      "tpu.region"() ({
        %run_scoped3A_161 = tpu.sem_alloc : memref<!tpu.dma_semaphore, #tpu.memory_space<semaphore_mem>>
        %dma_start3A = arith.constant 0 : i32
        %dma_start3A_162 = tpu.memref_slice %arg35[%dma_start3A] : memref<51200xf32, #tpu.memory_space<vmem_shared>> -> memref<51200xf32, #tpu.memory_space<vmem_shared>>
        tpu.enqueue_indirect_dma source(%arg27 : memref<6400xf32, #tpu.memory_space<vmem>>) target(%dma_start3A_162 : memref<51200xf32, #tpu.memory_space<vmem_shared>>) offsets(%arg16 : memref<6400xi32, #tpu.memory_space<vmem>>) semaphore(%run_scoped3A_161 : memref<!tpu.dma_semaphore, #tpu.memory_space<semaphore_mem>>) {add = true}
        %dma_wait3A = arith.constant 0 : i32
        %dma_wait3A_163 = tpu.memref_slice %arg35[%dma_wait3A] : memref<51200xf32, #tpu.memory_space<vmem_shared>> -> memref<51200xf32, #tpu.memory_space<vmem_shared>>
        tpu.wait_indirect_dma semaphore(%run_scoped3A_161 : memref<!tpu.dma_semaphore, #tpu.memory_space<semaphore_mem>>) src(%arg27 : memref<6400xf32, #tpu.memory_space<vmem>>) dst(%dma_wait3A_163 : memref<51200xf32, #tpu.memory_space<vmem_shared>>)
        tpu.yield
      }) : () -> ()
      %scan3A_160 = arith.constant 0 : i32
      scf.yield %scan3A_160 : i32
    }
    %scan3A_134 = arith.constant 4 : i32
    %barrier3A_135 = arith.constant 0 : index
    tpu.barrier barrier_id(%barrier3A_135)
    "tpu.region"() ({
      %run_scoped3A_148 = tpu.sem_alloc : memref<!tpu.dma_semaphore, #tpu.memory_space<semaphore_mem>>
      %dma_start3A = tpu.memref_slice %arg30[%mul3A_2] : memref<51200xf32, #tpu.memory_space<vmem_shared>> -> memref<3200xf32, #tpu.memory_space<vmem_shared>>
      %dma_start3A_149 = tpu.memref_slice %arg30[%mul3A_2] : memref<51200xf32, #tpu.memory_space<vmem_shared>> -> memref<3200xf32, #tpu.memory_space<vmem_shared>>
      tpu.enqueue_dma source(%dma_start3A_149 : memref<3200xf32, #tpu.memory_space<vmem_shared>>) target(%arg9 : memref<3200xf32, #tpu.memory_space<vmem>>) target_semaphore(%run_scoped3A_148 : memref<!tpu.dma_semaphore, #tpu.memory_space<semaphore_mem>>)
      %dma_wait3A = tpu.memref_slice %arg30[%mul3A_2] : memref<51200xf32, #tpu.memory_space<vmem_shared>> -> memref<3200xf32, #tpu.memory_space<vmem_shared>>
      %dma_wait3A_150 = tpu.memref_slice %arg30[%mul3A_2] : memref<51200xf32, #tpu.memory_space<vmem_shared>> -> memref<3200xf32, #tpu.memory_space<vmem_shared>>
      tpu.wait_dma2 semaphore(%run_scoped3A_148 : memref<!tpu.dma_semaphore, #tpu.memory_space<semaphore_mem>>) src(%dma_wait3A_150 : memref<3200xf32, #tpu.memory_space<vmem_shared>>) dst(%arg9 : memref<3200xf32, #tpu.memory_space<vmem>>)
      tpu.yield
    }) : () -> ()
    %run_scoped3A_136 = arith.constant 0 : i32
    %run_scoped3A_137 = arith.constant 0 : i32
    "tpu.region"() ({
      %run_scoped3A_148 = tpu.sem_alloc : memref<!tpu.dma_semaphore, #tpu.memory_space<semaphore_mem>>
      %dma_start3A = tpu.memref_slice %arg8[%arg0, %run_scoped3A_136, %run_scoped3A_137, %mul3A_2] : memref<2x6x1x51200xf32, #tpu.memory_space<hbm>> -> memref<1x1x1x3200xf32, #tpu.memory_space<hbm>>
      %dma_start3A_149 = tpu.memref_squeeze %dma_start3A : memref<1x1x1x3200xf32, #tpu.memory_space<hbm>> -> memref<3200xf32, #tpu.memory_space<hbm>>
      %dma_start3A_150 = tpu.memref_slice %arg8[%arg0, %run_scoped3A_136, %run_scoped3A_137, %mul3A_2] : memref<2x6x1x51200xf32, #tpu.memory_space<hbm>> -> memref<1x1x1x3200xf32, #tpu.memory_space<hbm>>
      %dma_start3A_151 = tpu.memref_squeeze %dma_start3A_150 : memref<1x1x1x3200xf32, #tpu.memory_space<hbm>> -> memref<3200xf32, #tpu.memory_space<hbm>>
      tpu.enqueue_dma source(%arg9 : memref<3200xf32, #tpu.memory_space<vmem>>) target(%dma_start3A_151 : memref<3200xf32, #tpu.memory_space<hbm>>) target_semaphore(%run_scoped3A_148 : memref<!tpu.dma_semaphore, #tpu.memory_space<semaphore_mem>>)
      %dma_wait3A = tpu.memref_slice %arg8[%arg0, %run_scoped3A_136, %run_scoped3A_137, %mul3A_2] : memref<2x6x1x51200xf32, #tpu.memory_space<hbm>> -> memref<1x1x1x3200xf32, #tpu.memory_space<hbm>>
      %dma_wait3A_152 = tpu.memref_squeeze %dma_wait3A : memref<1x1x1x3200xf32, #tpu.memory_space<hbm>> -> memref<3200xf32, #tpu.memory_space<hbm>>
      %dma_wait3A_153 = tpu.memref_slice %arg8[%arg0, %run_scoped3A_136, %run_scoped3A_137, %mul3A_2] : memref<2x6x1x51200xf32, #tpu.memory_space<hbm>> -> memref<1x1x1x3200xf32, #tpu.memory_space<hbm>>
      %dma_wait3A_154 = tpu.memref_squeeze %dma_wait3A_153 : memref<1x1x1x3200xf32, #tpu.memory_space<hbm>> -> memref<3200xf32, #tpu.memory_space<hbm>>
      tpu.wait_dma2 semaphore(%run_scoped3A_148 : memref<!tpu.dma_semaphore, #tpu.memory_space<semaphore_mem>>) src(%arg9 : memref<3200xf32, #tpu.memory_space<vmem>>) dst(%dma_wait3A_154 : memref<3200xf32, #tpu.memory_space<hbm>>)
      tpu.yield
    }) : () -> ()
    "tpu.region"() ({
      %run_scoped3A_148 = tpu.sem_alloc : memref<!tpu.dma_semaphore, #tpu.memory_space<semaphore_mem>>
      %dma_start3A = tpu.memref_slice %arg31[%mul3A_2] : memref<51200xf32, #tpu.memory_space<vmem_shared>> -> memref<3200xf32, #tpu.memory_space<vmem_shared>>
      %dma_start3A_149 = tpu.memref_slice %arg31[%mul3A_2] : memref<51200xf32, #tpu.memory_space<vmem_shared>> -> memref<3200xf32, #tpu.memory_space<vmem_shared>>
      tpu.enqueue_dma source(%dma_start3A_149 : memref<3200xf32, #tpu.memory_space<vmem_shared>>) target(%arg9 : memref<3200xf32, #tpu.memory_space<vmem>>) target_semaphore(%run_scoped3A_148 : memref<!tpu.dma_semaphore, #tpu.memory_space<semaphore_mem>>)
      %dma_wait3A = tpu.memref_slice %arg31[%mul3A_2] : memref<51200xf32, #tpu.memory_space<vmem_shared>> -> memref<3200xf32, #tpu.memory_space<vmem_shared>>
      %dma_wait3A_150 = tpu.memref_slice %arg31[%mul3A_2] : memref<51200xf32, #tpu.memory_space<vmem_shared>> -> memref<3200xf32, #tpu.memory_space<vmem_shared>>
      tpu.wait_dma2 semaphore(%run_scoped3A_148 : memref<!tpu.dma_semaphore, #tpu.memory_space<semaphore_mem>>) src(%dma_wait3A_150 : memref<3200xf32, #tpu.memory_space<vmem_shared>>) dst(%arg9 : memref<3200xf32, #tpu.memory_space<vmem>>)
      tpu.yield
    }) : () -> ()
    %run_scoped3A_138 = arith.constant 1 : i32
    %run_scoped3A_139 = arith.constant 0 : i32
    "tpu.region"() ({
      %run_scoped3A_148 = tpu.sem_alloc : memref<!tpu.dma_semaphore, #tpu.memory_space<semaphore_mem>>
      %dma_start3A = tpu.memref_slice %arg8[%arg0, %run_scoped3A_138, %run_scoped3A_139, %mul3A_2] : memref<2x6x1x51200xf32, #tpu.memory_space<hbm>> -> memref<1x1x1x3200xf32, #tpu.memory_space<hbm>>
      %dma_start3A_149 = tpu.memref_squeeze %dma_start3A : memref<1x1x1x3200xf32, #tpu.memory_space<hbm>> -> memref<3200xf32, #tpu.memory_space<hbm>>
      %dma_start3A_150 = tpu.memref_slice %arg8[%arg0, %run_scoped3A_138, %run_scoped3A_139, %mul3A_2] : memref<2x6x1x51200xf32, #tpu.memory_space<hbm>> -> memref<1x1x1x3200xf32, #tpu.memory_space<hbm>>
      %dma_start3A_151 = tpu.memref_squeeze %dma_start3A_150 : memref<1x1x1x3200xf32, #tpu.memory_space<hbm>> -> memref<3200xf32, #tpu.memory_space<hbm>>
      tpu.enqueue_dma source(%arg9 : memref<3200xf32, #tpu.memory_space<vmem>>) target(%dma_start3A_151 : memref<3200xf32, #tpu.memory_space<hbm>>) target_semaphore(%run_scoped3A_148 : memref<!tpu.dma_semaphore, #tpu.memory_space<semaphore_mem>>)
      %dma_wait3A = tpu.memref_slice %arg8[%arg0, %run_scoped3A_138, %run_scoped3A_139, %mul3A_2] : memref<2x6x1x51200xf32, #tpu.memory_space<hbm>> -> memref<1x1x1x3200xf32, #tpu.memory_space<hbm>>
      %dma_wait3A_152 = tpu.memref_squeeze %dma_wait3A : memref<1x1x1x3200xf32, #tpu.memory_space<hbm>> -> memref<3200xf32, #tpu.memory_space<hbm>>
      %dma_wait3A_153 = tpu.memref_slice %arg8[%arg0, %run_scoped3A_138, %run_scoped3A_139, %mul3A_2] : memref<2x6x1x51200xf32, #tpu.memory_space<hbm>> -> memref<1x1x1x3200xf32, #tpu.memory_space<hbm>>
      %dma_wait3A_154 = tpu.memref_squeeze %dma_wait3A_153 : memref<1x1x1x3200xf32, #tpu.memory_space<hbm>> -> memref<3200xf32, #tpu.memory_space<hbm>>
      tpu.wait_dma2 semaphore(%run_scoped3A_148 : memref<!tpu.dma_semaphore, #tpu.memory_space<semaphore_mem>>) src(%arg9 : memref<3200xf32, #tpu.memory_space<vmem>>) dst(%dma_wait3A_154 : memref<3200xf32, #tpu.memory_space<hbm>>)
      tpu.yield
    }) : () -> ()
    "tpu.region"() ({
      %run_scoped3A_148 = tpu.sem_alloc : memref<!tpu.dma_semaphore, #tpu.memory_space<semaphore_mem>>
      %dma_start3A = tpu.memref_slice %arg32[%mul3A_2] : memref<51200xf32, #tpu.memory_space<vmem_shared>> -> memref<3200xf32, #tpu.memory_space<vmem_shared>>
      %dma_start3A_149 = tpu.memref_slice %arg32[%mul3A_2] : memref<51200xf32, #tpu.memory_space<vmem_shared>> -> memref<3200xf32, #tpu.memory_space<vmem_shared>>
      tpu.enqueue_dma source(%dma_start3A_149 : memref<3200xf32, #tpu.memory_space<vmem_shared>>) target(%arg9 : memref<3200xf32, #tpu.memory_space<vmem>>) target_semaphore(%run_scoped3A_148 : memref<!tpu.dma_semaphore, #tpu.memory_space<semaphore_mem>>)
      %dma_wait3A = tpu.memref_slice %arg32[%mul3A_2] : memref<51200xf32, #tpu.memory_space<vmem_shared>> -> memref<3200xf32, #tpu.memory_space<vmem_shared>>
      %dma_wait3A_150 = tpu.memref_slice %arg32[%mul3A_2] : memref<51200xf32, #tpu.memory_space<vmem_shared>> -> memref<3200xf32, #tpu.memory_space<vmem_shared>>
      tpu.wait_dma2 semaphore(%run_scoped3A_148 : memref<!tpu.dma_semaphore, #tpu.memory_space<semaphore_mem>>) src(%dma_wait3A_150 : memref<3200xf32, #tpu.memory_space<vmem_shared>>) dst(%arg9 : memref<3200xf32, #tpu.memory_space<vmem>>)
      tpu.yield
    }) : () -> ()
    %run_scoped3A_140 = arith.constant 2 : i32
    %run_scoped3A_141 = arith.constant 0 : i32
    "tpu.region"() ({
      %run_scoped3A_148 = tpu.sem_alloc : memref<!tpu.dma_semaphore, #tpu.memory_space<semaphore_mem>>
      %dma_start3A = tpu.memref_slice %arg8[%arg0, %run_scoped3A_140, %run_scoped3A_141, %mul3A_2] : memref<2x6x1x51200xf32, #tpu.memory_space<hbm>> -> memref<1x1x1x3200xf32, #tpu.memory_space<hbm>>
      %dma_start3A_149 = tpu.memref_squeeze %dma_start3A : memref<1x1x1x3200xf32, #tpu.memory_space<hbm>> -> memref<3200xf32, #tpu.memory_space<hbm>>
      %dma_start3A_150 = tpu.memref_slice %arg8[%arg0, %run_scoped3A_140, %run_scoped3A_141, %mul3A_2] : memref<2x6x1x51200xf32, #tpu.memory_space<hbm>> -> memref<1x1x1x3200xf32, #tpu.memory_space<hbm>>
      %dma_start3A_151 = tpu.memref_squeeze %dma_start3A_150 : memref<1x1x1x3200xf32, #tpu.memory_space<hbm>> -> memref<3200xf32, #tpu.memory_space<hbm>>
      tpu.enqueue_dma source(%arg9 : memref<3200xf32, #tpu.memory_space<vmem>>) target(%dma_start3A_151 : memref<3200xf32, #tpu.memory_space<hbm>>) target_semaphore(%run_scoped3A_148 : memref<!tpu.dma_semaphore, #tpu.memory_space<semaphore_mem>>)
      %dma_wait3A = tpu.memref_slice %arg8[%arg0, %run_scoped3A_140, %run_scoped3A_141, %mul3A_2] : memref<2x6x1x51200xf32, #tpu.memory_space<hbm>> -> memref<1x1x1x3200xf32, #tpu.memory_space<hbm>>
      %dma_wait3A_152 = tpu.memref_squeeze %dma_wait3A : memref<1x1x1x3200xf32, #tpu.memory_space<hbm>> -> memref<3200xf32, #tpu.memory_space<hbm>>
      %dma_wait3A_153 = tpu.memref_slice %arg8[%arg0, %run_scoped3A_140, %run_scoped3A_141, %mul3A_2] : memref<2x6x1x51200xf32, #tpu.memory_space<hbm>> -> memref<1x1x1x3200xf32, #tpu.memory_space<hbm>>
      %dma_wait3A_154 = tpu.memref_squeeze %dma_wait3A_153 : memref<1x1x1x3200xf32, #tpu.memory_space<hbm>> -> memref<3200xf32, #tpu.memory_space<hbm>>
      tpu.wait_dma2 semaphore(%run_scoped3A_148 : memref<!tpu.dma_semaphore, #tpu.memory_space<semaphore_mem>>) src(%arg9 : memref<3200xf32, #tpu.memory_space<vmem>>) dst(%dma_wait3A_154 : memref<3200xf32, #tpu.memory_space<hbm>>)
      tpu.yield
    }) : () -> ()
    "tpu.region"() ({
      %run_scoped3A_148 = tpu.sem_alloc : memref<!tpu.dma_semaphore, #tpu.memory_space<semaphore_mem>>
      %dma_start3A = tpu.memref_slice %arg33[%mul3A_2] : memref<51200xf32, #tpu.memory_space<vmem_shared>> -> memref<3200xf32, #tpu.memory_space<vmem_shared>>
      %dma_start3A_149 = tpu.memref_slice %arg33[%mul3A_2] : memref<51200xf32, #tpu.memory_space<vmem_shared>> -> memref<3200xf32, #tpu.memory_space<vmem_shared>>
      tpu.enqueue_dma source(%dma_start3A_149 : memref<3200xf32, #tpu.memory_space<vmem_shared>>) target(%arg9 : memref<3200xf32, #tpu.memory_space<vmem>>) target_semaphore(%run_scoped3A_148 : memref<!tpu.dma_semaphore, #tpu.memory_space<semaphore_mem>>)
      %dma_wait3A = tpu.memref_slice %arg33[%mul3A_2] : memref<51200xf32, #tpu.memory_space<vmem_shared>> -> memref<3200xf32, #tpu.memory_space<vmem_shared>>
      %dma_wait3A_150 = tpu.memref_slice %arg33[%mul3A_2] : memref<51200xf32, #tpu.memory_space<vmem_shared>> -> memref<3200xf32, #tpu.memory_space<vmem_shared>>
      tpu.wait_dma2 semaphore(%run_scoped3A_148 : memref<!tpu.dma_semaphore, #tpu.memory_space<semaphore_mem>>) src(%dma_wait3A_150 : memref<3200xf32, #tpu.memory_space<vmem_shared>>) dst(%arg9 : memref<3200xf32, #tpu.memory_space<vmem>>)
      tpu.yield
    }) : () -> ()
    %run_scoped3A_142 = arith.constant 3 : i32
    %run_scoped3A_143 = arith.constant 0 : i32
    "tpu.region"() ({
      %run_scoped3A_148 = tpu.sem_alloc : memref<!tpu.dma_semaphore, #tpu.memory_space<semaphore_mem>>
      %dma_start3A = tpu.memref_slice %arg8[%arg0, %run_scoped3A_142, %run_scoped3A_143, %mul3A_2] : memref<2x6x1x51200xf32, #tpu.memory_space<hbm>> -> memref<1x1x1x3200xf32, #tpu.memory_space<hbm>>
      %dma_start3A_149 = tpu.memref_squeeze %dma_start3A : memref<1x1x1x3200xf32, #tpu.memory_space<hbm>> -> memref<3200xf32, #tpu.memory_space<hbm>>
      %dma_start3A_150 = tpu.memref_slice %arg8[%arg0, %run_scoped3A_142, %run_scoped3A_143, %mul3A_2] : memref<2x6x1x51200xf32, #tpu.memory_space<hbm>> -> memref<1x1x1x3200xf32, #tpu.memory_space<hbm>>
      %dma_start3A_151 = tpu.memref_squeeze %dma_start3A_150 : memref<1x1x1x3200xf32, #tpu.memory_space<hbm>> -> memref<3200xf32, #tpu.memory_space<hbm>>
      tpu.enqueue_dma source(%arg9 : memref<3200xf32, #tpu.memory_space<vmem>>) target(%dma_start3A_151 : memref<3200xf32, #tpu.memory_space<hbm>>) target_semaphore(%run_scoped3A_148 : memref<!tpu.dma_semaphore, #tpu.memory_space<semaphore_mem>>)
      %dma_wait3A = tpu.memref_slice %arg8[%arg0, %run_scoped3A_142, %run_scoped3A_143, %mul3A_2] : memref<2x6x1x51200xf32, #tpu.memory_space<hbm>> -> memref<1x1x1x3200xf32, #tpu.memory_space<hbm>>
      %dma_wait3A_152 = tpu.memref_squeeze %dma_wait3A : memref<1x1x1x3200xf32, #tpu.memory_space<hbm>> -> memref<3200xf32, #tpu.memory_space<hbm>>
      %dma_wait3A_153 = tpu.memref_slice %arg8[%arg0, %run_scoped3A_142, %run_scoped3A_143, %mul3A_2] : memref<2x6x1x51200xf32, #tpu.memory_space<hbm>> -> memref<1x1x1x3200xf32, #tpu.memory_space<hbm>>
      %dma_wait3A_154 = tpu.memref_squeeze %dma_wait3A_153 : memref<1x1x1x3200xf32, #tpu.memory_space<hbm>> -> memref<3200xf32, #tpu.memory_space<hbm>>
      tpu.wait_dma2 semaphore(%run_scoped3A_148 : memref<!tpu.dma_semaphore, #tpu.memory_space<semaphore_mem>>) src(%arg9 : memref<3200xf32, #tpu.memory_space<vmem>>) dst(%dma_wait3A_154 : memref<3200xf32, #tpu.memory_space<hbm>>)
      tpu.yield
    }) : () -> ()
    "tpu.region"() ({
      %run_scoped3A_148 = tpu.sem_alloc : memref<!tpu.dma_semaphore, #tpu.memory_space<semaphore_mem>>
      %dma_start3A = tpu.memref_slice %arg34[%mul3A_2] : memref<51200xf32, #tpu.memory_space<vmem_shared>> -> memref<3200xf32, #tpu.memory_space<vmem_shared>>
      %dma_start3A_149 = tpu.memref_slice %arg34[%mul3A_2] : memref<51200xf32, #tpu.memory_space<vmem_shared>> -> memref<3200xf32, #tpu.memory_space<vmem_shared>>
      tpu.enqueue_dma source(%dma_start3A_149 : memref<3200xf32, #tpu.memory_space<vmem_shared>>) target(%arg9 : memref<3200xf32, #tpu.memory_space<vmem>>) target_semaphore(%run_scoped3A_148 : memref<!tpu.dma_semaphore, #tpu.memory_space<semaphore_mem>>)
      %dma_wait3A = tpu.memref_slice %arg34[%mul3A_2] : memref<51200xf32, #tpu.memory_space<vmem_shared>> -> memref<3200xf32, #tpu.memory_space<vmem_shared>>
      %dma_wait3A_150 = tpu.memref_slice %arg34[%mul3A_2] : memref<51200xf32, #tpu.memory_space<vmem_shared>> -> memref<3200xf32, #tpu.memory_space<vmem_shared>>
      tpu.wait_dma2 semaphore(%run_scoped3A_148 : memref<!tpu.dma_semaphore, #tpu.memory_space<semaphore_mem>>) src(%dma_wait3A_150 : memref<3200xf32, #tpu.memory_space<vmem_shared>>) dst(%arg9 : memref<3200xf32, #tpu.memory_space<vmem>>)
      tpu.yield
    }) : () -> ()
    %run_scoped3A_144 = arith.constant 4 : i32
    %run_scoped3A_145 = arith.constant 0 : i32
    "tpu.region"() ({
      %run_scoped3A_148 = tpu.sem_alloc : memref<!tpu.dma_semaphore, #tpu.memory_space<semaphore_mem>>
      %dma_start3A = tpu.memref_slice %arg8[%arg0, %run_scoped3A_144, %run_scoped3A_145, %mul3A_2] : memref<2x6x1x51200xf32, #tpu.memory_space<hbm>> -> memref<1x1x1x3200xf32, #tpu.memory_space<hbm>>
      %dma_start3A_149 = tpu.memref_squeeze %dma_start3A : memref<1x1x1x3200xf32, #tpu.memory_space<hbm>> -> memref<3200xf32, #tpu.memory_space<hbm>>
      %dma_start3A_150 = tpu.memref_slice %arg8[%arg0, %run_scoped3A_144, %run_scoped3A_145, %mul3A_2] : memref<2x6x1x51200xf32, #tpu.memory_space<hbm>> -> memref<1x1x1x3200xf32, #tpu.memory_space<hbm>>
      %dma_start3A_151 = tpu.memref_squeeze %dma_start3A_150 : memref<1x1x1x3200xf32, #tpu.memory_space<hbm>> -> memref<3200xf32, #tpu.memory_space<hbm>>
      tpu.enqueue_dma source(%arg9 : memref<3200xf32, #tpu.memory_space<vmem>>) target(%dma_start3A_151 : memref<3200xf32, #tpu.memory_space<hbm>>) target_semaphore(%run_scoped3A_148 : memref<!tpu.dma_semaphore, #tpu.memory_space<semaphore_mem>>)
      %dma_wait3A = tpu.memref_slice %arg8[%arg0, %run_scoped3A_144, %run_scoped3A_145, %mul3A_2] : memref<2x6x1x51200xf32, #tpu.memory_space<hbm>> -> memref<1x1x1x3200xf32, #tpu.memory_space<hbm>>
      %dma_wait3A_152 = tpu.memref_squeeze %dma_wait3A : memref<1x1x1x3200xf32, #tpu.memory_space<hbm>> -> memref<3200xf32, #tpu.memory_space<hbm>>
      %dma_wait3A_153 = tpu.memref_slice %arg8[%arg0, %run_scoped3A_144, %run_scoped3A_145, %mul3A_2] : memref<2x6x1x51200xf32, #tpu.memory_space<hbm>> -> memref<1x1x1x3200xf32, #tpu.memory_space<hbm>>
      %dma_wait3A_154 = tpu.memref_squeeze %dma_wait3A_153 : memref<1x1x1x3200xf32, #tpu.memory_space<hbm>> -> memref<3200xf32, #tpu.memory_space<hbm>>
      tpu.wait_dma2 semaphore(%run_scoped3A_148 : memref<!tpu.dma_semaphore, #tpu.memory_space<semaphore_mem>>) src(%arg9 : memref<3200xf32, #tpu.memory_space<vmem>>) dst(%dma_wait3A_154 : memref<3200xf32, #tpu.memory_space<hbm>>)
      tpu.yield
    }) : () -> ()
    "tpu.region"() ({
      %run_scoped3A_148 = tpu.sem_alloc : memref<!tpu.dma_semaphore, #tpu.memory_space<semaphore_mem>>
      %dma_start3A = tpu.memref_slice %arg35[%mul3A_2] : memref<51200xf32, #tpu.memory_space<vmem_shared>> -> memref<3200xf32, #tpu.memory_space<vmem_shared>>
      %dma_start3A_149 = tpu.memref_slice %arg35[%mul3A_2] : memref<51200xf32, #tpu.memory_space<vmem_shared>> -> memref<3200xf32, #tpu.memory_space<vmem_shared>>
      tpu.enqueue_dma source(%dma_start3A_149 : memref<3200xf32, #tpu.memory_space<vmem_shared>>) target(%arg9 : memref<3200xf32, #tpu.memory_space<vmem>>) target_semaphore(%run_scoped3A_148 : memref<!tpu.dma_semaphore, #tpu.memory_space<semaphore_mem>>)
      %dma_wait3A = tpu.memref_slice %arg35[%mul3A_2] : memref<51200xf32, #tpu.memory_space<vmem_shared>> -> memref<3200xf32, #tpu.memory_space<vmem_shared>>
      %dma_wait3A_150 = tpu.memref_slice %arg35[%mul3A_2] : memref<51200xf32, #tpu.memory_space<vmem_shared>> -> memref<3200xf32, #tpu.memory_space<vmem_shared>>
      tpu.wait_dma2 semaphore(%run_scoped3A_148 : memref<!tpu.dma_semaphore, #tpu.memory_space<semaphore_mem>>) src(%dma_wait3A_150 : memref<3200xf32, #tpu.memory_space<vmem_shared>>) dst(%arg9 : memref<3200xf32, #tpu.memory_space<vmem>>)
      tpu.yield
    }) : () -> ()
    %run_scoped3A_146 = arith.constant 5 : i32
    %run_scoped3A_147 = arith.constant 0 : i32
    "tpu.region"() ({
      %run_scoped3A_148 = tpu.sem_alloc : memref<!tpu.dma_semaphore, #tpu.memory_space<semaphore_mem>>
      %dma_start3A = tpu.memref_slice %arg8[%arg0, %run_scoped3A_146, %run_scoped3A_147, %mul3A_2] : memref<2x6x1x51200xf32, #tpu.memory_space<hbm>> -> memref<1x1x1x3200xf32, #tpu.memory_space<hbm>>
      %dma_start3A_149 = tpu.memref_squeeze %dma_start3A : memref<1x1x1x3200xf32, #tpu.memory_space<hbm>> -> memref<3200xf32, #tpu.memory_space<hbm>>
      %dma_start3A_150 = tpu.memref_slice %arg8[%arg0, %run_scoped3A_146, %run_scoped3A_147, %mul3A_2] : memref<2x6x1x51200xf32, #tpu.memory_space<hbm>> -> memref<1x1x1x3200xf32, #tpu.memory_space<hbm>>
      %dma_start3A_151 = tpu.memref_squeeze %dma_start3A_150 : memref<1x1x1x3200xf32, #tpu.memory_space<hbm>> -> memref<3200xf32, #tpu.memory_space<hbm>>
      tpu.enqueue_dma source(%arg9 : memref<3200xf32, #tpu.memory_space<vmem>>) target(%dma_start3A_151 : memref<3200xf32, #tpu.memory_space<hbm>>) target_semaphore(%run_scoped3A_148 : memref<!tpu.dma_semaphore, #tpu.memory_space<semaphore_mem>>)
      %dma_wait3A = tpu.memref_slice %arg8[%arg0, %run_scoped3A_146, %run_scoped3A_147, %mul3A_2] : memref<2x6x1x51200xf32, #tpu.memory_space<hbm>> -> memref<1x1x1x3200xf32, #tpu.memory_space<hbm>>
      %dma_wait3A_152 = tpu.memref_squeeze %dma_wait3A : memref<1x1x1x3200xf32, #tpu.memory_space<hbm>> -> memref<3200xf32, #tpu.memory_space<hbm>>
      %dma_wait3A_153 = tpu.memref_slice %arg8[%arg0, %run_scoped3A_146, %run_scoped3A_147, %mul3A_2] : memref<2x6x1x51200xf32, #tpu.memory_space<hbm>> -> memref<1x1x1x3200xf32, #tpu.memory_space<hbm>>
      %dma_wait3A_154 = tpu.memref_squeeze %dma_wait3A_153 : memref<1x1x1x3200xf32, #tpu.memory_space<hbm>> -> memref<3200xf32, #tpu.memory_space<hbm>>
      tpu.wait_dma2 semaphore(%run_scoped3A_148 : memref<!tpu.dma_semaphore, #tpu.memory_space<semaphore_mem>>) src(%arg9 : memref<3200xf32, #tpu.memory_space<vmem>>) dst(%dma_wait3A_154 : memref<3200xf32, #tpu.memory_space<hbm>>)
      tpu.yield
    }) : () -> ()
    return
  }
}

module attributes {stable_mosaic.version = 14 : i64} {
  func.func @body(%arg0: memref<2x6x51200xf32, #tpu.memory_space<vmem>>, %arg1: memref<64x2xf32, #tpu.memory_space<vmem>>, %arg2: memref<512x32xf32, #tpu.memory_space<vmem>>, %arg3: memref<512x1xf32, #tpu.memory_space<vmem>>, %arg4: memref<1024x512xf32, #tpu.memory_space<vmem>>, %arg5: memref<1024x1xf32, #tpu.memory_space<vmem>>, %arg6: memref<1024x1024xf32, #tpu.memory_space<vmem>>, %arg7: memref<1024x1xf32, #tpu.memory_space<vmem>>, %arg8: memref<512x1024xf32, #tpu.memory_space<vmem>>, %arg9: memref<512x1xf32, #tpu.memory_space<vmem>>, %arg10: memref<10x512xf32, #tpu.memory_space<vmem>>, %arg11: memref<10x1xf32, #tpu.memory_space<vmem>>, %arg12: memref<10x1xf32, #tpu.memory_space<vmem>>) attributes {dimension_semantics = [], scalar_prefetch = 0 : i64, scratch_operands = 0 : i64, tpu.core_type = #tpu.core_type<tc>} {
    %broadcast_in_dim3A = arith.constant 0.000000e+00 : f32
    %broadcast_in_dim3A_0 = vector.broadcast %broadcast_in_dim3A : f32 to vector<64x1xf32>
    %scan3A = arith.constant 0 : i32
    %scan3A_1 = arith.constant 25 : i32
    %scan3A_2 = arith.addi %scan3A, %scan3A_1 : i32
    %scan3A_3 = arith.constant 1 : i32
    %scan3A_4 = scf.for %scan3A_71 = %scan3A to %scan3A_2 step %scan3A_3 iter_args(%scan3A_72 = %broadcast_in_dim3A_0) -> (vector<64x1xf32>)  : i32 {
      %mul3A_73 = arith.constant 2048 : i32
      %mul3A_74 = arith.muli %scan3A_71, %mul3A_73 : i32
      %get3A_75 = arith.constant 0 : index
      %get3A_76 = arith.constant 0 : index
      %get3A_77 = arith.index_cast %mul3A_74 : i32 to index
      %get3A_78 = vector.load %arg0[%get3A_75, %get3A_76, %get3A_77] : memref<2x6x51200xf32, #tpu.memory_space<vmem>>, vector<1x6x2048xf32>
      %get3A_79 = vector.shape_cast %get3A_78 : vector<1x6x2048xf32> to vector<6x2048xf32>
      %get3A_80 = arith.constant 1 : index
      %get3A_81 = arith.constant 0 : index
      %get3A_82 = arith.index_cast %mul3A_74 : i32 to index
      %get3A_83 = vector.load %arg0[%get3A_80, %get3A_81, %get3A_82] : memref<2x6x51200xf32, #tpu.memory_space<vmem>>, vector<1x6x2048xf32>
      %get3A_84 = vector.shape_cast %get3A_83 : vector<1x6x2048xf32> to vector<6x2048xf32>
      %add3A_85 = arith.addf %get3A_79, %get3A_84 : vector<6x2048xf32>
      %slice3A_86 = vector.extract_strided_slice %add3A_85 {offsets = [0, 0], sizes = [1, 2048], strides = [1, 1]} : vector<6x2048xf32> to vector<1x2048xf32>
      %add3A_87 = arith.constant 9.99999971E-10 : f32
      %add3A_88 = vector.broadcast %add3A_87 : f32 to vector<1x2048xf32>
      %add3A_89 = arith.addf %slice3A_86, %add3A_88 : vector<1x2048xf32>
      %slice3A_90 = vector.extract_strided_slice %add3A_85 {offsets = [1, 0], sizes = [1, 2048], strides = [1, 1]} : vector<6x2048xf32> to vector<1x2048xf32>
      %add3A_91 = arith.constant 9.99999971E-10 : f32
      %add3A_92 = vector.broadcast %add3A_91 : f32 to vector<1x2048xf32>
      %add3A_93 = arith.addf %slice3A_90, %add3A_92 : vector<1x2048xf32>
      %slice3A_94 = vector.extract_strided_slice %add3A_85 {offsets = [2, 0], sizes = [1, 2048], strides = [1, 1]} : vector<6x2048xf32> to vector<1x2048xf32>
      %div3A_95 = arith.divf %slice3A_94, %add3A_89 : vector<1x2048xf32>
      %slice3A_96 = vector.extract_strided_slice %add3A_85 {offsets = [3, 0], sizes = [1, 2048], strides = [1, 1]} : vector<6x2048xf32> to vector<1x2048xf32>
      %div3A_97 = arith.divf %slice3A_96, %add3A_89 : vector<1x2048xf32>
      %slice3A_98 = vector.extract_strided_slice %add3A_85 {offsets = [4, 0], sizes = [1, 2048], strides = [1, 1]} : vector<6x2048xf32> to vector<1x2048xf32>
      %div3A_99 = arith.divf %slice3A_98, %add3A_93 : vector<1x2048xf32>
      %slice3A_100 = vector.extract_strided_slice %add3A_85 {offsets = [5, 0], sizes = [1, 2048], strides = [1, 1]} : vector<6x2048xf32> to vector<1x2048xf32>
      %div3A_101 = arith.divf %slice3A_100, %add3A_93 : vector<1x2048xf32>
      %broadcast_in_dim3A_102 = vector.shape_cast %div3A_95 : vector<1x2048xf32> to vector<1x2048xf32>
      %broadcast_in_dim3A_103 = vector.broadcast %broadcast_in_dim3A_102 : vector<1x2048xf32> to vector<32x2048xf32>
      %broadcast_in_dim3A_104 = vector.shape_cast %div3A_99 : vector<1x2048xf32> to vector<1x2048xf32>
      %broadcast_in_dim3A_105 = vector.broadcast %broadcast_in_dim3A_104 : vector<1x2048xf32> to vector<32x2048xf32>
      %concatenate3A = tpu.concatenate %broadcast_in_dim3A_103, %broadcast_in_dim3A_105 in 0 : vector<32x2048xf32>, vector<32x2048xf32> -> vector<64x2048xf32>
      %broadcast_in_dim3A_106 = vector.shape_cast %div3A_97 : vector<1x2048xf32> to vector<1x2048xf32>
      %broadcast_in_dim3A_107 = vector.broadcast %broadcast_in_dim3A_106 : vector<1x2048xf32> to vector<32x2048xf32>
      %broadcast_in_dim3A_108 = vector.shape_cast %div3A_101 : vector<1x2048xf32> to vector<1x2048xf32>
      %broadcast_in_dim3A_109 = vector.broadcast %broadcast_in_dim3A_108 : vector<1x2048xf32> to vector<32x2048xf32>
      %concatenate3A_110 = tpu.concatenate %broadcast_in_dim3A_107, %broadcast_in_dim3A_109 in 0 : vector<32x2048xf32>, vector<32x2048xf32> -> vector<64x2048xf32>
      %get3A_111 = arith.constant 0 : index
      %get3A_112 = arith.constant 0 : index
      %get3A_113 = vector.load %arg1[%get3A_111, %get3A_112] : memref<64x2xf32, #tpu.memory_space<vmem>>, vector<64x1xf32>
      %mul3A_114 = vector.broadcast %get3A_113 : vector<64x1xf32> to vector<64x2048xf32>
      %mul3A_115 = arith.mulf %concatenate3A, %mul3A_114 : vector<64x2048xf32>
      %get3A_116 = arith.constant 0 : index
      %get3A_117 = arith.constant 1 : index
      %get3A_118 = vector.load %arg1[%get3A_116, %get3A_117] : memref<64x2xf32, #tpu.memory_space<vmem>>, vector<64x1xf32>
      %mul3A_119 = vector.broadcast %get3A_118 : vector<64x1xf32> to vector<64x2048xf32>
      %mul3A_120 = arith.mulf %concatenate3A_110, %mul3A_119 : vector<64x2048xf32>
      %add3A_121 = arith.addf %mul3A_115, %mul3A_120 : vector<64x2048xf32>
      %max3A_122 = arith.constant 0.000000e+00 : f32
      %max3A_123 = vector.broadcast %max3A_122 : f32 to vector<64x2048xf32>
      %max3A_124 = arith.maximumf %add3A_121, %max3A_123 : vector<64x2048xf32>
      %reduce_sum3A_125 = arith.constant dense<0.000000e+00> : vector<64xf32>
      %reduce_sum3A_126 = vector.multi_reduction <add>, %max3A_124, %reduce_sum3A_125 [1] : vector<64x2048xf32> to vector<64xf32>
      %broadcast_in_dim3A_127 = vector.shape_cast %reduce_sum3A_126 : vector<64xf32> to vector<64x1xf32>
      %add3A_128 = arith.addf %scan3A_72, %broadcast_in_dim3A_127 : vector<64x1xf32>
      scf.yield %add3A_128 : vector<64x1xf32>
    }
    %scan3A_5 = arith.constant 25 : i32
    %slice3A = vector.extract_strided_slice %scan3A_4 {offsets = [0, 0], sizes = [32, 1], strides = [1, 1]} : vector<64x1xf32> to vector<32x1xf32>
    %slice3A_6 = vector.extract_strided_slice %scan3A_4 {offsets = [32, 0], sizes = [32, 1], strides = [1, 1]} : vector<64x1xf32> to vector<32x1xf32>
    %add3A = arith.addf %slice3A, %slice3A_6 : vector<32x1xf32>
    %mul3A = arith.constant 9.99999974E-6 : f32
    %mul3A_7 = vector.broadcast %mul3A : f32 to vector<32x1xf32>
    %mul3A_8 = arith.mulf %add3A, %mul3A_7 : vector<32x1xf32>
    %get3A = arith.constant 0 : index
    %get3A_9 = arith.constant 0 : index
    %get3A_10 = vector.load %arg2[%get3A, %get3A_9] : memref<512x32xf32, #tpu.memory_space<vmem>>, vector<512x32xf32>
    %dot_general3A = arith.constant dense<0.000000e+00> : vector<512x1xf32>
    %dot_general3A_11 = tpu.matmul %get3A_10, %mul3A_8, %dot_general3A {dimension_numbers = #tpu.dot_dimension_numbers<[1], [0], [0], [1], [0, 0, 1, 1], [], []>, transpose_lhs_hint = false} : vector<512x32xf32>, vector<32x1xf32>, vector<512x1xf32> -> vector<512x1xf32>
    %get3A_12 = arith.constant 0 : index
    %get3A_13 = arith.constant 0 : index
    %get3A_14 = vector.load %arg3[%get3A_12, %get3A_13] : memref<512x1xf32, #tpu.memory_space<vmem>>, vector<512x1xf32>
    %add3A_15 = arith.addf %dot_general3A_11, %get3A_14 : vector<512x1xf32>
    %max3A = arith.constant 0.000000e+00 : f32
    %max3A_16 = vector.broadcast %max3A : f32 to vector<512x1xf32>
    %max3A_17 = arith.maximumf %add3A_15, %max3A_16 : vector<512x1xf32>
    %get3A_18 = arith.constant 0 : index
    %get3A_19 = arith.constant 0 : index
    %get3A_20 = vector.load %arg4[%get3A_18, %get3A_19] : memref<1024x512xf32, #tpu.memory_space<vmem>>, vector<1024x512xf32>
    %dot_general3A_21 = arith.constant dense<0.000000e+00> : vector<1024x1xf32>
    %dot_general3A_22 = tpu.matmul %get3A_20, %max3A_17, %dot_general3A_21 {dimension_numbers = #tpu.dot_dimension_numbers<[1], [0], [0], [1], [0, 0, 1, 1], [], []>, transpose_lhs_hint = false} : vector<1024x512xf32>, vector<512x1xf32>, vector<1024x1xf32> -> vector<1024x1xf32>
    %get3A_23 = arith.constant 0 : index
    %get3A_24 = arith.constant 0 : index
    %get3A_25 = vector.load %arg5[%get3A_23, %get3A_24] : memref<1024x1xf32, #tpu.memory_space<vmem>>, vector<1024x1xf32>
    %add3A_26 = arith.addf %dot_general3A_22, %get3A_25 : vector<1024x1xf32>
    %max3A_27 = arith.constant 0.000000e+00 : f32
    %max3A_28 = vector.broadcast %max3A_27 : f32 to vector<1024x1xf32>
    %max3A_29 = arith.maximumf %add3A_26, %max3A_28 : vector<1024x1xf32>
    %get3A_30 = arith.constant 0 : index
    %get3A_31 = arith.constant 0 : index
    %get3A_32 = vector.load %arg6[%get3A_30, %get3A_31] : memref<1024x1024xf32, #tpu.memory_space<vmem>>, vector<1024x1024xf32>
    %dot_general3A_33 = arith.constant dense<0.000000e+00> : vector<1024x1xf32>
    %dot_general3A_34 = tpu.matmul %get3A_32, %max3A_29, %dot_general3A_33 {dimension_numbers = #tpu.dot_dimension_numbers<[1], [0], [0], [1], [0, 0, 1, 1], [], []>, transpose_lhs_hint = false} : vector<1024x1024xf32>, vector<1024x1xf32>, vector<1024x1xf32> -> vector<1024x1xf32>
    %get3A_35 = arith.constant 0 : index
    %get3A_36 = arith.constant 0 : index
    %get3A_37 = vector.load %arg7[%get3A_35, %get3A_36] : memref<1024x1xf32, #tpu.memory_space<vmem>>, vector<1024x1xf32>
    %add3A_38 = arith.addf %dot_general3A_34, %get3A_37 : vector<1024x1xf32>
    %max3A_39 = arith.constant 0.000000e+00 : f32
    %max3A_40 = vector.broadcast %max3A_39 : f32 to vector<1024x1xf32>
    %max3A_41 = arith.maximumf %add3A_38, %max3A_40 : vector<1024x1xf32>
    %get3A_42 = arith.constant 0 : index
    %get3A_43 = arith.constant 0 : index
    %get3A_44 = vector.load %arg8[%get3A_42, %get3A_43] : memref<512x1024xf32, #tpu.memory_space<vmem>>, vector<512x1024xf32>
    %dot_general3A_45 = arith.constant dense<0.000000e+00> : vector<512x1xf32>
    %dot_general3A_46 = tpu.matmul %get3A_44, %max3A_41, %dot_general3A_45 {dimension_numbers = #tpu.dot_dimension_numbers<[1], [0], [0], [1], [0, 0, 1, 1], [], []>, transpose_lhs_hint = false} : vector<512x1024xf32>, vector<1024x1xf32>, vector<512x1xf32> -> vector<512x1xf32>
    %get3A_47 = arith.constant 0 : index
    %get3A_48 = arith.constant 0 : index
    %get3A_49 = vector.load %arg9[%get3A_47, %get3A_48] : memref<512x1xf32, #tpu.memory_space<vmem>>, vector<512x1xf32>
    %add3A_50 = arith.addf %dot_general3A_46, %get3A_49 : vector<512x1xf32>
    %max3A_51 = arith.constant 0.000000e+00 : f32
    %max3A_52 = vector.broadcast %max3A_51 : f32 to vector<512x1xf32>
    %max3A_53 = arith.maximumf %add3A_50, %max3A_52 : vector<512x1xf32>
    %get3A_54 = arith.constant 0 : index
    %get3A_55 = arith.constant 0 : index
    %get3A_56 = vector.load %arg10[%get3A_54, %get3A_55] : memref<10x512xf32, #tpu.memory_space<vmem>>, vector<10x512xf32>
    %dot_general3A_57 = arith.constant dense<0.000000e+00> : vector<10x1xf32>
    %dot_general3A_58 = tpu.matmul %get3A_56, %max3A_53, %dot_general3A_57 {dimension_numbers = #tpu.dot_dimension_numbers<[1], [0], [0], [1], [0, 0, 1, 1], [], []>, transpose_lhs_hint = false} : vector<10x512xf32>, vector<512x1xf32>, vector<10x1xf32> -> vector<10x1xf32>
    %get3A_59 = arith.constant 0 : index
    %get3A_60 = arith.constant 0 : index
    %get3A_61 = vector.load %arg11[%get3A_59, %get3A_60] : memref<10x1xf32, #tpu.memory_space<vmem>>, vector<10x1xf32>
    %add3A_62 = arith.addf %dot_general3A_58, %get3A_61 : vector<10x1xf32>
    %reduce_max3A = arith.constant dense<0xFF800000> : vector<1xf32>
    %reduce_max3A_63 = vector.multi_reduction <maximumf>, %add3A_62, %reduce_max3A [0] : vector<10x1xf32> to vector<1xf32>
    %broadcast_in_dim3A_64 = vector.shape_cast %reduce_max3A_63 : vector<1xf32> to vector<1x1xf32>
    %sub3A = vector.broadcast %broadcast_in_dim3A_64 : vector<1x1xf32> to vector<10x1xf32>
    %sub3A_65 = arith.subf %add3A_62, %sub3A : vector<10x1xf32>
    %exp3A = math.exp %sub3A_65 : vector<10x1xf32>
    %reduce_sum3A = arith.constant dense<0.000000e+00> : vector<1xf32>
    %reduce_sum3A_66 = vector.multi_reduction <add>, %exp3A, %reduce_sum3A [0] : vector<10x1xf32> to vector<1xf32>
    %broadcast_in_dim3A_67 = vector.shape_cast %reduce_sum3A_66 : vector<1xf32> to vector<1x1xf32>
    %div3A = vector.broadcast %broadcast_in_dim3A_67 : vector<1x1xf32> to vector<10x1xf32>
    %div3A_68 = arith.divf %exp3A, %div3A : vector<10x1xf32>
    %swap3A = arith.constant 0 : index
    %swap3A_69 = arith.constant 0 : index
    %swap3A_70 = vector.load %arg12[%swap3A, %swap3A_69] : memref<10x1xf32, #tpu.memory_space<vmem>>, vector<10x1xf32>
    tpu.vector_store %arg12[%swap3A, %swap3A_69], %div3A_68 {strides = array<i32>} : memref<10x1xf32, #tpu.memory_space<vmem>>, vector<10x1xf32>,
    return
  }
}

</mosaic_0001>

<sc_bundles>
// kernel: kernel.12.cloned.1.call-start
scs
__scs_entry_jumppad:
0x0: {  	(pc) =	sbr.rel $0x88, $3  }
0x1: {  	(tag) =	ssettag $0x0;
	lr =	simm.s32 $0x1  }
0x2: {  	[smem:$0x3F90] =	sst lr;
	_ =	strace $0xD0000000  }
0x3: {  	_ = 	snop  }
0x4: {  	_ = 	snop  }
0x5: {  	_ = 	snop  }
0x6: {  	_ = 	snop  }
0x7: {  	_ = 	snop  }
__scs_overlays_trampoline_lowered:
0x8: {  	[smem:$0x3F9F] =	sst s0  }
0x9: {  	[smem:$0x3FA0] =	sst s1  }
0xa: {  	[smem:$0x3FA1] =	sst s2  }
0xb: {  	[smem:$0x3FA2] =	sst s3  }
0xc: {  	[smem:$0x3FA3] =	sst s4  }
0xd: {  	[smem:$0x3FA4] =	sst s5  }
0xe: {  	[smem:$0x3FA5] =	sst s6  }
0xf: {  	[smem:$0x3FA6] =	sst s7  }
0x10: {  	[smem:$0x3FA7] =	sst s8  }
0x11: {  	[smem:$0x3FA8] =	sst s9;
	s0 =	simm.s32 @!p0 $0x0  }
0x12: {  	s1 =	sld [smem:$0x3F8E];
	s0 =	simm.s32 @p0 $0x1  }
0x13: {  	[smem:$0x3FA9] =	sst s0;
	s0 =	simm.s32 @!p1 $0x0  }
0x14: {  	s2 =	sld [smem:$0x3F8D];
	s0 =	simm.s32 @p1 $0x1  }
0x15: {  	[smem:$0x3FAA] =	sst s0;
	s0 =	simm.s32 @!p2 $0x0  }
0x16: {  	s3 =	sld [smem:$0x3FDB];
	s0 =	simm.s32 @p2 $0x1  }
0x17: {  	s4 =	simm.s32 $0x1BF5;
	[smem:$0x3FAC] =	sst s0  }
0x18: {  	s0 =	sld [smem:$0x3F8F];
	_ =	swait.ge [sflag:s4], $0x0  }
0x19: {  	s7 =	sld [smem:$0x3F90]  }
0x1a: {  	s8 =	sadd.s32 $0xFFFFE003, lr  }
0x1b: {  	s9 =	sadd.s32 $0xFFFFFEF7, lr;
	s5 =	simm.s32 $0xFFFFFFFF;
	p2 =	slt.u32 s8, $0xFFFFF086  }
0x1c: {  	p1 =	slt.u32 s9, $0xF7A;
	s5 =	simm.s32 @!p2 $0x0  }
0x1d: {  	s5 =	simm.s32 @p1 $0x1;
	p0 =	seq.s32 s7, s2  }
0x1e: {  	s7 =	smul.u32 @!p0 $0xF7A, s2;
	p2 =	seq.s32 @!p0 s5, $0x0  }
0x1f: {  	s9 =	smul.u32 $0xF7A, s1;
	s8 =	simm.s32 @!p0 $0x1BF5;
	p2 =	por !p2, p0  }
0x20: {  	[sflag:s8] =	ssyncset.s32 @!p0 $0xFFFFF086;
	s6 =	sadd.s32 @!p0 s3, s7;
	s7 =	simm.s32 @!p0 $0x108  }
0x21: {  	s3 =	sadd.s32 s3, s9;
	s6 =	sadd.s32 @!p0 $0x88, s6;
	s7 =	simm.s32 @p2 $0x1082  }
0x22: {  	[simem:s7], [sflag:s8] =	dma.local @!p0 [hbm:s6], $0xF7A  }
0x23: {  	s9 =	sor.u32 $0xD0000000, s2;
	s6 =	simm.s32 $0x108;
	_ =	swait.ge @!p0 [sflag:s8], $0x0  }
0x24: {  	s3 =	sadd.s32 $0x88, s3;
	s6 =	simm.s32 @!p1 $0x1082;
	[sflag:s4] =	ssyncset.s32 $0xFFFFF086  }
0x25: {  	[simem:s6], [sflag:s4] =	dma.local [hbm:s3], $0xF7A  }
0x26: {  	[smem:$0x3F90] =	sst s1;
	(tag) =	ssettag s2;
	_ =	strace s9  }
0x27: {  	s1 =	sld [smem:$0x3FA0]  }
0x28: {  	s2 =	sld [smem:$0x3FA1]  }
0x29: {  	s4 =	sld [smem:$0x3FA3]  }
0x2a: {  	p0 =	seq.s32 s5, $0x0;
	s5 =	sld [smem:$0x3FA4]  }
0x2b: {  	s6 =	sld [smem:$0x3FA5]  }
0x2c: {  	s7 =	sld [smem:$0x3FA6]  }
0x2d: {  	s3 =	simm.s32 $0x108;
	s8 =	sld [smem:$0x3FA7]  }
0x2e: {  	s3 =	simm.s32 @!p0 $0x1082;
	s9 =	sld [smem:$0x3FA8]  }
0x2f: {  	lr =	sadd.s32 s0, s3;
	s0 =	sld [smem:$0x3F9F]  }
0x30: {  	s3 =	sld [smem:$0x3FA2]  }
0x31: {  	[smem:$0x3FAB] =	sst s10  }
0x32: {  	s10 =	sld [smem:$0x3FA9];
	_ =	sdelay $0x3  }
0x33: {  	p0 =	seq.s32 s10, $0x1;
	s10 =	sld [smem:$0x3FAB];
	_ =	sdelay $0x3  }
0x34: {  	[smem:$0x3FAB] =	sst s10  }
0x35: {  	s10 =	sld [smem:$0x3FAA];
	_ =	sdelay $0x3  }
0x36: {  	p1 =	seq.s32 s10, $0x1;
	s10 =	sld [smem:$0x3FAB];
	_ =	sdelay $0x3  }
0x37: {  	[smem:$0x3FAB] =	sst s10  }
0x38: {  	s10 =	sld [smem:$0x3FAC]  }
0x39: {  	_ = 	snop;
	(pc) =	sbr.ind lr, $3  }
0x3a: {  	_ = 	snop  }
0x3b: {  	_ = 	snop  }
0x3c: {  	p2 =	seq.s32 s10, $0x1;
	s10 =	sld [smem:$0x3FAB]  }
0x3d: {  	_ =	shalt  }
0x3e: {  	_ =	shalt  }
0x3f: {  	_ =	shalt  }
0x40: {  	_ =	shalt  }
0x41: {  	_ =	shalt  }
0x42: {  	_ =	shalt  }
0x43: {  	_ =	shalt  }
0x44: {  	_ =	shalt  }
0x45: {  	_ =	shalt  }
0x46: {  	_ =	shalt  }
0x47: {  	_ =	shalt  }
0x48: {  	_ =	shalt  }
0x49: {  	_ =	shalt  }
0x4a: {  	_ =	shalt  }
0x4b: {  	_ =	shalt  }
0x4c: {  	_ =	shalt  }
0x4d: {  	_ =	shalt  }
0x4e: {  	_ =	shalt  }
0x4f: {  	_ =	shalt  }
0x50: {  	_ =	shalt  }
0x51: {  	_ =	shalt  }
0x52: {  	_ =	shalt  }
0x53: {  	_ =	shalt  }
0x54: {  	_ =	shalt  }
0x55: {  	_ =	shalt  }
0x56: {  	_ =	shalt  }
0x57: {  	_ =	shalt  }
0x58: {  	_ =	shalt  }
0x59: {  	_ =	shalt  }
0x5a: {  	_ =	shalt  }
0x5b: {  	_ =	shalt  }
0x5c: {  	_ =	shalt  }
0x5d: {  	_ =	shalt  }
0x5e: {  	_ =	shalt  }
0x5f: {  	_ =	shalt  }
0x60: {  	_ =	shalt  }
0x61: {  	_ =	shalt  }
0x62: {  	_ =	shalt  }
0x63: {  	_ =	shalt  }
0x64: {  	_ =	shalt  }
0x65: {  	_ =	shalt  }
0x66: {  	_ =	shalt  }
0x67: {  	_ =	shalt  }
0x68: {  	_ =	shalt  }
0x69: {  	_ =	shalt  }
0x6a: {  	_ =	shalt  }
0x6b: {  	_ =	shalt  }
0x6c: {  	_ =	shalt  }
0x6d: {  	_ =	shalt  }
0x6e: {  	_ =	shalt  }
0x6f: {  	_ =	shalt  }
0x70: {  	_ =	shalt  }
0x71: {  	_ =	shalt  }
0x72: {  	_ =	shalt  }
0x73: {  	_ =	shalt  }
0x74: {  	_ =	shalt  }
0x75: {  	_ =	shalt  }
0x76: {  	_ =	shalt  }
0x77: {  	_ =	shalt  }
0x78: {  	_ =	shalt  }
0x79: {  	_ =	shalt  }
0x7a: {  	_ =	shalt  }
0x7b: {  	_ =	shalt  }
0x7c: {  	_ =	shalt  }
0x7d: {  	_ =	shalt  }
0x7e: {  	_ =	shalt  }
0x7f: {  	_ =	shalt  }
0x80: {  	_ =	shalt  }
0x81: {  	_ =	shalt  }
0x82: {  	_ =	shalt  }
0x83: {  	_ =	shalt  }
0x84: {  	_ =	shalt  }
0x85: {  	_ =	shalt  }
0x86: {  	_ =	shalt  }
0x87: {  	_ =	shalt  }
.Lfunc_end0:
.L_simem_size_0:
called_computation.2_lowered:
.L_overlay_start_0:
0x88: {  	s2 =	sld [smem:$0x3FD9]  }
0x89: {  	s3 =	sld [smem:$0x3FFE];
	_ =	sdelay $0x1  }
0x8a: {  	s1 =	srdreg.scid  }
0x8b: {  	s0 =	sand.u32 $0x1, s1  }
0x8c: {  	s16 =	sshll.u32 s0, $0xA;
	s2 =	sadd.s32 s3, s2  }
0x8d: {  	s2 =	sadd.s32 s2, s16  }
0x8e: {  	[smem:$0x3FB7] =	sst s2  }
0x8f: {  	_ = 	snop  }
0x90: {  	(tm) =	ssettm $0x1  }
0x91: {  	s17 =	sld [smem:$0x3FFB];
	_ =	sdelay $0x3  }
0x92: {  	_ =	strace s17  }
0x93: {  	s2 =	sld [smem:$0x3FFC];
	_ =	sdelay $0x3  }
0x94: {  	_ =	strace s2  }
0x95: {  	s2 =	sld [smem:$0x3FFD];
	_ =	sdelay $0x3  }
0x96: {  	_ =	strace s2  }
0x97: {  	_ =	strace $0x8FFFFFFF  }
0x98: {  	s18 =	sld [smem:$0x3FDB];
	_ =	sdelay $0x1  }
0x99: {  	s19 =	simm.s32 $_scs_section_size  }
0x9a: {  	s4 =	simm.s32 $_size__tile_overlayer_lowered;
	s5 =	simm.s32 $_tile_overlayer_lowered  }
0x9b: {  	s22 =	simm.s32 $0x1BFF;
	s21 =	sshll.u32 s5, $0x1;
	s2 =	sadd.s32 s19, s18  }
0x9c: {  	s6 =	simm.s32 $0x0;
	s20 =	sshll.u32 s4, $0x1;
	s4 =	sadd.s32 s21, s2  }
0x9d: {  	[timem:s6], [sflag:s22] =	dma.local [hbm:s4], s20  }
0x9e: {  	_ =	swait.ge [sflag:s22], s20  }
0x9f: {  	s3 =	ssub.s32 $0x0, s20;
	[sflag:s22] =	ssyncset.done $0x0  }
0xa0: {  	[sflag:s22] =	ssyncadd.s32 s3;
	_ =	sdelay $0x1  }
0xa1: {  	s23 =	simm.s32 $0x1B8B  }
0xa2: {  	_ =	swait.ge [sflag:s23], $0x1  }
0xa3: {  	[sflag:s23] =	ssyncset.done $0x0  }
0xa4: {  	s25 =	simm.s32 $0x1B8E;
	s24 =	sld [smem:$0x3FFE];
	[sflag:s23] =	ssyncadd.s32 $0xFFFFFFFF  }
0xa5: {  	s26 =	simm.s32 $execute0_lowered;
	[smem:$0x3FD2] =	sst s25  }
0xa6: {  	s4 =	sshll.u32 s26, $0x1;
	_ =	strace $0x8000004C;
	[dreg:$0x1] =	wrdreg $0xFFFFFFFF  }
0xa7: {  	s28 =	simm.s32 $_size_execute0_lowered;
	s2 =	sadd.s32 s2, s4;
	[dreg:$0x0] =	wrdreg $0x0  }
0xa8: {  	s4 =	sshll.u32 s28, $0x1;
	[dreg:$0x2] =	wrdreg s2  }
0xa9: {  	[dreg:$0x3] =	wrdreg s4  }
0xaa: {  	[dreg:$0x4] =	wrdreg $0xC0  }
0xab: {  	_ =	task [dreg:s6], $0x5FFFF  }
0xac: {  	[dreg:$0x1] =	wrdreg $0xFFFFFFFF  }
0xad: {  	[dreg:$0x0] =	wrdreg $0x60  }
0xae: {  	[dreg:$0x2] =	wrdreg s24  }
0xaf: {  	[dreg:$0x3] =	wrdreg $0x185000  }
0xb0: {  	[dreg:$0x4] =	wrdreg $0x191800  }
0xb1: {  	[dreg:$0x5] =	wrdreg $0x19E000  }
0xb2: {  	[dreg:$0x6] =	wrdreg $0x1AA800  }
0xb3: {  	[dreg:$0x7] =	wrdreg $0x1B7000  }
0xb4: {  	[dreg:$0x8] =	wrdreg $0x1C3800  }
0xb5: {  	[dreg:$0x9] =	wrdreg $0x16C000  }
0xb6: {  	[dreg:$0xa] =	wrdreg $0x178800  }
0xb7: {  	[dreg:$0xb] =	wrdreg $0x9  }
0xb8: {  	_ =	task.clear_ibuf [dreg:s6], $0xCFFFF;
	_ =	strace $0x9000004C  }
0xb9: {  	s29 =	simm.s32 $0x9;
	_ =	strace $0x8000004E  }
0xba: {  	_ =	swait.ge [sflag:s29], $0x1  }
0xbb: {  	[sflag:s29] =	ssyncadd.s32 $0xFFFFFFFF  }
0xbc: {  	_ =	strace $0x9000004E  }
0xbd: {  	_ =	sfence  }
0xbe: {  	s30 =	sld [smem:$0x0];
	_ =	sdelay $0x2  }
0xbf: {  	s31 =	sshll.u32 s1, $0xD;
	s1 =	sshrl.u32 s1, $0x2  }
0xc0: {  	s3 =	sand.u32 $0x4000, s31;
	s1 =	sadd.s32 s1, s30  }
0xc1: {  	s0 =	sor.u32 s3, s0;
	s1 =	sshll.u32 s1, $0x11  }
0xc2: {  	s0 =	sor.u32 s1, s0  }
0xc3: {  	s0 =	sadd.s32 $0x8F2B, s0  }
0xc4: {  	[sflag:s0] =	ssyncadd.remote.s32 $0x1  }
0xc5: {  	_ =	sfence.sel $0xFFFF  }
0xc6: {  	[dreg:$0x0] =	wrdreg $0xFFFFFFFF;
	(pc) =	sbr.abs _section_cstart, $3  }
0xc7: {  	[dreg:$0x1] =	wrdreg $0xFFFFFFFF  }
0xc8: {  	_ =	task.clear_ibuf [dreg:s6], $0x2FFFF;
	_ =	strace $0x9FFFFFFF  }
0xc9: {  	(tm) =	ssettm $0x7FFFFFFF  }
tec
execute0_lowered:
.L_overlay_start_1:
0x0: {  	(tag) =	ssettag $0x1  }
0x1: {  	s0 =	rddreg [dreg:$0x0]  }
0x2: {  	s2 =	rddreg [dreg:$0x1]  }
0x3: {  	s5 =	rddreg [dreg:$0x2]  }
0x4: {  	s6 =	rddreg [dreg:$0x3]  }
0x5: {  	s15 =	rddreg [dreg:$0x4]  }
0x6: {  	s13 =	rddreg [dreg:$0x5]  }
0x7: {  	s14 =	rddreg [dreg:$0x6]  }
0x8: {  	s8 =	rddreg [dreg:$0x7];
	s4 =	stileid.u32  }
0x9: {  	s1 =	srdreg.scid;
	s9 =	rddreg [dreg:$0x8]  }
0xa: {  	s10 =	simm.s32 $0x0;
	s3 =	smul.u32 $0xC80, s4;
	s1 =	sand.u32 $0x1, s1  }
0xb: {  	[smem:$0x7FF] =	sst s10;
	s29 =	sadd.s32 $0x33000, s0;
	s16 =	sadd.s32 $0x5BA00, s0  }
0xc: {  	s17 =	sadd.s32 $0x5BC00, s0;
	_ =	strace $0x8000004D;
	[dreg:$0x1a] =	wrdreg s16  }
0xd: {  	s30 =	sadd.s32 $0x1A000, s0;
	[dreg:$0x1b] =	wrdreg s17;
	s2 =	sadd.s32 s3, s2  }
0xe: {  	s20 =	sshrl.u32 s3, $0x3;
	s24 =	sadd.s32 s3, s5;
	[dreg:$0xa] =	wrdreg s2  }
0xf: {  	s28 =	sadd.s32 s3, s13;
	s10 =	sadd.s32 s20, s0;
	[dreg:$0xb] =	wrdreg s24  }
0x10: {  	s31 =	sadd.s32 $0x1000, s0;
	[dreg:$0x16] =	wrdreg s28;
	s21 =	sadd.s32 $0x4F200, s10  }
0x11: {  	s7 =	smul.u32 $0x4B000, s1;
	s22 =	sadd.s32 $0x55600, s10;
	[dreg:$0xc] =	wrdreg s21  }
0x12: {  	s11 =	ssub.s32 $0x2, s1;
	s23 =	sadd.s32 $0x52400, s10;
	[dreg:$0xd] =	wrdreg s22  }
0x13: {  	s1 =	sshll.u32 s1, $0x4;
	s25 =	sadd.s32 $0x58800, s10;
	[dreg:$0xe] =	wrdreg s23  }
0x14: {  	s12 =	sshrl.u32 s11, $0x1;
	s26 =	sadd.s32 $0x50B00, s10;
	[dreg:$0xf] =	wrdreg s25  }
0x15: {  	s1 =	sor.u32 s4, s1;
	s4 =	sadd.s32 $0x56F00, s10;
	[dreg:$0x10] =	wrdreg s26  }
0x16: {  	s7 =	sadd.s32 s3, s7;
	s5 =	sadd.s32 $0x53D00, s10;
	[dreg:$0x11] =	wrdreg s4  }
0x17: {  	s12 =	ssub.s32 s11, s12;
	s10 =	sadd.s32 $0x5A100, s10;
	[dreg:$0x12] =	wrdreg s5  }
0x18: {  	s7 =	sshrl.u32 s7, $0x3;
	[dreg:$0x13] =	wrdreg s10;
	s10 =	sadd.s32 s3, s6  }
0x19: {  	s4 =	smov.u32 s15;
	s5 =	smov.u32 s13;
	s13 =	sadd.s32 s3, s14  }
0x1a: {  	s6 =	smov.u32 s14;
	s14 =	sadd.s32 s3, s8;
	[dreg:$0x17] =	wrdreg s13  }
0x1b: {  	s25 =	sadd.s32 s3, s15;
	s15 =	sadd.s32 s3, s9;
	[dreg:$0x18] =	wrdreg s14  }
0x1c: {  	s7 =	sadd.s32 s7, s0;
	s0 =	sadd.s32 $0x5BA10, s0;
	[dreg:$0x19] =	wrdreg s15  }
0x1d: {  	s26 =	smax.u32 s12, $0x1;
	[dreg:$0x1c] =	wrdreg s0  }
0x1e: {  	s16 =	simm.s32 $0x7200;
	[smem:$0x7FD] =	sst s26  }
0x1f: {  	s17 =	simm.s32 $0x8B00;
	s11 =	smul.u32 $0x6400, s1;
	[dreg:$0x14] =	wrdreg s10  }
0x20: {  	s1 =	simm.s32 $0x0;
	s18 =	sadd.s32 $0x5BE00, s7;
	[dreg:$0x15] =	wrdreg s25  }
0x21: {  	s3 =	simm.s32 $0x4000;
	s19 =	sadd.s32 $0x5D700, s7;
	[dreg:$0x1d] =	wrdreg s18  }
0x22: {  	s12 =	simm.s32 $0x10800;
	s20 =	sadd.s32 $0x5F000, s7;
	[dreg:$0x1e] =	wrdreg s19  }
0x23: {  	s21 =	sadd.s32 $0x60900, s7;
	s22 =	sadd.s32 $0x62200, s7;
	[dreg:$0x1f] =	wrdreg s20  }
0x24: {  	s23 =	sadd.s32 $0x63B00, s7;
	s26 =	simm.s32 $0x1;
	[smem:$0x7FA] =	sst s21  }
0x25: {  	s7 =	simm.s32 $0x2700;
	s14 =	simm.s32 $0x5900;
	[smem:$0x7FB] =	sst s22  }
0x26: {  	v0 =	vimm.f32 $0.0e+00;
	v1 =	vimm.s32 $0x0;
	v2 =	vimm.s32 $0x1;
	s15 =	simm.s32 $0x1900;
	s13 =	simm.s32 $0x12100;
	[smem:$0x7FC] =	sst s23  }
0x27: {  	v3 =	vimm.s32 $0x2;
	v4 =	vimm.s32 $0x3;
	v5 =	vimm.s32 $0x4;
	s18 =	simm.s32 $0xA400;
	s19 =	simm.s32 $0xBD00;
	s20 =	simm.s32 $0xD600  }
0x28: {  	v6 =	vimm.s32 $0x5;
	v7 =	vimm.s32 $0x6;
	v8 =	vimm.s32 $0x7;
	s21 =	simm.s32 $0xEF00;
	s22 =	simm.s32 $0x13A00;
	s23 =	simm.s32 $0x15300  }
.LBB2_1:
0x29: {  	[smem:$0x7F9] =	sst s1;
	s0 =	simm.s32 $0x40;
	s1 =	simm.s32 $0x0  }
.LBB2_2:
0x2a: {  	p0 =	sne.s32 s0, $0x31C0;
	[tilespmem:s1+$0x0] =	vst v0;
	s1 =	smov.u32 s0;
	s0 =	sadd.s32 $0x40, s0  }
.Ltmp0:
0x2b: {  	(pc) =	sbr.rel @p0 .LBB2_2-.Ltmp0, $2  }
0x2c: {  	_ =	sdelay $0x2  }
0x2d: {  	s1 =	sshra.s32 s1, $0x2  }
0x2e: {  	[tilespmem:s1+$0x0] =	vst v0;
	s0 =	simm.s32 $0x0  }
0x2f: {  	[spmem:s2] =	stream.linear.scatter [tilespmem:s0], [sflag:$0x1], $0xC80, $0x38;
	[tilespmem:$0x1D000] =	vst v63  }
0x30: {  	_ =	swait.ge [sflag:s26], $0xC80  }
0x31: {  	[sflag:s26] =	ssyncset.done $0x0  }
0x32: {  	[sflag:s26] =	ssyncadd.s32 $0xFFFFF380  }
0x33: {  	[spmem:s24] =	stream.linear.scatter [tilespmem:s0], [sflag:$0x1], $0xC80, $0x38;
	[tilespmem:$0x1D000] =	vst v63  }
0x34: {  	_ =	swait.ge [sflag:s26], $0xC80  }
0x35: {  	[sflag:s26] =	ssyncset.done $0x0  }
0x36: {  	[sflag:s26] =	ssyncadd.s32 $0xFFFFF380  }
0x37: {  	[spmem:s10] =	stream.linear.scatter [tilespmem:s0], [sflag:$0x1], $0xC80, $0x38;
	[tilespmem:$0x1D000] =	vst v63  }
0x38: {  	_ =	swait.ge [sflag:s26], $0xC80  }
0x39: {  	[sflag:s26] =	ssyncset.done $0x0  }
0x3a: {  	[sflag:s26] =	ssyncadd.s32 $0xFFFFF380  }
0x3b: {  	[spmem:s25] =	stream.linear.scatter [tilespmem:s0], [sflag:$0x1], $0xC80, $0x38;
	[tilespmem:$0x1D000] =	vst v63  }
0x3c: {  	_ =	swait.ge [sflag:s26], $0xC80  }
0x3d: {  	[sflag:s26] =	ssyncset.done $0x0  }
0x3e: {  	[sflag:s26] =	ssyncadd.s32 $0xFFFFF380  }
0x3f: {  	[spmem:s28] =	stream.linear.scatter [tilespmem:s0], [sflag:$0x1], $0xC80, $0x38;
	[tilespmem:$0x1D000] =	vst v63  }
0x40: {  	_ =	swait.ge [sflag:s26], $0xC80  }
0x41: {  	[sflag:s26] =	ssyncset.done $0x0  }
0x42: {  	s10 =	rddreg [dreg:$0x17];
	[sflag:s26] =	ssyncadd.s32 $0xFFFFF380  }
0x43: {  	[spmem:s10] =	stream.linear.scatter [tilespmem:s0], [sflag:$0x1], $0xC80, $0x38;
	[tilespmem:$0x1D000] =	vst v63  }
0x44: {  	_ =	swait.ge [sflag:s26], $0xC80  }
0x45: {  	[sflag:s26] =	ssyncset.done $0x0  }
0x46: {  	s24 =	rddreg [dreg:$0xc];
	[sflag:s26] =	ssyncadd.s32 $0xFFFFF380  }
0x47: {  	[tilespmem:s0], [sflag:$0x1] =	stream.linear.gather [hbm4b:s24+s0], $0xC80, $0x38;
	[tilespmem:$0x1D000] =	vst v63  }
0x48: {  	_ =	swait.ge [sflag:s26], $0xC80  }
0x49: {  	[sflag:s26] =	ssyncset.done $0x0  }
0x4a: {  	s28 =	simm.s32 $0xC80;
	s25 =	rddreg [dreg:$0xd];
	[sflag:s26] =	ssyncadd.s32 $0xFFFFF380  }
0x4b: {  	[tilespmem:s28], [sflag:$0x1] =	stream.linear.gather [hbm4b:s25+s0], $0xC80, $0x38;
	[tilespmem:$0x1D000] =	vst v63  }
0x4c: {  	_ =	swait.ge [sflag:s26], $0xC80  }
0x4d: {  	[sflag:s26] =	ssyncset.done $0x0  }
0x4e: {  	s0 =	simm.s32 $0x0;
	[sflag:s26] =	ssyncadd.s32 $0xFFFFF380  }
0x4f: {  	v9 =	vld [tilespmem:s0+$0x0]  }
0x50: {  	v10 =	vld [tilespmem:s0+$0xC80];
	_ =	sdelay $0x2  }
0x51: {  	s1 =	simm.s32 $0x40  }
.LBB2_4:
0x52: {  	s10 =	sshra.s32 s1, $0x2;
	p0 =	sne.s32 s1, $0x31C0  }
.Ltmp1:
0x53: {  	s1 =	sadd.s32 $0x40, s1;
	v11 =	vadd.f32 v10, v9;
	v9 =	vld [tilespmem:s10+$0x0];
	(pc) =	sbr.rel @p0 .LBB2_4-.Ltmp1, $3  }
0x54: {  	v10 =	vld [tilespmem:s10+$0xC80]  }
0x55: {  	v11 =	vadd.f32 $9.999999710e-10, v11;
	_ =	sdelay $0x1  }
0x56: {  	[tilespmem:s0+$0x1900] =	vst v11;
	s0 =	smov.u32 s10  }
0x57: {  	_ = 	snop  }
0x58: {  	v9 =	vadd.f32 v10, v9;
	_ =	sdelay $0x1  }
0x59: {  	v9 =	vadd.f32 $9.999999710e-10, v9;
	_ =	sdelay $0x1  }
0x5a: {  	s25 =	simm.s32 $0x0;
	s1 =	rddreg [dreg:$0xe];
	[tilespmem:s0+$0x1900] =	vst v9  }
0x5b: {  	[tilespmem:s25], [sflag:$0x1] =	stream.linear.gather [hbm4b:s1+s25], $0xC80, $0x38;
	[tilespmem:$0x1D000] =	vst v63  }
0x5c: {  	_ =	swait.ge [sflag:s26], $0xC80  }
0x5d: {  	[sflag:s26] =	ssyncset.done $0x0  }
0x5e: {  	s10 =	simm.s32 $0xC80;
	s28 =	rddreg [dreg:$0xf];
	[sflag:s26] =	ssyncadd.s32 $0xFFFFF380  }
0x5f: {  	[tilespmem:s10], [sflag:$0x1] =	stream.linear.gather [hbm4b:s28+s25], $0xC80, $0x38;
	[tilespmem:$0x1D000] =	vst v63  }
0x60: {  	_ =	swait.ge [sflag:s26], $0xC80  }
0x61: {  	[sflag:s26] =	ssyncset.done $0x0  }
0x62: {  	s0 =	simm.s32 $0x0;
	[sflag:s26] =	ssyncadd.s32 $0xFFFFF380  }
0x63: {  	v10 =	vld [tilespmem:s0+$0x1900];
	_ =	sdelay $0x4  }
0x64: {  	(erf) = vrcp.f32 v10;
	_ =	sdelay $0x1  }
0x65: {  	v9 =	vld [tilespmem:s0+$0xC80]  }
0x66: {  	v10 =	vld [tilespmem:s0+$0x0]  }
0x67: {  	s1 =	simm.s32 $0x10;
	s10 =	simm.s32 $0x80  }
.LBB2_6:
0x68: {  	p0 =	sne.s32 s10, $0x31C0;
	v11 =	vld [tilespmem:s1+$0x1900];
	_ =	sdelay $0x2  }
0x69: {  	v9 =	vadd.f32 v9, v10  }
0x6a: {  	v10 =	vpop (erf)  }
.Ltmp2:
0x6b: {  	(erf) = vrcp.f32 v11;
	v10 =	vmul.f32 v10, v9;
	(pc) =	sbr.rel @p0 .LBB2_6-.Ltmp2, $4  }
0x6c: {  	_ = 	snop  }
0x6d: {  	v9 =	vld [tilespmem:s1+$0xC80];
	[tilespmem:s0+$0x0] =	vst v10;
	s0 =	smov.u32 s1  }
0x6e: {  	v10 =	vld [tilespmem:s0+$0x0]  }
0x6f: {  	s1 =	sshra.s32 s10, $0x2;
	s10 =	sadd.s32 $0x40, s10  }
0x70: {  	v11 =	vld [tilespmem:s1+$0x1900];
	_ =	sdelay $0x2  }
0x71: {  	v9 =	vadd.f32 v9, v10  }
0x72: {  	v10 =	vpop (erf)  }
0x73: {  	(erf) = vrcp.f32 v11;
	v9 =	vmul.f32 v10, v9;
	_ =	sdelay $0x1  }
0x74: {  	v10 =	vld [tilespmem:s1+$0xC80];
	[tilespmem:s0+$0x0] =	vst v9  }
0x75: {  	v9 =	vld [tilespmem:s1+$0x0];
	_ =	sdelay $0x4  }
0x76: {  	v9 =	vadd.f32 v10, v9  }
0x77: {  	v10 =	vpop (erf)  }
0x78: {  	v9 =	vmul.f32 v10, v9;
	_ =	sdelay $0x1  }
0x79: {  	s2 =	simm.s32 $0x0;
	s24 =	rddreg [dreg:$0x18];
	[tilespmem:s1+$0x0] =	vst v9  }
0x7a: {  	[spmem:s24] =	stream.linear.scatter [tilespmem:s2], [sflag:$0x1], $0xC80, $0x38;
	[tilespmem:$0x1D000] =	vst v63  }
0x7b: {  	_ =	swait.ge [sflag:s26], $0xC80  }
0x7c: {  	[sflag:s26] =	ssyncset.done $0x0  }
0x7d: {  	s25 =	rddreg [dreg:$0x10];
	[sflag:s26] =	ssyncadd.s32 $0xFFFFF380  }
0x7e: {  	[tilespmem:s2], [sflag:$0x1] =	stream.linear.gather [hbm4b:s25+s2], $0xC80, $0x38;
	[tilespmem:$0x1D000] =	vst v63  }
0x7f: {  	_ =	swait.ge [sflag:s26], $0xC80  }
0x80: {  	[sflag:s26] =	ssyncset.done $0x0  }
0x81: {  	s10 =	simm.s32 $0xC80;
	s28 =	rddreg [dreg:$0x11];
	[sflag:s26] =	ssyncadd.s32 $0xFFFFF380  }
0x82: {  	[tilespmem:s10], [sflag:$0x1] =	stream.linear.gather [hbm4b:s28+s2], $0xC80, $0x38;
	[tilespmem:$0x1D000] =	vst v63  }
0x83: {  	_ =	swait.ge [sflag:s26], $0xC80  }
0x84: {  	[sflag:s26] =	ssyncset.done $0x0  }
0x85: {  	s0 =	simm.s32 $0x0;
	[sflag:s26] =	ssyncadd.s32 $0xFFFFF380  }
0x86: {  	v9 =	vld [tilespmem:s0+$0x0]  }
0x87: {  	v10 =	vld [tilespmem:s0+$0xC80];
	_ =	sdelay $0x2  }
0x88: {  	s1 =	simm.s32 $0x40  }
.LBB2_8:
0x89: {  	s10 =	sshra.s32 s1, $0x2;
	p0 =	sne.s32 s1, $0x31C0  }
.Ltmp3:
0x8a: {  	s1 =	sadd.s32 $0x40, s1;
	v11 =	vadd.f32 v10, v9;
	v9 =	vld [tilespmem:s10+$0x0];
	(pc) =	sbr.rel @p0 .LBB2_8-.Ltmp3, $3  }
0x8b: {  	v10 =	vld [tilespmem:s10+$0xC80]  }
0x8c: {  	v11 =	vadd.f32 $9.999999710e-10, v11;
	_ =	sdelay $0x1  }
0x8d: {  	[tilespmem:s0+$0x1900] =	vst v11;
	s0 =	smov.u32 s10  }
0x8e: {  	_ = 	snop  }
0x8f: {  	v9 =	vadd.f32 v10, v9;
	_ =	sdelay $0x1  }
0x90: {  	v9 =	vadd.f32 $9.999999710e-10, v9;
	_ =	sdelay $0x1  }
0x91: {  	s25 =	simm.s32 $0x0;
	s1 =	rddreg [dreg:$0x12];
	[tilespmem:s0+$0x1900] =	vst v9  }
0x92: {  	[tilespmem:s25], [sflag:$0x1] =	stream.linear.gather [hbm4b:s1+s25], $0xC80, $0x38;
	[tilespmem:$0x1D000] =	vst v63  }
0x93: {  	_ =	swait.ge [sflag:s26], $0xC80  }
0x94: {  	[sflag:s26] =	ssyncset.done $0x0  }
0x95: {  	s2 =	simm.s32 $0xC80;
	s28 =	rddreg [dreg:$0x13];
	[sflag:s26] =	ssyncadd.s32 $0xFFFFF380  }
0x96: {  	[tilespmem:s2], [sflag:$0x1] =	stream.linear.gather [hbm4b:s28+s25], $0xC80, $0x38;
	[tilespmem:$0x1D000] =	vst v63  }
0x97: {  	_ =	swait.ge [sflag:s26], $0xC80  }
0x98: {  	[sflag:s26] =	ssyncset.done $0x0  }
0x99: {  	s0 =	simm.s32 $0x0;
	[sflag:s26] =	ssyncadd.s32 $0xFFFFF380  }
0x9a: {  	v10 =	vld [tilespmem:s0+$0x1900];
	_ =	sdelay $0x4  }
0x9b: {  	(erf) = vrcp.f32 v10;
	_ =	sdelay $0x1  }
0x9c: {  	v9 =	vld [tilespmem:s0+$0xC80]  }
0x9d: {  	v10 =	vld [tilespmem:s0+$0x0]  }
0x9e: {  	s10 =	simm.s32 $0x80;
	s1 =	simm.s32 $0x10  }
.LBB2_10:
0x9f: {  	p0 =	sne.s32 s10, $0x31C0;
	v11 =	vld [tilespmem:s1+$0x1900];
	_ =	sdelay $0x2  }
0xa0: {  	v9 =	vadd.f32 v9, v10  }
0xa1: {  	v10 =	vpop (erf)  }
.Ltmp4:
0xa2: {  	(erf) = vrcp.f32 v11;
	v10 =	vmul.f32 v10, v9;
	(pc) =	sbr.rel @p0 .LBB2_10-.Ltmp4, $4  }
0xa3: {  	_ = 	snop  }
0xa4: {  	v9 =	vld [tilespmem:s1+$0xC80];
	[tilespmem:s0+$0x0] =	vst v10;
	s0 =	smov.u32 s1  }
0xa5: {  	v10 =	vld [tilespmem:s0+$0x0]  }
0xa6: {  	s1 =	sshra.s32 s10, $0x2;
	s10 =	sadd.s32 $0x40, s10  }
0xa7: {  	v11 =	vld [tilespmem:s1+$0x1900];
	_ =	sdelay $0x2  }
0xa8: {  	v9 =	vadd.f32 v9, v10  }
0xa9: {  	v10 =	vpop (erf)  }
0xaa: {  	(erf) = vrcp.f32 v11;
	v9 =	vmul.f32 v10, v9;
	_ =	sdelay $0x1  }
0xab: {  	v10 =	vld [tilespmem:s1+$0xC80];
	[tilespmem:s0+$0x0] =	vst v9  }
0xac: {  	v9 =	vld [tilespmem:s1+$0x0];
	_ =	sdelay $0x4  }
0xad: {  	v9 =	vadd.f32 v10, v9  }
0xae: {  	v10 =	vpop (erf)  }
0xaf: {  	v9 =	vmul.f32 v10, v9;
	_ =	sdelay $0x1  }
0xb0: {  	s25 =	simm.s32 $0x0;
	s2 =	rddreg [dreg:$0x19];
	[tilespmem:s1+$0x0] =	vst v9  }
0xb1: {  	[spmem:s2] =	stream.linear.scatter [tilespmem:s25], [sflag:$0x1], $0xC80, $0x38;
	[tilespmem:$0x1D000] =	vst v63  }
0xb2: {  	_ =	swait.ge [sflag:s26], $0xC80  }
0xb3: {  	[sflag:s26] =	ssyncset.done $0x0  }
0xb4: {  	s24 =	simm.s32 $0x2680;
	s10 =	rddreg [dreg:$0x1b];
	[sflag:s26] =	ssyncadd.s32 $0xFFFFF380  }
0xb5: {  	[tilespmem:s24], [sflag:$0x1] =	stream.linear.gather [hbm4b:s10+s25], $0x80, $0x38;
	[tilespmem:$0x1D000] =	vst v63  }
0xb6: {  	_ =	swait.ge [sflag:s26], $0x80  }
0xb7: {  	[sflag:s26] =	ssyncset.done $0x0  }
0xb8: {  	s2 =	simm.s32 $0x2580;
	s1 =	rddreg [dreg:$0x1a];
	[sflag:s26] =	ssyncadd.s32 $0xFFFFFF80  }
0xb9: {  	[tilespmem:s2], [sflag:$0x1] =	stream.linear.gather [hbm4b:s1+s25], $0x80, $0x38;
	[tilespmem:$0x1D000] =	vst v63  }
0xba: {  	_ =	swait.ge [sflag:s26], $0x80  }
0xbb: {  	[sflag:s26] =	ssyncset.done $0x0  }
0xbc: {  	s24 =	simm.s32 $0x2600;
	s10 =	rddreg [dreg:$0x1c];
	[sflag:s26] =	ssyncadd.s32 $0xFFFFFF80  }
0xbd: {  	[tilespmem:s24], [sflag:$0x1] =	stream.linear.gather [hbm4b:s10+s25], $0x80, $0x38;
	[tilespmem:$0x1D000] =	vst v63  }
0xbe: {  	_ =	swait.ge [sflag:s26], $0x80  }
0xbf: {  	[sflag:s26] =	ssyncset.done $0x0  }
0xc0: {  	[sflag:s26] =	ssyncadd.s32 $0xFFFFFF80  }
0xc1: {  	[bflag:$0x0] =	sbarrier.arrive $0xFFFF  }
0xc2: {  	v16 =	vld [tilespmem:$0x2680];
	_ =	sdelay $0x2  }
0xc3: {  	v15 =	vld [tilespmem:$0x2580]  }
0xc4: {  	v17 =	vld [tilespmem:$0x2600]  }
0xc5: {  	v9 =	vperm.xlane v16, v1;
	v11 =	vperm.xlane v16, v3  }
0xc6: {  	v10 =	vperm.xlane v16, v2;
	v12 =	vperm.xlane v16, v4  }
0xc7: {  	v13 =	vperm.xlane v16, v5;
	v14 =	vmax.f32 v9, $0.0e+00;
	v18 =	vmax.f32 v11, $0.0e+00  }
0xc8: {  	v19 =	vmax.f32 v10, $0.0e+00;
	v20 =	vmax.f32 v12, $0.0e+00;
	v18 =	vadd.f32 v18, v14  }
0xc9: {  	v14 =	vperm.xlane v16, v6;
	v19 =	vadd.f32 v20, v19;
	v20 =	vmax.f32 v15, v17  }
0xca: {  	v15 =	vperm.xlane v16, v7;
	v17 =	vmul.f32 v18, v20  }
0xcb: {  	s28 =	simm.s32 $0x0;
	v16 =	vperm.xlane v16, v8;
	v18 =	vmul.f32 v19, v20  }
.LBB2_12:
0xcc: {  	s0 =	smul.u32 $0x1900, s28;
	_ =	sdelay $0x1  }
0xcd: {  	s0 =	sadd.s32 s11, s0  }
0xce: {  	s0 =	sshrl.u32 s0, $0x3  }
0xcf: {  	s1 =	sadd.s32 s29, s0  }
0xd0: {  	[tilespmem:s7], [sflag:$0x1] =	stream.linear.gather [hbm4b:s1+s25], $0x1900, $0x38;
	[tilespmem:$0x1D000] =	vst v63  }
0xd1: {  	_ =	swait.ge [sflag:s26], $0x1900  }
0xd2: {  	[sflag:s26] =	ssyncset.done $0x0  }
0xd3: {  	s24 =	sadd.s32 s30, s0;
	[sflag:s26] =	ssyncadd.s32 $0xFFFFE700  }
0xd4: {  	[tilespmem:s3], [sflag:$0x1] =	stream.linear.gather [hbm4b:s24+s25], $0x1900, $0x38;
	[tilespmem:$0x1D000] =	vst v63  }
0xd5: {  	_ =	swait.ge [sflag:s26], $0x1900  }
0xd6: {  	[sflag:s26] =	ssyncset.done $0x0  }
0xd7: {  	s0 =	sadd.s32 s31, s0;
	[sflag:s26] =	ssyncadd.s32 $0xFFFFE700  }
0xd8: {  	[tilespmem:s14], [sflag:$0x1] =	stream.linear.gather [hbm4b:s0+s25], $0x1900, $0x38;
	[tilespmem:$0x1D000] =	vst v63  }
0xd9: {  	_ =	swait.ge [sflag:s26], $0x1900  }
0xda: {  	[sflag:s26] =	ssyncset.done $0x0  }
0xdb: {  	[sflag:s26] =	ssyncadd.s32 $0xFFFFE700  }
0xdc: {  	[tilespmem:s16], [sflag:$0x1] =	stream.indirect.gather [spmem:s8], $0x1, s7, s15, $0xb8;
	[tilespmem:$0x1D000] =	vst v63  }
0xdd: {  	_ =	swait.ge [sflag:s26], $0x1900  }
0xde: {  	[sflag:s26] =	ssyncset.done $0x0  }
0xdf: {  	[sflag:s26] =	ssyncadd.s32 $0xFFFFE700  }
0xe0: {  	[tilespmem:s17], [sflag:$0x1] =	stream.indirect.gather [spmem:s9], $0x1, s7, s15, $0xb8;
	[tilespmem:$0x1D000] =	vst v63  }
0xe1: {  	_ =	swait.ge [sflag:s26], $0x1900  }
0xe2: {  	[sflag:s26] =	ssyncset.done $0x0  }
0xe3: {  	[sflag:s26] =	ssyncadd.s32 $0xFFFFE700  }
0xe4: {  	[tilespmem:s18], [sflag:$0x1] =	stream.indirect.gather [spmem:s8], $0x1, s3, s15, $0xb8;
	[tilespmem:$0x1D000] =	vst v63  }
0xe5: {  	_ =	swait.ge [sflag:s26], $0x1900  }
0xe6: {  	[sflag:s26] =	ssyncset.done $0x0  }
0xe7: {  	[sflag:s26] =	ssyncadd.s32 $0xFFFFE700  }
0xe8: {  	[tilespmem:s19], [sflag:$0x1] =	stream.indirect.gather [spmem:s9], $0x1, s3, s15, $0xb8;
	[tilespmem:$0x1D000] =	vst v63  }
0xe9: {  	_ =	swait.ge [sflag:s26], $0x1900  }
0xea: {  	[sflag:s26] =	ssyncset.done $0x0  }
0xeb: {  	s24 =	simm.s32 $0x0;
	[sflag:s26] =	ssyncadd.s32 $0xFFFFE700  }
0xec: {  	v21 =	vld [tilespmem:s24+$0x8B00]  }
0xed: {  	v26 =	vld [tilespmem:s24+$0x7200]  }
0xee: {  	v19 =	vld [tilespmem:s24+$0xBD00]  }
0xef: {  	v20 =	vld [tilespmem:s24+$0xA400];
	_ =	sdelay $0x2  }
0xf0: {  	v22 =	vmul.f32 v21, v11;
	v23 =	vmul.f32 v21, v12  }
0xf1: {  	v24 =	vmul.f32 v26, v9;
	v25 =	vmul.f32 v19, v15  }
0xf2: {  	v19 =	vmul.f32 v19, v16;
	v27 =	vmul.f32 v20, v13  }
0xf3: {  	v28 =	vmul.f32 v26, v10;
	v20 =	vmul.f32 v20, v14  }
0xf4: {  	v22 =	vadd.f32 v22, v24;
	v24 =	vadd.f32 v25, v27  }
0xf5: {  	s10 =	simm.s32 $0x10;
	v23 =	vadd.f32 v23, v28;
	v25 =	vadd.f32 v19, v20  }
0xf6: {  	v28 =	vld [tilespmem:s10+$0xBD00];
	v22 =	vadd.f32 v24, v22  }
0xf7: {  	v20 =	vld [tilespmem:s10+$0x8B00];
	v24 =	vadd.f32 v24, v17;
	v23 =	vadd.f32 v25, v23  }
0xf8: {  	v19 =	vld [tilespmem:s10+$0x7200];
	v25 =	vadd.f32 v25, v18;
	v27 =	vmul.f32 $2.000000030e-01, v22  }
0xf9: {  	v31 =	vld [tilespmem:s10+$0xA400];
	v29 =	vmul.f32 $2.000000030e-01, v24;
	vm0 =	vgt.f32 v22, $0.0e+00;
	v30 =	vmul.f32 $2.000000030e-01, v23  }
0xfa: {  	vm1 =	vgt.f32 v24, $0.0e+00;
	vm10 =	vgt.f32 v23, $0.0e+00;
	vm11 =	vgt.f32 v25, $0.0e+00  }
0xfb: {  	v32 =	vmul.f32 v28, v15;
	v22 =	vsel vm0, v22, v27;
	v27 =	vmul.f32 $2.000000030e-01, v25  }
0xfc: {  	v24 =	vsel vm1, v24, v29;
	v23 =	vsel vm10, v23, v30;
	v29 =	vmul.f32 v20, v11  }
0xfd: {  	s0 =	simm.s32 $0x20;
	v30 =	vmul.f32 v20, v12;
	v25 =	vsel vm11, v25, v27;
	v27 =	vmul.f32 v19, v9  }
0xfe: {  	v34 =	vld [tilespmem:s0+$0xA400];
	v23 =	vsub.f32 v23, v25;
	v25 =	vmul.f32 v28, v16;
	v28 =	vmul.f32 v31, v13  }
0xff: {  	v22 =	vsub.f32 v22, v24;
	v24 =	vmul.f32 v19, v10;
	v31 =	vmul.f32 v31, v14  }
0x100: {  	v27 =	vadd.f32 v29, v27;
	v23 =	vmul.f32 $1.442695020e+00, v23;
	v28 =	vadd.f32 v32, v28  }
0x101: {  	v22 =	vmul.f32 $1.442695020e+00, v22;
	v24 =	vadd.f32 v30, v24;
	v25 =	vadd.f32 v25, v31  }
0x102: {  	(erf) = vpow2.f32 v23;
	v27 =	vadd.f32 v28, v27;
	v28 =	vadd.f32 v28, v17  }
0x103: {  	v63 =	vmul.f32 v34, v13;
	v23 =	vld [tilespmem:s0+$0x8B00];
	(erf) = vpow2.f32 v22  }
0x104: {  	v31 =	vld [tilespmem:s0+$0xBD00];
	v24 =	vadd.f32 v25, v24;
	v29 =	vmul.f32 $2.000000030e-01, v27;
	v30 =	vmul.f32 $2.000000030e-01, v28  }
0x105: {  	v25 =	vadd.f32 v25, v18;
	v22 =	vld [tilespmem:s0+$0x7200];
	vm12 =	vgt.f32 v28, $0.0e+00;
	vm13 =	vgt.f32 v27, $0.0e+00  }
0x106: {  	v34 =	vmul.f32 v34, v14;
	v27 =	vsel vm13, v27, v29;
	v28 =	vsel vm12, v28, v30  }
0x107: {  	v60 =	vmul.f32 $2.000000030e-01, v24;
	v33 =	vmul.f32 $2.000000030e-01, v25;
	v29 =	vld [tilespmem:s24+$0x5900];
	v27 =	vsub.f32 v27, v28  }
0x108: {  	vm14 =	vgt.f32 v24, $0.0e+00;
	vm15 =	vgt.f32 v25, $0.0e+00;
	v30 =	vmul.f32 v23, v11  }
0x109: {  	v25 =	vsel vm15, v25, v33;
	v28 =	vsel vm14, v24, v60;
	v61 =	vmul.f32 v23, v12  }
0x10a: {  	v62 =	vmul.f32 v22, v9;
	v25 =	vsub.f32 v28, v25;
	v28 =	vmul.f32 v31, v15  }
0x10b: {  	v31 =	vmul.f32 v31, v16;
	v24 =	vmul.f32 $1.442695020e+00, v27;
	v27 =	vpop (erf)  }
0x10c: {  	v36 =	vmul.f32 $1.442695020e+00, v25;
	v25 =	vadd.f32 v30, v62;
	v37 =	vmul.f32 v27, v29;
	v30 =	vpop (erf)  }
0x10d: {  	v35 =	vmul.f32 v22, v10;
	v28 =	vadd.f32 v28, v63;
	v30 =	vmul.f32 v30, v29  }
0x10e: {  	v31 =	vadd.f32 v31, v34;
	(erf) = vpow2.f32 v36;
	[tilespmem:s24+$0xEF00] =	vst v37;
	v32 =	vmul.f32 v37, v26  }
0x10f: {  	s1 =	simm.s32 $0xC0;
	v27 =	vadd.f32 v61, v35;
	v29 =	vmul.f32 v37, v21;
	[tilespmem:s24+$0xD600] =	vst v30;
	v26 =	vmul.f32 v30, v26  }
.LBB2_13:
0x110: {  	s2 =	sshra.s32 s1, $0x2;
	p0 =	sne.s32 s1, $0x63C0;
	s1 =	sadd.s32 $0x40, s1;
	v25 =	vadd.f32 v28, v25;
	v28 =	vadd.f32 v28, v17;
	v30 =	vmul.f32 v30, v21;
	[tilespmem:s24+$0x13A00] =	vst v32  }
0x111: {  	v21 =	vmovc v20;
	v32 =	vld [tilespmem:s2+$0x8B00];
	v27 =	vadd.f32 v31, v27;
	v31 =	vadd.f32 v31, v18;
	(erf) = vpow2.f32 v24;
	[tilespmem:s24+$0x15300] =	vst v29  }
0x112: {  	v20 =	vmovc v23;
	v33 =	vmovc v22;
	v24 =	vmul.f32 $2.000000030e-01, v25;
	vm0 =	vgt.f32 v28, $0.0e+00;
	v29 =	vmul.f32 $2.000000030e-01, v28;
	[tilespmem:s24+$0x12100] =	vst v30;
	v22 =	vld [tilespmem:s2+$0x7200]  }
0x113: {  	vm1 =	vgt.f32 v25, $0.0e+00;
	v30 =	vld [tilespmem:s2+$0xBD00];
	v35 =	vmul.f32 $2.000000030e-01, v27;
	v34 =	vmul.f32 $2.000000030e-01, v31;
	[tilespmem:s24+$0x10800] =	vst v26;
	s24 =	smov.u32 s10;
	s10 =	smov.u32 s0;
	s0 =	smov.u32 s2  }
0x114: {  	v26 =	vld [tilespmem:s0+$0xA400];
	v24 =	vsel vm1, v25, v24;
	v25 =	vsel vm0, v28, v29;
	vm0 =	vgt.f32 v27, $0.0e+00  }
0x115: {  	v24 =	vsub.f32 v24, v25;
	v25 =	vsel vm0, v27, v35;
	vm0 =	vgt.f32 v31, $0.0e+00;
	v28 =	vld [tilespmem:s24+$0x5900]  }
0x116: {  	v27 =	vmul.f32 v32, v11;
	v29 =	vmul.f32 v32, v12;
	v31 =	vsel vm0, v31, v34;
	v23 =	vmovc v32  }
0x117: {  	v32 =	vmul.f32 v22, v9;
	v24 =	vmul.f32 $1.442695020e+00, v24;
	v31 =	vsub.f32 v25, v31  }
0x118: {  	v34 =	vmul.f32 v30, v15;
	v35 =	vmul.f32 v30, v16;
	v30 =	vpop (erf)  }
.Ltmp5:
0x119: {  	v25 =	vadd.f32 v27, v32;
	v27 =	vmul.f32 v22, v10;
	v36 =	vmul.f32 $1.442695020e+00, v31;
	(pc) =	sbr.rel @p0 .LBB2_13-.Ltmp5, $4  }
0x11a: {  	v31 =	vmul.f32 v26, v13;
	v37 =	vmul.f32 v30, v28;
	v30 =	vpop (erf)  }
0x11b: {  	v26 =	vmul.f32 v26, v14;
	v27 =	vadd.f32 v29, v27;
	v30 =	vmul.f32 v30, v28  }
0x11c: {  	v28 =	vadd.f32 v34, v31;
	[tilespmem:s24+$0xEF00] =	vst v37;
	v32 =	vmul.f32 v37, v19;
	v29 =	vmul.f32 v37, v21  }
0x11d: {  	v31 =	vadd.f32 v35, v26;
	(erf) = vpow2.f32 v36;
	[tilespmem:s24+$0xD600] =	vst v30;
	v26 =	vmul.f32 v30, v19;
	v19 =	vmovc v33  }
0x11e: {  	[tilespmem:s24+$0x13A00] =	vst v32;
	(erf) = vpow2.f32 v24  }
0x11f: {  	v21 =	vmul.f32 v30, v21;
	[tilespmem:s24+$0x15300] =	vst v29  }
0x120: {  	v52 =	vadd.f32 v28, v25;
	v54 =	vadd.f32 v28, v17;
	[tilespmem:s24+$0x10800] =	vst v26  }
0x121: {  	v51 =	vadd.f32 v31, v27;
	v53 =	vadd.f32 v31, v18;
	[tilespmem:s24+$0x12100] =	vst v21  }
0x122: {  	v56 =	vmul.f32 $2.000000030e-01, v52;
	v58 =	vmul.f32 $2.000000030e-01, v54;
	v55 =	vld [tilespmem:s10+$0x5900]  }
0x123: {  	v27 =	vmul.f32 $2.000000030e-01, v51;
	v57 =	vmul.f32 $2.000000030e-01, v53  }
0x124: {  	vm1 =	vgt.f32 v54, $0.0e+00;
	vm0 =	vgt.f32 v51, $0.0e+00;
	vm14 =	vgt.f32 v53, $0.0e+00  }
0x125: {  	vm15 =	vgt.f32 v52, $0.0e+00;
	v24 =	vsel vm0, v51, v27;
	v25 =	vsel vm14, v53, v57  }
0x126: {  	v21 =	vsel vm15, v52, v56;
	v26 =	vsel vm1, v54, v58;
	v24 =	vsub.f32 v24, v25;
	v59 =	vpop (erf)  }
0x127: {  	v21 =	vsub.f32 v21, v26;
	v25 =	vmul.f32 v59, v55;
	v60 =	vpop (erf)  }
0x128: {  	v24 =	vmul.f32 $1.442695020e+00, v24;
	v26 =	vmul.f32 v60, v55  }
0x129: {  	v21 =	vmul.f32 $1.442695020e+00, v21;
	[tilespmem:s10+$0xEF00] =	vst v25;
	v61 =	vmul.f32 v25, v19  }
0x12a: {  	(erf) = vpow2.f32 v24;
	v25 =	vmul.f32 v25, v20;
	[tilespmem:s10+$0xD600] =	vst v26  }
0x12b: {  	(erf) = vpow2.f32 v21;
	v20 =	vmul.f32 v26, v20;
	[tilespmem:s10+$0x13A00] =	vst v61  }
0x12c: {  	v19 =	vmul.f32 v26, v19;
	[tilespmem:s10+$0x15300] =	vst v25  }
0x12d: {  	[tilespmem:s10+$0x12100] =	vst v20  }
0x12e: {  	[tilespmem:s10+$0x10800] =	vst v19  }
0x12f: {  	v19 =	vld [tilespmem:s0+$0x5900];
	_ =	sdelay $0x3  }
0x130: {  	v20 =	vpop (erf)  }
0x131: {  	v20 =	vmul.f32 v20, v19;
	v21 =	vpop (erf)  }
0x132: {  	v19 =	vmul.f32 v21, v19  }
0x133: {  	[tilespmem:s0+$0xEF00] =	vst v20;
	v62 =	vmul.f32 v20, v22  }
0x134: {  	v20 =	vmul.f32 v20, v23;
	[tilespmem:s0+$0xD600] =	vst v19  }
0x135: {  	v63 =	vmul.f32 v19, v23;
	[tilespmem:s0+$0x13A00] =	vst v62  }
0x136: {  	v19 =	vmul.f32 v19, v22;
	[tilespmem:s0+$0x15300] =	vst v20  }
0x137: {  	[tilespmem:s0+$0x12100] =	vst v63  }
0x138: {  	s2 =	rddreg [dreg:$0x1];
	[tilespmem:s0+$0x10800] =	vst v19  }
0x139: {  	[spmem:s2] =	stream.indirect.scatter.add.f32 [tilespmem:s20], [sflag:$0x1], $0x1, s3, s15, $0xb8;
	[tilespmem:$0x1D000] =	vst v63  }
0x13a: {  	_ =	swait.ge [sflag:s26], $0x1900  }
0x13b: {  	[sflag:s26] =	ssyncset.done $0x0  }
0x13c: {  	[sflag:s26] =	ssyncadd.s32 $0xFFFFE700  }
0x13d: {  	s10 =	rddreg [dreg:$0x2]  }
0x13e: {  	[spmem:s10] =	stream.indirect.scatter.add.f32 [tilespmem:s21], [sflag:$0x1], $0x1, s3, s15, $0xb8;
	[tilespmem:$0x1D000] =	vst v63  }
0x13f: {  	_ =	swait.ge [sflag:s26], $0x1900  }
0x140: {  	[sflag:s26] =	ssyncset.done $0x0  }
0x141: {  	[sflag:s26] =	ssyncadd.s32 $0xFFFFE700  }
0x142: {  	s24 =	rddreg [dreg:$0x3]  }
0x143: {  	[spmem:s24] =	stream.indirect.scatter.add.f32 [tilespmem:s12], [sflag:$0x1], $0x1, s3, s15, $0xb8;
	[tilespmem:$0x1D000] =	vst v63  }
0x144: {  	_ =	swait.ge [sflag:s26], $0x1900  }
0x145: {  	[sflag:s26] =	ssyncset.done $0x0  }
0x146: {  	[sflag:s26] =	ssyncadd.s32 $0xFFFFE700  }
0x147: {  	[spmem:s4] =	stream.indirect.scatter.add.f32 [tilespmem:s13], [sflag:$0x1], $0x1, s3, s15, $0xb8;
	[tilespmem:$0x1D000] =	vst v63  }
0x148: {  	_ =	swait.ge [sflag:s26], $0x1900  }
0x149: {  	[sflag:s26] =	ssyncset.done $0x0  }
0x14a: {  	[sflag:s26] =	ssyncadd.s32 $0xFFFFE700  }
0x14b: {  	[spmem:s5] =	stream.indirect.scatter.add.f32 [tilespmem:s22], [sflag:$0x1], $0x1, s3, s15, $0xb8;
	[tilespmem:$0x1D000] =	vst v63  }
0x14c: {  	s28 =	sadd.s32 $0x1, s28;
	_ =	swait.ge [sflag:s26], $0x1900  }
0x14d: {  	p0 =	sne.s32 s28, $0x4;
	[sflag:s26] =	ssyncset.done $0x0  }
.Ltmp6:
0x14e: {  	[sflag:s26] =	ssyncadd.s32 $0xFFFFE700;
	(pc) =	sbr.rel @p0 .LBB2_12-.Ltmp6, $4  }
0x14f: {  	[spmem:s6] =	stream.indirect.scatter.add.f32 [tilespmem:s23], [sflag:$0x1], $0x1, s3, s15, $0xb8;
	[tilespmem:$0x1D000] =	vst v63  }
0x150: {  	_ =	swait.ge [sflag:s26], $0x1900  }
0x151: {  	[sflag:s26] =	ssyncset.done $0x0  }
0x152: {  	[sflag:s26] =	ssyncadd.s32 $0xFFFFE700  }
0x153: {  	[bflag:$0x0] =	sbarrier.arrive $0xFFFF  }
0x154: {  	s0 =	simm.s32 $0x0;
	s2 =	rddreg [dreg:$0xa]  }
0x155: {  	[tilespmem:s0], [sflag:$0x1] =	stream.linear.gather [spmem:s2], $0xC80, $0x38;
	[tilespmem:$0x1D000] =	vst v63  }
0x156: {  	_ =	swait.ge [sflag:s26], $0xC80  }
0x157: {  	[sflag:s26] =	ssyncset.done $0x0  }
0x158: {  	s1 =	rddreg [dreg:$0x1d];
	[sflag:s26] =	ssyncadd.s32 $0xFFFFF380  }
0x159: {  	[hbm4b:s1+s0] =	stream.linear.scatter [tilespmem:s0], [sflag:$0x1], $0xC80, $0x38;
	[tilespmem:$0x1D000] =	vst v63  }
0x15a: {  	_ =	swait.ge [sflag:s26], $0xC80  }
0x15b: {  	[sflag:s26] =	ssyncset.done $0x0  }
0x15c: {  	s24 =	rddreg [dreg:$0xb];
	[sflag:s26] =	ssyncadd.s32 $0xFFFFF380  }
0x15d: {  	[tilespmem:s0], [sflag:$0x1] =	stream.linear.gather [spmem:s24], $0xC80, $0x38;
	[tilespmem:$0x1D000] =	vst v63  }
0x15e: {  	_ =	swait.ge [sflag:s26], $0xC80  }
0x15f: {  	[sflag:s26] =	ssyncset.done $0x0  }
0x160: {  	s10 =	rddreg [dreg:$0x1e];
	[sflag:s26] =	ssyncadd.s32 $0xFFFFF380  }
0x161: {  	[hbm4b:s10+s0] =	stream.linear.scatter [tilespmem:s0], [sflag:$0x1], $0xC80, $0x38;
	[tilespmem:$0x1D000] =	vst v63  }
0x162: {  	_ =	swait.ge [sflag:s26], $0xC80  }
0x163: {  	[sflag:s26] =	ssyncset.done $0x0  }
0x164: {  	s10 =	rddreg [dreg:$0x14];
	[sflag:s26] =	ssyncadd.s32 $0xFFFFF380  }
0x165: {  	[tilespmem:s0], [sflag:$0x1] =	stream.linear.gather [spmem:s10], $0xC80, $0x38;
	[tilespmem:$0x1D000] =	vst v63  }
0x166: {  	_ =	swait.ge [sflag:s26], $0xC80  }
0x167: {  	[sflag:s26] =	ssyncset.done $0x0  }
0x168: {  	s25 =	rddreg [dreg:$0x1f];
	[sflag:s26] =	ssyncadd.s32 $0xFFFFF380  }
0x169: {  	[hbm4b:s25+s0] =	stream.linear.scatter [tilespmem:s0], [sflag:$0x1], $0xC80, $0x38;
	[tilespmem:$0x1D000] =	vst v63  }
0x16a: {  	_ =	swait.ge [sflag:s26], $0xC80  }
0x16b: {  	[sflag:s26] =	ssyncset.done $0x0  }
0x16c: {  	s25 =	rddreg [dreg:$0x15];
	[sflag:s26] =	ssyncadd.s32 $0xFFFFF380  }
0x16d: {  	[tilespmem:s0], [sflag:$0x1] =	stream.linear.gather [spmem:s25], $0xC80, $0x38;
	[tilespmem:$0x1D000] =	vst v63  }
0x16e: {  	_ =	swait.ge [sflag:s26], $0xC80  }
0x16f: {  	s1 =	sld [smem:$0x7FA]  }
0x170: {  	[sflag:s26] =	ssyncset.done $0x0  }
0x171: {  	[sflag:s26] =	ssyncadd.s32 $0xFFFFF380  }
0x172: {  	[hbm4b:s1+s0] =	stream.linear.scatter [tilespmem:s0], [sflag:$0x1], $0xC80, $0x38;
	[tilespmem:$0x1D000] =	vst v63  }
0x173: {  	_ =	swait.ge [sflag:s26], $0xC80  }
0x174: {  	[sflag:s26] =	ssyncset.done $0x0  }
0x175: {  	s28 =	rddreg [dreg:$0x16];
	[sflag:s26] =	ssyncadd.s32 $0xFFFFF380  }
0x176: {  	[tilespmem:s0], [sflag:$0x1] =	stream.linear.gather [spmem:s28], $0xC80, $0x38;
	[tilespmem:$0x1D000] =	vst v63  }
0x177: {  	_ =	swait.ge [sflag:s26], $0xC80  }
0x178: {  	s1 =	sld [smem:$0x7FB]  }
0x179: {  	[sflag:s26] =	ssyncset.done $0x0  }
0x17a: {  	[sflag:s26] =	ssyncadd.s32 $0xFFFFF380  }
0x17b: {  	[hbm4b:s1+s0] =	stream.linear.scatter [tilespmem:s0], [sflag:$0x1], $0xC80, $0x38;
	[tilespmem:$0x1D000] =	vst v63  }
0x17c: {  	_ =	swait.ge [sflag:s26], $0xC80  }
0x17d: {  	[sflag:s26] =	ssyncset.done $0x0  }
0x17e: {  	s1 =	rddreg [dreg:$0x17];
	[sflag:s26] =	ssyncadd.s32 $0xFFFFF380  }
0x17f: {  	[tilespmem:s0], [sflag:$0x1] =	stream.linear.gather [spmem:s1], $0xC80, $0x38;
	[tilespmem:$0x1D000] =	vst v63  }
0x180: {  	_ =	swait.ge [sflag:s26], $0xC80  }
0x181: {  	s1 =	sld [smem:$0x7FC]  }
0x182: {  	[sflag:s26] =	ssyncset.done $0x0  }
0x183: {  	[sflag:s26] =	ssyncadd.s32 $0xFFFFF380  }
0x184: {  	[hbm4b:s1+s0] =	stream.linear.scatter [tilespmem:s0], [sflag:$0x1], $0xC80, $0x38;
	[tilespmem:$0x1D000] =	vst v63  }
0x185: {  	_ =	swait.ge [sflag:s26], $0xC80  }
0x186: {  	s0 =	sld [smem:$0x7F9];
	_ =	sdelay $0x2  }
0x187: {  	s1 =	sadd.s32 $0x1, s0;
	s0 =	sld [smem:$0x7FD];
	_ =	sdelay $0x2  }
0x188: {  	p0 =	sne.s32 s1, s0  }
.Ltmp7:
0x189: {  	_ = 	snop;
	(pc) =	sbr.rel @p0 .LBB2_1-.Ltmp7, $3  }
0x18a: {  	_ =	sdelay $0x1  }
0x18b: {  	[sflag:s26] =	ssyncset.done $0x0  }
0x18c: {  	[sflag:s26] =	ssyncadd.s32 $0xFFFFF380  }
0x18d: {  	_ =	sfence.sel $0x180000  }
0x18e: {  	[bflag:$0x0] =	sbarrier.arrive $0xFFFF  }
0x18f: {  	_ =	strace $0x9000004D  }
0x190: {  	s0 =	stileid.u32;
	[bflag:$0x2] =	sbarrier.arrive $0xFFFF  }
0x191: {  	p0 =	sne.s32 s0, $0x0;
	s0 =	rddreg [dreg:$0x9]  }
0x192: {  	s0 =	sadd.s32 @!p0 $0x100000, s0  }
0x193: {  	[sflag:s0] =	ssyncadd.tile.s32 @!p0 $0x1;
	_ =	shalt  }
.Lfunc_end2:
_tile_overlayer_lowered:
.L_overlay_start_2:
0x194: {  	(tag) =	ssettag $0x2  }
0x195: {  	s0 =	rddreg [dreg:$0x0];
	s2 =	stileid.u32  }
0x196: {  	s1 =	rddreg [dreg:$0x1];
	p0 =	sne.s32 s2, $0x0  }
0x197: {  	s3 =	rddreg [dreg:$0x2];
	[bflag:$0x3] =	sbarrier.arrive $0xFFFF;
	s2 =	simm.s32 @!p0 $0x1C01  }
0x198: {  	[timem:s3], [sflag:s2] =	dma.local @!p0 [hbm:s0], s1  }
0x199: {  	s0 =	simm.s32 @!p0 $0x1  }
0x19a: {  	_ =	swait.ge @!p0 [sflag:s0], s1  }
0x19b: {  	s1 =	ssub.s32 @!p0 $0x0, s1;
	[sflag:s0] =	ssyncset.done @!p0 $0x0  }
0x19c: {  	[sflag:s0] =	ssyncadd.s32 @!p0 s1  }
0x19d: {  	[bflag:$0x3] =	sbarrier.arrive $0xFFFF  }
0x19e: {  	_ =	shalt  }

// kernel: kernel.6.cloned.1.call-start
scs
__scs_entry_jumppad:
0x0: {  	(pc) =	sbr.rel $0x88, $3  }
0x1: {  	(tag) =	ssettag $0x0;
	lr =	simm.s32 $0x1  }
0x2: {  	[smem:$0x3F90] =	sst lr;
	_ =	strace $0xD0000000  }
0x3: {  	_ = 	snop  }
0x4: {  	_ = 	snop  }
0x5: {  	_ = 	snop  }
0x6: {  	_ = 	snop  }
0x7: {  	_ = 	snop  }
__scs_overlays_trampoline_lowered:
0x8: {  	[smem:$0x3F9F] =	sst s0  }
0x9: {  	[smem:$0x3FA0] =	sst s1  }
0xa: {  	[smem:$0x3FA1] =	sst s2  }
0xb: {  	[smem:$0x3FA2] =	sst s3  }
0xc: {  	[smem:$0x3FA3] =	sst s4  }
0xd: {  	[smem:$0x3FA4] =	sst s5  }
0xe: {  	[smem:$0x3FA5] =	sst s6  }
0xf: {  	[smem:$0x3FA6] =	sst s7  }
0x10: {  	[smem:$0x3FA7] =	sst s8  }
0x11: {  	[smem:$0x3FA8] =	sst s9;
	s0 =	simm.s32 @!p0 $0x0  }
0x12: {  	s1 =	sld [smem:$0x3F8E];
	s0 =	simm.s32 @p0 $0x1  }
0x13: {  	[smem:$0x3FA9] =	sst s0;
	s0 =	simm.s32 @!p1 $0x0  }
0x14: {  	s2 =	sld [smem:$0x3F8D];
	s0 =	simm.s32 @p1 $0x1  }
0x15: {  	[smem:$0x3FAA] =	sst s0;
	s0 =	simm.s32 @!p2 $0x0  }
0x16: {  	s3 =	sld [smem:$0x3FDB];
	s0 =	simm.s32 @p2 $0x1  }
0x17: {  	s4 =	simm.s32 $0x1BF5;
	[smem:$0x3FAC] =	sst s0  }
0x18: {  	s0 =	sld [smem:$0x3F8F];
	_ =	swait.ge [sflag:s4], $0x0  }
0x19: {  	s7 =	sld [smem:$0x3F90]  }
0x1a: {  	s8 =	sadd.s32 $0xFFFFE003, lr  }
0x1b: {  	s9 =	sadd.s32 $0xFFFFFEF7, lr;
	s5 =	simm.s32 $0xFFFFFFFF;
	p2 =	slt.u32 s8, $0xFFFFF086  }
0x1c: {  	p1 =	slt.u32 s9, $0xF7A;
	s5 =	simm.s32 @!p2 $0x0  }
0x1d: {  	s5 =	simm.s32 @p1 $0x1;
	p0 =	seq.s32 s7, s2  }
0x1e: {  	s7 =	smul.u32 @!p0 $0xF7A, s2;
	p2 =	seq.s32 @!p0 s5, $0x0  }
0x1f: {  	s9 =	smul.u32 $0xF7A, s1;
	s8 =	simm.s32 @!p0 $0x1BF5;
	p2 =	por !p2, p0  }
0x20: {  	[sflag:s8] =	ssyncset.s32 @!p0 $0xFFFFF086;
	s6 =	sadd.s32 @!p0 s3, s7;
	s7 =	simm.s32 @!p0 $0x108  }
0x21: {  	s3 =	sadd.s32 s3, s9;
	s6 =	sadd.s32 @!p0 $0x88, s6;
	s7 =	simm.s32 @p2 $0x1082  }
0x22: {  	[simem:s7], [sflag:s8] =	dma.local @!p0 [hbm:s6], $0xF7A  }
0x23: {  	s9 =	sor.u32 $0xD0000000, s2;
	s6 =	simm.s32 $0x108;
	_ =	swait.ge @!p0 [sflag:s8], $0x0  }
0x24: {  	s3 =	sadd.s32 $0x88, s3;
	s6 =	simm.s32 @!p1 $0x1082;
	[sflag:s4] =	ssyncset.s32 $0xFFFFF086  }
0x25: {  	[simem:s6], [sflag:s4] =	dma.local [hbm:s3], $0xF7A  }
0x26: {  	[smem:$0x3F90] =	sst s1;
	(tag) =	ssettag s2;
	_ =	strace s9  }
0x27: {  	s1 =	sld [smem:$0x3FA0]  }
0x28: {  	s2 =	sld [smem:$0x3FA1]  }
0x29: {  	s4 =	sld [smem:$0x3FA3]  }
0x2a: {  	p0 =	seq.s32 s5, $0x0;
	s5 =	sld [smem:$0x3FA4]  }
0x2b: {  	s6 =	sld [smem:$0x3FA5]  }
0x2c: {  	s7 =	sld [smem:$0x3FA6]  }
0x2d: {  	s3 =	simm.s32 $0x108;
	s8 =	sld [smem:$0x3FA7]  }
0x2e: {  	s3 =	simm.s32 @!p0 $0x1082;
	s9 =	sld [smem:$0x3FA8]  }
0x2f: {  	lr =	sadd.s32 s0, s3;
	s0 =	sld [smem:$0x3F9F]  }
0x30: {  	s3 =	sld [smem:$0x3FA2]  }
0x31: {  	[smem:$0x3FAB] =	sst s10  }
0x32: {  	s10 =	sld [smem:$0x3FA9];
	_ =	sdelay $0x3  }
0x33: {  	p0 =	seq.s32 s10, $0x1;
	s10 =	sld [smem:$0x3FAB];
	_ =	sdelay $0x3  }
0x34: {  	[smem:$0x3FAB] =	sst s10  }
0x35: {  	s10 =	sld [smem:$0x3FAA];
	_ =	sdelay $0x3  }
0x36: {  	p1 =	seq.s32 s10, $0x1;
	s10 =	sld [smem:$0x3FAB];
	_ =	sdelay $0x3  }
0x37: {  	[smem:$0x3FAB] =	sst s10  }
0x38: {  	s10 =	sld [smem:$0x3FAC]  }
0x39: {  	_ = 	snop;
	(pc) =	sbr.ind lr, $3  }
0x3a: {  	_ = 	snop  }
0x3b: {  	_ = 	snop  }
0x3c: {  	p2 =	seq.s32 s10, $0x1;
	s10 =	sld [smem:$0x3FAB]  }
0x3d: {  	_ =	shalt  }
0x3e: {  	_ =	shalt  }
0x3f: {  	_ =	shalt  }
0x40: {  	_ =	shalt  }
0x41: {  	_ =	shalt  }
0x42: {  	_ =	shalt  }
0x43: {  	_ =	shalt  }
0x44: {  	_ =	shalt  }
0x45: {  	_ =	shalt  }
0x46: {  	_ =	shalt  }
0x47: {  	_ =	shalt  }
0x48: {  	_ =	shalt  }
0x49: {  	_ =	shalt  }
0x4a: {  	_ =	shalt  }
0x4b: {  	_ =	shalt  }
0x4c: {  	_ =	shalt  }
0x4d: {  	_ =	shalt  }
0x4e: {  	_ =	shalt  }
0x4f: {  	_ =	shalt  }
0x50: {  	_ =	shalt  }
0x51: {  	_ =	shalt  }
0x52: {  	_ =	shalt  }
0x53: {  	_ =	shalt  }
0x54: {  	_ =	shalt  }
0x55: {  	_ =	shalt  }
0x56: {  	_ =	shalt  }
0x57: {  	_ =	shalt  }
0x58: {  	_ =	shalt  }
0x59: {  	_ =	shalt  }
0x5a: {  	_ =	shalt  }
0x5b: {  	_ =	shalt  }
0x5c: {  	_ =	shalt  }
0x5d: {  	_ =	shalt  }
0x5e: {  	_ =	shalt  }
0x5f: {  	_ =	shalt  }
0x60: {  	_ =	shalt  }
0x61: {  	_ =	shalt  }
0x62: {  	_ =	shalt  }
0x63: {  	_ =	shalt  }
0x64: {  	_ =	shalt  }
0x65: {  	_ =	shalt  }
0x66: {  	_ =	shalt  }
0x67: {  	_ =	shalt  }
0x68: {  	_ =	shalt  }
0x69: {  	_ =	shalt  }
0x6a: {  	_ =	shalt  }
0x6b: {  	_ =	shalt  }
0x6c: {  	_ =	shalt  }
0x6d: {  	_ =	shalt  }
0x6e: {  	_ =	shalt  }
0x6f: {  	_ =	shalt  }
0x70: {  	_ =	shalt  }
0x71: {  	_ =	shalt  }
0x72: {  	_ =	shalt  }
0x73: {  	_ =	shalt  }
0x74: {  	_ =	shalt  }
0x75: {  	_ =	shalt  }
0x76: {  	_ =	shalt  }
0x77: {  	_ =	shalt  }
0x78: {  	_ =	shalt  }
0x79: {  	_ =	shalt  }
0x7a: {  	_ =	shalt  }
0x7b: {  	_ =	shalt  }
0x7c: {  	_ =	shalt  }
0x7d: {  	_ =	shalt  }
0x7e: {  	_ =	shalt  }
0x7f: {  	_ =	shalt  }
0x80: {  	_ =	shalt  }
0x81: {  	_ =	shalt  }
0x82: {  	_ =	shalt  }
0x83: {  	_ =	shalt  }
0x84: {  	_ =	shalt  }
0x85: {  	_ =	shalt  }
0x86: {  	_ =	shalt  }
0x87: {  	_ =	shalt  }
.Lfunc_end0:
.L_simem_size_0:
called_computation_lowered:
.L_overlay_start_0:
0x88: {  	s2 =	sld [smem:$0x3FD9]  }
0x89: {  	s3 =	sld [smem:$0x3FFE];
	_ =	sdelay $0x1  }
0x8a: {  	s1 =	srdreg.scid  }
0x8b: {  	s0 =	sand.u32 $0x1, s1  }
0x8c: {  	s16 =	sshll.u32 s0, $0xA;
	s2 =	sadd.s32 s3, s2  }
0x8d: {  	s2 =	sadd.s32 s2, s16  }
0x8e: {  	[smem:$0x3FB7] =	sst s2  }
0x8f: {  	_ = 	snop  }
0x90: {  	(tm) =	ssettm $0x1  }
0x91: {  	s17 =	sld [smem:$0x3FFB];
	_ =	sdelay $0x3  }
0x92: {  	_ =	strace s17  }
0x93: {  	s2 =	sld [smem:$0x3FFC];
	_ =	sdelay $0x3  }
0x94: {  	_ =	strace s2  }
0x95: {  	s2 =	sld [smem:$0x3FFD];
	_ =	sdelay $0x3  }
0x96: {  	_ =	strace s2  }
0x97: {  	_ =	strace $0x8FFFFFFF  }
0x98: {  	s18 =	sld [smem:$0x3FDB];
	_ =	sdelay $0x1  }
0x99: {  	s19 =	simm.s32 $_scs_section_size  }
0x9a: {  	s4 =	simm.s32 $_size__tile_overlayer_lowered;
	s5 =	simm.s32 $_tile_overlayer_lowered  }
0x9b: {  	s22 =	simm.s32 $0x1BFF;
	s21 =	sshll.u32 s5, $0x1;
	s2 =	sadd.s32 s19, s18  }
0x9c: {  	s6 =	simm.s32 $0x0;
	s20 =	sshll.u32 s4, $0x1;
	s4 =	sadd.s32 s21, s2  }
0x9d: {  	[timem:s6], [sflag:s22] =	dma.local [hbm:s4], s20  }
0x9e: {  	_ =	swait.ge [sflag:s22], s20  }
0x9f: {  	s3 =	ssub.s32 $0x0, s20;
	[sflag:s22] =	ssyncset.done $0x0  }
0xa0: {  	[sflag:s22] =	ssyncadd.s32 s3;
	_ =	sdelay $0x1  }
0xa1: {  	s23 =	simm.s32 $0x1B8B  }
0xa2: {  	_ =	swait.ge [sflag:s23], $0x1  }
0xa3: {  	[sflag:s23] =	ssyncset.done $0x0  }
0xa4: {  	s25 =	simm.s32 $0x1B8E;
	s24 =	sld [smem:$0x3FFE];
	[sflag:s23] =	ssyncadd.s32 $0xFFFFFFFF  }
0xa5: {  	s26 =	simm.s32 $execute0_lowered;
	[smem:$0x3FD2] =	sst s25  }
0xa6: {  	s4 =	sshll.u32 s26, $0x1;
	_ =	strace $0x80000046;
	[dreg:$0x1] =	wrdreg $0xFFFFFFFF  }
0xa7: {  	s28 =	simm.s32 $_size_execute0_lowered;
	s2 =	sadd.s32 s2, s4;
	[dreg:$0x0] =	wrdreg $0x0  }
0xa8: {  	s4 =	sshll.u32 s28, $0x1;
	[dreg:$0x2] =	wrdreg s2  }
0xa9: {  	[dreg:$0x3] =	wrdreg s4  }
0xaa: {  	[dreg:$0x4] =	wrdreg $0xC0  }
0xab: {  	_ =	task [dreg:s6], $0x5FFFF  }
0xac: {  	[dreg:$0x1] =	wrdreg $0xFFFFFFFF  }
0xad: {  	[dreg:$0x0] =	wrdreg $0x60  }
0xae: {  	[dreg:$0x2] =	wrdreg s24  }
0xaf: {  	[dreg:$0x3] =	wrdreg $0x3E800  }
0xb0: {  	[dreg:$0x4] =	wrdreg $0x9  }
0xb1: {  	_ =	task.clear_ibuf [dreg:s6], $0x5FFFF;
	_ =	strace $0x90000046  }
0xb2: {  	s29 =	simm.s32 $0x9;
	_ =	strace $0x80000048  }
0xb3: {  	_ =	swait.ge [sflag:s29], $0x1  }
0xb4: {  	[sflag:s29] =	ssyncadd.s32 $0xFFFFFFFF  }
0xb5: {  	_ =	strace $0x90000048  }
0xb6: {  	_ =	sfence  }
0xb7: {  	s30 =	sld [smem:$0x0];
	_ =	sdelay $0x2  }
0xb8: {  	s31 =	sshll.u32 s1, $0xD;
	s1 =	sshrl.u32 s1, $0x2  }
0xb9: {  	s3 =	sand.u32 $0x4000, s31;
	s1 =	sadd.s32 s1, s30  }
0xba: {  	s0 =	sor.u32 s3, s0;
	s1 =	sshll.u32 s1, $0x11  }
0xbb: {  	s0 =	sor.u32 s1, s0  }
0xbc: {  	s0 =	sadd.s32 $0x8F2B, s0  }
0xbd: {  	[sflag:s0] =	ssyncadd.remote.s32 $0x1  }
0xbe: {  	_ =	sfence.sel $0xFFFF  }
0xbf: {  	[dreg:$0x0] =	wrdreg $0xFFFFFFFF;
	(pc) =	sbr.abs _section_cstart, $3  }
0xc0: {  	[dreg:$0x1] =	wrdreg $0xFFFFFFFF  }
0xc1: {  	_ =	task.clear_ibuf [dreg:s6], $0x2FFFF;
	_ =	strace $0x9FFFFFFF  }
0xc2: {  	(tm) =	ssettm $0x7FFFFFFF  }
0xc3: {  	_ =	shalt  }
tec
execute0_lowered:
.L_overlay_start_1:
0x0: {  	(tag) =	ssettag $0x1  }
0x1: {  	s4 =	rddreg [dreg:$0x0]  }
0x2: {  	s2 =	rddreg [dreg:$0x1]  }
0x3: {  	s0 =	rddreg [dreg:$0x2]  }
0x4: {  	s5 =	srdreg.scid;
	s1 =	stileid.u32;
	s3 =	simm.s32 $0x0  }
0x5: {  	s16 =	simm.s32 $0xC80;
	s17 =	simm.s32 $0x2580;
	s18 =	simm.s32 $0x1900  }
0x6: {  	s19 =	simm.s32 $0x0;
	s5 =	sand.u32 $0x1, s5;
	s6 =	smul.u32 $0xC80, s1  }
0x7: {  	[smem:$0x7FF] =	sst s3;
	s7 =	smul.u32 $0xC800, s5;
	s8 =	sshll.u32 s5, $0x4  }
0x8: {  	s13 =	sadd.s32 $0x1A000, s4;
	s14 =	sadd.s32 $0x1000, s4;
	s8 =	sor.u32 s1, s8  }
0x9: {  	s5 =	ssub.s32 $0x2, s5;
	s7 =	sadd.s32 s6, s7;
	s8 =	smul.u32 $0x6400, s8  }
0xa: {  	_ =	strace $0x80000047;
	s31 =	sshrl.u32 s5, $0x1;
	s7 =	sshrl.u32 s7, $0x3  }
0xb: {  	s9 =	ssub.s32 s5, s31;
	s7 =	sadd.s32 s7, s4;
	s11 =	sshrl.u32 s8, $0x3  }
0xc: {  	s4 =	sadd.s32 s6, s2;
	s5 =	sadd.s32 $0x4C000, s7;
	s6 =	sadd.s32 s13, s11  }
0xd: {  	s10 =	sadd.s32 $0x320, s11;
	s7 =	smax.u32 s9, $0x1;
	s8 =	sadd.s32 s14, s11  }
0xe: {  	s12 =	sadd.s32 $0x640, s11;
	s15 =	sadd.s32 $0x960, s11;
	s9 =	sadd.s32 s13, s10  }
0xf: {  	s10 =	sadd.s32 s14, s10;
	s11 =	sadd.s32 s13, s12;
	s12 =	sadd.s32 s14, s12  }
0x10: {  	v0 =	vimm.f32 $0.0e+00;
	s13 =	sadd.s32 s13, s15;
	s14 =	sadd.s32 s14, s15;
	s15 =	simm.s32 $0x1  }
.LBB2_1:
0x11: {  	s20 =	simm.s32 $0x40;
	s21 =	simm.s32 $0x0  }
.LBB2_2:
0x12: {  	p0 =	sne.s32 s20, $0x31C0;
	[tilespmem:s21+$0x0] =	vst v0;
	s21 =	smov.u32 s20;
	s20 =	sadd.s32 $0x40, s20  }
.Ltmp0:
0x13: {  	(pc) =	sbr.rel @p0 .LBB2_2-.Ltmp0, $2  }
0x14: {  	_ =	sdelay $0x2  }
0x15: {  	s21 =	sshra.s32 s21, $0x2  }
0x16: {  	[tilespmem:s21+$0x0] =	vst v0  }
0x17: {  	[spmem:s4] =	stream.linear.scatter [tilespmem:s3], [sflag:$0x1], $0xC80, $0x38;
	[tilespmem:$0x4B00] =	vst v63  }
0x18: {  	_ =	swait.ge [sflag:s15], $0xC80  }
0x19: {  	[sflag:s15] =	ssyncset.done $0x0  }
0x1a: {  	[sflag:s15] =	ssyncadd.s32 $0xFFFFF380  }
0x1b: {  	[bflag:$0x0] =	sbarrier.arrive $0xFFFF  }
0x1c: {  	[tilespmem:s16], [sflag:$0x1] =	stream.linear.gather [hbm4b:s6+s3], $0x1900, $0x38;
	[tilespmem:$0x4B00] =	vst v63  }
0x1d: {  	_ =	swait.ge [sflag:s15], $0x1900  }
0x1e: {  	[sflag:s15] =	ssyncset.done $0x0  }
0x1f: {  	[sflag:s15] =	ssyncadd.s32 $0xFFFFE700  }
0x20: {  	[tilespmem:s17], [sflag:$0x1] =	stream.linear.gather [hbm4b:s8+s3], $0x1900, $0x38;
	[tilespmem:$0x4B00] =	vst v63  }
0x21: {  	_ =	swait.ge [sflag:s15], $0x1900  }
0x22: {  	[sflag:s15] =	ssyncset.done $0x0  }
0x23: {  	[sflag:s15] =	ssyncadd.s32 $0xFFFFE700  }
0x24: {  	[spmem:s2] =	stream.indirect.scatter.add.f32 [tilespmem:s17], [sflag:$0x1], $0x1, s16, s18, $0xb8;
	[tilespmem:$0x4B00] =	vst v63  }
0x25: {  	_ =	swait.ge [sflag:s15], $0x1900  }
0x26: {  	[sflag:s15] =	ssyncset.done $0x0  }
0x27: {  	[sflag:s15] =	ssyncadd.s32 $0xFFFFE700  }
0x28: {  	[tilespmem:s16], [sflag:$0x1] =	stream.linear.gather [hbm4b:s9+s3], $0x1900, $0x38;
	[tilespmem:$0x4B00] =	vst v63  }
0x29: {  	_ =	swait.ge [sflag:s15], $0x1900  }
0x2a: {  	[sflag:s15] =	ssyncset.done $0x0  }
0x2b: {  	[sflag:s15] =	ssyncadd.s32 $0xFFFFE700  }
0x2c: {  	[tilespmem:s17], [sflag:$0x1] =	stream.linear.gather [hbm4b:s10+s3], $0x1900, $0x38;
	[tilespmem:$0x4B00] =	vst v63  }
0x2d: {  	_ =	swait.ge [sflag:s15], $0x1900  }
0x2e: {  	[sflag:s15] =	ssyncset.done $0x0  }
0x2f: {  	[sflag:s15] =	ssyncadd.s32 $0xFFFFE700  }
0x30: {  	[spmem:s2] =	stream.indirect.scatter.add.f32 [tilespmem:s17], [sflag:$0x1], $0x1, s16, s18, $0xb8;
	[tilespmem:$0x4B00] =	vst v63  }
0x31: {  	_ =	swait.ge [sflag:s15], $0x1900  }
0x32: {  	[sflag:s15] =	ssyncset.done $0x0  }
0x33: {  	[sflag:s15] =	ssyncadd.s32 $0xFFFFE700  }
0x34: {  	[tilespmem:s16], [sflag:$0x1] =	stream.linear.gather [hbm4b:s11+s3], $0x1900, $0x38;
	[tilespmem:$0x4B00] =	vst v63  }
0x35: {  	_ =	swait.ge [sflag:s15], $0x1900  }
0x36: {  	[sflag:s15] =	ssyncset.done $0x0  }
0x37: {  	[sflag:s15] =	ssyncadd.s32 $0xFFFFE700  }
0x38: {  	[tilespmem:s17], [sflag:$0x1] =	stream.linear.gather [hbm4b:s12+s3], $0x1900, $0x38;
	[tilespmem:$0x4B00] =	vst v63  }
0x39: {  	_ =	swait.ge [sflag:s15], $0x1900  }
0x3a: {  	[sflag:s15] =	ssyncset.done $0x0  }
0x3b: {  	[sflag:s15] =	ssyncadd.s32 $0xFFFFE700  }
0x3c: {  	[spmem:s2] =	stream.indirect.scatter.add.f32 [tilespmem:s17], [sflag:$0x1], $0x1, s16, s18, $0xb8;
	[tilespmem:$0x4B00] =	vst v63  }
0x3d: {  	_ =	swait.ge [sflag:s15], $0x1900  }
0x3e: {  	[sflag:s15] =	ssyncset.done $0x0  }
0x3f: {  	[sflag:s15] =	ssyncadd.s32 $0xFFFFE700  }
0x40: {  	[tilespmem:s16], [sflag:$0x1] =	stream.linear.gather [hbm4b:s13+s3], $0x1900, $0x38;
	[tilespmem:$0x4B00] =	vst v63  }
0x41: {  	_ =	swait.ge [sflag:s15], $0x1900  }
0x42: {  	[sflag:s15] =	ssyncset.done $0x0  }
0x43: {  	[sflag:s15] =	ssyncadd.s32 $0xFFFFE700  }
0x44: {  	[tilespmem:s17], [sflag:$0x1] =	stream.linear.gather [hbm4b:s14+s3], $0x1900, $0x38;
	[tilespmem:$0x4B00] =	vst v63  }
0x45: {  	_ =	swait.ge [sflag:s15], $0x1900  }
0x46: {  	[sflag:s15] =	ssyncset.done $0x0  }
0x47: {  	[sflag:s15] =	ssyncadd.s32 $0xFFFFE700  }
0x48: {  	[spmem:s2] =	stream.indirect.scatter.add.f32 [tilespmem:s17], [sflag:$0x1], $0x1, s16, s18, $0xb8;
	[tilespmem:$0x4B00] =	vst v63  }
0x49: {  	_ =	swait.ge [sflag:s15], $0x1900  }
0x4a: {  	[sflag:s15] =	ssyncset.done $0x0  }
0x4b: {  	[sflag:s15] =	ssyncadd.s32 $0xFFFFE700  }
0x4c: {  	[bflag:$0x0] =	sbarrier.arrive $0xFFFF  }
0x4d: {  	[tilespmem:s3], [sflag:$0x1] =	stream.linear.gather [spmem:s4], $0xC80, $0x38;
	[tilespmem:$0x4B00] =	vst v63  }
0x4e: {  	s19 =	sadd.s32 $0x1, s19;
	_ =	swait.ge [sflag:s15], $0xC80  }
0x4f: {  	p0 =	sne.s32 s19, s7;
	[sflag:s15] =	ssyncset.done $0x0  }
.Ltmp1:
0x50: {  	[sflag:s15] =	ssyncadd.s32 $0xFFFFF380;
	(pc) =	sbr.rel @p0 .LBB2_1-.Ltmp1, $4  }
0x51: {  	[hbm4b:s5+s3] =	stream.linear.scatter [tilespmem:s3], [sflag:$0x1], $0xC80, $0x38;
	[tilespmem:$0x4B00] =	vst v63  }
0x52: {  	_ =	swait.ge [sflag:s15], $0xC80  }
0x53: {  	[sflag:s15] =	ssyncset.done $0x0  }
0x54: {  	[sflag:s15] =	ssyncadd.s32 $0xFFFFF380  }
0x55: {  	_ =	sfence.sel $0x180000  }
0x56: {  	[bflag:$0x0] =	sbarrier.arrive $0xFFFF  }
0x57: {  	p0 =	sne.s32 s1, $0x0;
	_ =	strace $0x90000047  }
0x58: {  	s0 =	sadd.s32 @!p0 $0x100000, s0;
	[bflag:$0x2] =	sbarrier.arrive $0xFFFF  }
0x59: {  	[sflag:s0] =	ssyncadd.tile.s32 @!p0 $0x1;
	_ =	shalt  }
.Lfunc_end2:
_tile_overlayer_lowered:
.L_overlay_start_2:
0x5a: {  	(tag) =	ssettag $0x2  }
0x5b: {  	s0 =	rddreg [dreg:$0x0];
	s2 =	stileid.u32  }
0x5c: {  	s1 =	rddreg [dreg:$0x1];
	p0 =	sne.s32 s2, $0x0  }
0x5d: {  	s3 =	rddreg [dreg:$0x2];
	[bflag:$0x3] =	sbarrier.arrive $0xFFFF;
	s2 =	simm.s32 @!p0 $0x1C01  }
0x5e: {  	[timem:s3], [sflag:s2] =	dma.local @!p0 [hbm:s0], s1  }
0x5f: {  	s0 =	simm.s32 @!p0 $0x1  }
0x60: {  	_ =	swait.ge @!p0 [sflag:s0], s1  }
0x61: {  	s1 =	ssub.s32 @!p0 $0x0, s1;
	[sflag:s0] =	ssyncset.done @!p0 $0x0  }
0x62: {  	[sflag:s0] =	ssyncadd.s32 @!p0 s1  }
0x63: {  	[bflag:$0x3] =	sbarrier.arrive $0xFFFF  }
0x64: {  	_ =	shalt  }

// kernel: kernel.9.cloned.1.call-start
scs
__scs_entry_jumppad:
0x0: {  	(pc) =	sbr.rel $0x88, $3  }
0x1: {  	(tag) =	ssettag $0x0;
	lr =	simm.s32 $0x1  }
0x2: {  	[smem:$0x3F90] =	sst lr;
	_ =	strace $0xD0000000  }
0x3: {  	_ = 	snop  }
0x4: {  	_ = 	snop  }
0x5: {  	_ = 	snop  }
0x6: {  	_ = 	snop  }
0x7: {  	_ = 	snop  }
__scs_overlays_trampoline_lowered:
0x8: {  	[smem:$0x3F9F] =	sst s0  }
0x9: {  	[smem:$0x3FA0] =	sst s1  }
0xa: {  	[smem:$0x3FA1] =	sst s2  }
0xb: {  	[smem:$0x3FA2] =	sst s3  }
0xc: {  	[smem:$0x3FA3] =	sst s4  }
0xd: {  	[smem:$0x3FA4] =	sst s5  }
0xe: {  	[smem:$0x3FA5] =	sst s6  }
0xf: {  	[smem:$0x3FA6] =	sst s7  }
0x10: {  	[smem:$0x3FA7] =	sst s8  }
0x11: {  	[smem:$0x3FA8] =	sst s9;
	s0 =	simm.s32 @!p0 $0x0  }
0x12: {  	s1 =	sld [smem:$0x3F8E];
	s0 =	simm.s32 @p0 $0x1  }
0x13: {  	[smem:$0x3FA9] =	sst s0;
	s0 =	simm.s32 @!p1 $0x0  }
0x14: {  	s2 =	sld [smem:$0x3F8D];
	s0 =	simm.s32 @p1 $0x1  }
0x15: {  	[smem:$0x3FAA] =	sst s0;
	s0 =	simm.s32 @!p2 $0x0  }
0x16: {  	s3 =	sld [smem:$0x3FDB];
	s0 =	simm.s32 @p2 $0x1  }
0x17: {  	s4 =	simm.s32 $0x1BF5;
	[smem:$0x3FAC] =	sst s0  }
0x18: {  	s0 =	sld [smem:$0x3F8F];
	_ =	swait.ge [sflag:s4], $0x0  }
0x19: {  	s7 =	sld [smem:$0x3F90]  }
0x1a: {  	s8 =	sadd.s32 $0xFFFFE003, lr  }
0x1b: {  	s9 =	sadd.s32 $0xFFFFFEF7, lr;
	s5 =	simm.s32 $0xFFFFFFFF;
	p2 =	slt.u32 s8, $0xFFFFF086  }
0x1c: {  	p1 =	slt.u32 s9, $0xF7A;
	s5 =	simm.s32 @!p2 $0x0  }
0x1d: {  	s5 =	simm.s32 @p1 $0x1;
	p0 =	seq.s32 s7, s2  }
0x1e: {  	s7 =	smul.u32 @!p0 $0xF7A, s2;
	p2 =	seq.s32 @!p0 s5, $0x0  }
0x1f: {  	s9 =	smul.u32 $0xF7A, s1;
	s8 =	simm.s32 @!p0 $0x1BF5;
	p2 =	por !p2, p0  }
0x20: {  	[sflag:s8] =	ssyncset.s32 @!p0 $0xFFFFF086;
	s6 =	sadd.s32 @!p0 s3, s7;
	s7 =	simm.s32 @!p0 $0x108  }
0x21: {  	s3 =	sadd.s32 s3, s9;
	s6 =	sadd.s32 @!p0 $0x88, s6;
	s7 =	simm.s32 @p2 $0x1082  }
0x22: {  	[simem:s7], [sflag:s8] =	dma.local @!p0 [hbm:s6], $0xF7A  }
0x23: {  	s9 =	sor.u32 $0xD0000000, s2;
	s6 =	simm.s32 $0x108;
	_ =	swait.ge @!p0 [sflag:s8], $0x0  }
0x24: {  	s3 =	sadd.s32 $0x88, s3;
	s6 =	simm.s32 @!p1 $0x1082;
	[sflag:s4] =	ssyncset.s32 $0xFFFFF086  }
0x25: {  	[simem:s6], [sflag:s4] =	dma.local [hbm:s3], $0xF7A  }
0x26: {  	[smem:$0x3F90] =	sst s1;
	(tag) =	ssettag s2;
	_ =	strace s9  }
0x27: {  	s1 =	sld [smem:$0x3FA0]  }
0x28: {  	s2 =	sld [smem:$0x3FA1]  }
0x29: {  	s4 =	sld [smem:$0x3FA3]  }
0x2a: {  	p0 =	seq.s32 s5, $0x0;
	s5 =	sld [smem:$0x3FA4]  }
0x2b: {  	s6 =	sld [smem:$0x3FA5]  }
0x2c: {  	s7 =	sld [smem:$0x3FA6]  }
0x2d: {  	s3 =	simm.s32 $0x108;
	s8 =	sld [smem:$0x3FA7]  }
0x2e: {  	s3 =	simm.s32 @!p0 $0x1082;
	s9 =	sld [smem:$0x3FA8]  }
0x2f: {  	lr =	sadd.s32 s0, s3;
	s0 =	sld [smem:$0x3F9F]  }
0x30: {  	s3 =	sld [smem:$0x3FA2]  }
0x31: {  	[smem:$0x3FAB] =	sst s10  }
0x32: {  	s10 =	sld [smem:$0x3FA9];
	_ =	sdelay $0x3  }
0x33: {  	p0 =	seq.s32 s10, $0x1;
	s10 =	sld [smem:$0x3FAB];
	_ =	sdelay $0x3  }
0x34: {  	[smem:$0x3FAB] =	sst s10  }
0x35: {  	s10 =	sld [smem:$0x3FAA];
	_ =	sdelay $0x3  }
0x36: {  	p1 =	seq.s32 s10, $0x1;
	s10 =	sld [smem:$0x3FAB];
	_ =	sdelay $0x3  }
0x37: {  	[smem:$0x3FAB] =	sst s10  }
0x38: {  	s10 =	sld [smem:$0x3FAC]  }
0x39: {  	_ = 	snop;
	(pc) =	sbr.ind lr, $3  }
0x3a: {  	_ = 	snop  }
0x3b: {  	_ = 	snop  }
0x3c: {  	p2 =	seq.s32 s10, $0x1;
	s10 =	sld [smem:$0x3FAB]  }
0x3d: {  	_ =	shalt  }
0x3e: {  	_ =	shalt  }
0x3f: {  	_ =	shalt  }
0x40: {  	_ =	shalt  }
0x41: {  	_ =	shalt  }
0x42: {  	_ =	shalt  }
0x43: {  	_ =	shalt  }
0x44: {  	_ =	shalt  }
0x45: {  	_ =	shalt  }
0x46: {  	_ =	shalt  }
0x47: {  	_ =	shalt  }
0x48: {  	_ =	shalt  }
0x49: {  	_ =	shalt  }
0x4a: {  	_ =	shalt  }
0x4b: {  	_ =	shalt  }
0x4c: {  	_ =	shalt  }
0x4d: {  	_ =	shalt  }
0x4e: {  	_ =	shalt  }
0x4f: {  	_ =	shalt  }
0x50: {  	_ =	shalt  }
0x51: {  	_ =	shalt  }
0x52: {  	_ =	shalt  }
0x53: {  	_ =	shalt  }
0x54: {  	_ =	shalt  }
0x55: {  	_ =	shalt  }
0x56: {  	_ =	shalt  }
0x57: {  	_ =	shalt  }
0x58: {  	_ =	shalt  }
0x59: {  	_ =	shalt  }
0x5a: {  	_ =	shalt  }
0x5b: {  	_ =	shalt  }
0x5c: {  	_ =	shalt  }
0x5d: {  	_ =	shalt  }
0x5e: {  	_ =	shalt  }
0x5f: {  	_ =	shalt  }
0x60: {  	_ =	shalt  }
0x61: {  	_ =	shalt  }
0x62: {  	_ =	shalt  }
0x63: {  	_ =	shalt  }
0x64: {  	_ =	shalt  }
0x65: {  	_ =	shalt  }
0x66: {  	_ =	shalt  }
0x67: {  	_ =	shalt  }
0x68: {  	_ =	shalt  }
0x69: {  	_ =	shalt  }
0x6a: {  	_ =	shalt  }
0x6b: {  	_ =	shalt  }
0x6c: {  	_ =	shalt  }
0x6d: {  	_ =	shalt  }
0x6e: {  	_ =	shalt  }
0x6f: {  	_ =	shalt  }
0x70: {  	_ =	shalt  }
0x71: {  	_ =	shalt  }
0x72: {  	_ =	shalt  }
0x73: {  	_ =	shalt  }
0x74: {  	_ =	shalt  }
0x75: {  	_ =	shalt  }
0x76: {  	_ =	shalt  }
0x77: {  	_ =	shalt  }
0x78: {  	_ =	shalt  }
0x79: {  	_ =	shalt  }
0x7a: {  	_ =	shalt  }
0x7b: {  	_ =	shalt  }
0x7c: {  	_ =	shalt  }
0x7d: {  	_ =	shalt  }
0x7e: {  	_ =	shalt  }
0x7f: {  	_ =	shalt  }
0x80: {  	_ =	shalt  }
0x81: {  	_ =	shalt  }
0x82: {  	_ =	shalt  }
0x83: {  	_ =	shalt  }
0x84: {  	_ =	shalt  }
0x85: {  	_ =	shalt  }
0x86: {  	_ =	shalt  }
0x87: {  	_ =	shalt  }
.Lfunc_end0:
.L_simem_size_0:
called_computation.1_lowered:
.L_overlay_start_0:
0x88: {  	s2 =	sld [smem:$0x3FD9]  }
0x89: {  	s3 =	sld [smem:$0x3FFE];
	_ =	sdelay $0x1  }
0x8a: {  	s1 =	srdreg.scid  }
0x8b: {  	s0 =	sand.u32 $0x1, s1  }
0x8c: {  	s17 =	sshll.u32 s0, $0xA;
	s2 =	sadd.s32 s3, s2  }
0x8d: {  	s2 =	sadd.s32 s2, s17  }
0x8e: {  	[smem:$0x3FB7] =	sst s2  }
0x8f: {  	_ = 	snop  }
0x90: {  	s2 =	sld [smem:$0x3FD0];
	(tm) =	ssettm $0x1  }
0x91: {  	s18 =	sld [smem:$0x3FFB];
	_ =	sdelay $0x3  }
0x92: {  	_ =	strace s18  }
0x93: {  	s3 =	sld [smem:$0x3FFC];
	_ =	sdelay $0x3  }
0x94: {  	_ =	strace s3  }
0x95: {  	s3 =	sld [smem:$0x3FFD];
	_ =	sdelay $0x3  }
0x96: {  	_ =	strace s3  }
0x97: {  	_ =	strace $0x8FFFFFFF  }
0x98: {  	s19 =	sld [smem:$0x3FDB];
	_ =	sdelay $0x1  }
0x99: {  	s4 =	simm.s32 $_scs_section_size  }
0x9a: {  	s5 =	simm.s32 $_size__tile_overlayer_lowered;
	s6 =	simm.s32 $_tile_overlayer_lowered  }
0x9b: {  	s22 =	simm.s32 $0x1BFF;
	s21 =	sshll.u32 s6, $0x1;
	s3 =	sadd.s32 s4, s19  }
0x9c: {  	s7 =	simm.s32 $0x0;
	s20 =	sshll.u32 s5, $0x1;
	s5 =	sadd.s32 s21, s3  }
0x9d: {  	[timem:s7], [sflag:s22] =	dma.local [hbm:s5], s20  }
0x9e: {  	_ =	swait.ge [sflag:s22], s20  }
0x9f: {  	s4 =	ssub.s32 $0x0, s20;
	[sflag:s22] =	ssyncset.done $0x0  }
0xa0: {  	[sflag:s22] =	ssyncadd.s32 s4;
	_ =	sdelay $0x1  }
0xa1: {  	s23 =	simm.s32 $0x1B8B  }
0xa2: {  	_ =	swait.ge [sflag:s23], $0x1  }
0xa3: {  	[sflag:s23] =	ssyncset.done $0x0  }
0xa4: {  	s25 =	simm.s32 $0x1B8E;
	s24 =	sld [smem:$0x3FFE];
	[sflag:s23] =	ssyncadd.s32 $0xFFFFFFFF  }
0xa5: {  	s26 =	simm.s32 $execute0_lowered;
	[smem:$0x3FD2] =	sst s25  }
0xa6: {  	s5 =	sshll.u32 s26, $0x1;
	_ =	strace $0x80000049;
	[dreg:$0x1] =	wrdreg $0xFFFFFFFF  }
0xa7: {  	s28 =	simm.s32 $_size_execute0_lowered;
	s3 =	sadd.s32 s3, s5;
	[dreg:$0x0] =	wrdreg $0x0  }
0xa8: {  	s5 =	sshll.u32 s28, $0x1;
	[dreg:$0x2] =	wrdreg s3  }
0xa9: {  	[dreg:$0x3] =	wrdreg s5  }
0xaa: {  	[dreg:$0x4] =	wrdreg $0xC0  }
0xab: {  	_ =	task [dreg:s7], $0x5FFFF  }
0xac: {  	[dreg:$0x1] =	wrdreg $0xFFFFFFFF  }
0xad: {  	[dreg:$0x0] =	wrdreg $0x60  }
0xae: {  	[dreg:$0x2] =	wrdreg s24  }
0xaf: {  	[dreg:$0x3] =	wrdreg s2  }
0xb0: {  	[dreg:$0x4] =	wrdreg $0x108800  }
0xb1: {  	[dreg:$0x5] =	wrdreg $0x115000  }
0xb2: {  	[dreg:$0x6] =	wrdreg $0x121800  }
0xb3: {  	[dreg:$0x7] =	wrdreg $0x12E000  }
0xb4: {  	[dreg:$0x8] =	wrdreg $0xFC000  }
0xb5: {  	[dreg:$0x9] =	wrdreg $0x13A800  }
0xb6: {  	[dreg:$0xa] =	wrdreg $0x9  }
0xb7: {  	_ =	task.clear_ibuf [dreg:s7], $0xBFFFF;
	_ =	strace $0x90000049  }
0xb8: {  	s29 =	simm.s32 $0x9;
	_ =	strace $0x8000004B  }
0xb9: {  	_ =	swait.ge [sflag:s29], $0x1  }
0xba: {  	[sflag:s29] =	ssyncadd.s32 $0xFFFFFFFF  }
0xbb: {  	_ =	strace $0x9000004B  }
0xbc: {  	_ =	sfence  }
0xbd: {  	s30 =	sld [smem:$0x0];
	_ =	sdelay $0x2  }
0xbe: {  	s31 =	sshll.u32 s1, $0xD;
	s1 =	sshrl.u32 s1, $0x2  }
0xbf: {  	s3 =	sand.u32 $0x4000, s31;
	s1 =	sadd.s32 s1, s30  }
0xc0: {  	s0 =	sor.u32 s3, s0;
	s1 =	sshll.u32 s1, $0x11  }
0xc1: {  	s0 =	sor.u32 s1, s0  }
0xc2: {  	s0 =	sadd.s32 $0x8F2B, s0  }
0xc3: {  	[sflag:s0] =	ssyncadd.remote.s32 $0x1  }
0xc4: {  	_ =	sfence.sel $0xFFFF  }
0xc5: {  	[dreg:$0x0] =	wrdreg $0xFFFFFFFF;
	(pc) =	sbr.abs _section_cstart, $3  }
0xc6: {  	[dreg:$0x1] =	wrdreg $0xFFFFFFFF  }
0xc7: {  	_ =	task.clear_ibuf [dreg:s7], $0x2FFFF;
	_ =	strace $0x9FFFFFFF  }
0xc8: {  	(tm) =	ssettm $0x7FFFFFFF  }
0xc9: {  	_ =	shalt  }
tec
execute0_lowered:
.L_overlay_start_1:
0x0: {  	(tag) =	ssettag $0x1  }
0x1: {  	s0 =	rddreg [dreg:$0x0]  }
0x2: {  	s1 =	rddreg [dreg:$0x2]  }
0x3: {  	s3 =	rddreg [dreg:$0x3]  }
0x4: {  	s4 =	rddreg [dreg:$0x4]  }
0x5: {  	s5 =	rddreg [dreg:$0x5]  }
0x6: {  	s6 =	rddreg [dreg:$0x6]  }
0x7: {  	s18 =	rddreg [dreg:$0x7];
	s2 =	stileid.u32  }
0x8: {  	s7 =	srdreg.scid;
	s8 =	simm.s32 $0x0;
	s28 =	simm.s32 $0x1  }
0x9: {  	s31 =	simm.s32 $0x1900;
	s29 =	simm.s32 $0x4D00;
	s30 =	simm.s32 $0x6600  }
0xa: {  	s13 =	smul.u32 $0xC80, s2;
	s7 =	sand.u32 $0x1, s7;
	[smem:$0x7FF] =	sst s8  }
0xb: {  	s9 =	sadd.s32 $0x33000, s0;
	s10 =	sadd.s32 $0x1A000, s0;
	s11 =	smul.u32 $0x32000, s7  }
0xc: {  	_ =	strace $0x8000004A;
	s25 =	sshll.u32 s7, $0x4;
	s7 =	ssub.s32 $0x2, s7  }
0xd: {  	s12 =	sshrl.u32 s13, $0x3;
	s15 =	sshrl.u32 s7, $0x1;
	s22 =	sadd.s32 s13, s3  }
0xe: {  	s23 =	sadd.s32 s13, s4;
	s14 =	sadd.s32 s13, s11;
	s17 =	sadd.s32 s12, s0  }
0xf: {  	s7 =	ssub.s32 s7, s15;
	s15 =	sadd.s32 s13, s1;
	[dreg:$0x9] =	wrdreg s22  }
0x10: {  	[dreg:$0xa] =	wrdreg s23;
	s24 =	sshrl.u32 s14, $0x3;
	s16 =	sadd.s32 $0x4C000, s17  }
0x11: {  	v0 =	vimm.s32 $0xFEDCBA98;
	v1 =	vimm.s32 $0x76543210;
	s26 =	sadd.s32 $0x4D900, s17;
	s14 =	sadd.s32 s24, s0;
	[dreg:$0xc] =	wrdreg s16  }
0x12: {  	v2 =	vimm.s32 $0xBA98FEDC;
	v4 =	vimm.s32 $0xDCFE98BA;
	v5 =	vimm.s32 $0x54761032;
	s24 =	sadd.s32 s13, s5;
	[dreg:$0xd] =	wrdreg s26;
	s13 =	sadd.s32 s13, s6  }
0x13: {  	v6 =	vimm.s32 $0xEFCDAB89;
	v7 =	vimm.s32 $0x67452301;
	v0 =	vunpack.c.l.s4.s8 v0;
	p0 =	sne.s32 s2, $0x0;
	s26 =	smax.u32 s7, $0x1;
	[dreg:$0xe] =	wrdreg s13  }
0x14: {  	v1 =	vunpack.c.l.s4.s8 v1;
	v4 =	vunpack.c.l.s4.s8 v4;
	v5 =	vunpack.c.l.s4.s8 v5;
	s11 =	sadd.s32 $0x1000, s0;
	s16 =	sshll.u32 s2, $0x4;
	[dreg:$0x15] =	wrdreg s26  }
0x15: {  	v6 =	vunpack.c.l.s4.s8 v6;
	v7 =	vunpack.c.l.s4.s8 v7;
	v0 =	vunpack.c.0.s8.s32 v0;
	s12 =	sor.u32 s2, s25;
	s18 =	sadd.s32 s16, s18;
	[dreg:$0xb] =	wrdreg s24  }
0x16: {  	v1 =	vunpack.c.0.s8.s32 v1;
	v4 =	vunpack.c.0.s8.s32 v4;
	v5 =	vunpack.c.0.s8.s32 v5;
	s12 =	smul.u32 $0x6400, s12;
	s19 =	sadd.s32 $0x4F200, s14;
	[dreg:$0xf] =	wrdreg s18  }
0x17: {  	v3 =	vand.u32 $0xF, v0;
	v0 =	vunpack.c.l.s4.s8 v2;
	v2 =	vimm.s32 $0x32107654;
	s17 =	simm.s32 $0x9800;
	s20 =	sadd.s32 $0x50B00, s14;
	[dreg:$0x10] =	wrdreg s19  }
0x18: {  	v6 =	vunpack.c.0.s8.s32 v6;
	v7 =	vunpack.c.0.s8.s32 v7;
	s0 =	sadd.s32 s25, s0;
	v2 =	vunpack.c.l.s4.s8 v2;
	s21 =	sadd.s32 $0x52400, s14;
	[dreg:$0x11] =	wrdreg s20  }
0x19: {  	v1 =	vcombine.low v3, v1;
	s7 =	simm.s32 $0x3400;
	v3 =	vcombine.low v5, v4;
	s25 =	sadd.s32 $0x53D00, s14;
	[dreg:$0x12] =	wrdreg s21  }
0x1a: {  	v4 =	vcombine.low v7, v6;
	s2 =	simm.s32 $0x7F00;
	s0 =	sadd.s32 $0x5BA00, s0;
	v8 =	vunpack.c.0.s8.s32 v0;
	[dreg:$0x13] =	wrdreg s25;
	v2 =	vunpack.c.0.s8.s32 v2  }
0x1b: {  	v5 =	vimm.s32 $0x0;
	v6 =	vimm.s32 $0x1;
	v7 =	vimm.s32 $0x2;
	[dreg:$0x14] =	wrdreg s0;
	s0 =	simm.s32 $0x1B00;
	s18 =	simm.s32 $0xB100  }
0x1c: {  	v0 =	vimm.f32 $0.0e+00;
	s19 =	simm.s32 $0xCA00;
	s20 =	simm.s32 $0xE300;
	s21 =	simm.s32 $0x0;
	v2 =	vcombine.low v2, v8;
	v8 =	vimm.s32 $0x3  }
.LBB2_1:
0x1d: {  	s13 =	simm.s32 $0x40;
	s14 =	simm.s32 $0x0  }
.LBB2_2:
0x1e: {  	p1 =	sne.s32 s13, $0x31C0;
	[tilespmem:s14+$0x0] =	vst v0;
	s14 =	smov.u32 s13;
	s13 =	sadd.s32 $0x40, s13  }
.Ltmp0:
0x1f: {  	(pc) =	sbr.rel @p1 .LBB2_2-.Ltmp0, $2  }
0x20: {  	_ =	sdelay $0x2  }
0x21: {  	s14 =	sshra.s32 s14, $0x2  }
0x22: {  	[tilespmem:s14+$0x0] =	vst v0;
	s13 =	simm.s32 $0x0  }
0x23: {  	[spmem:s15] =	stream.linear.scatter [tilespmem:s13], [sflag:$0x1], $0xC80, $0x38;
	[tilespmem:$0x13A90] =	vst v63  }
0x24: {  	_ =	swait.ge [sflag:s28], $0xC80  }
0x25: {  	[sflag:s28] =	ssyncset.done $0x0  }
0x26: {  	[sflag:s28] =	ssyncadd.s32 $0xFFFFF380  }
0x27: {  	[spmem:s22] =	stream.linear.scatter [tilespmem:s13], [sflag:$0x1], $0xC80, $0x38;
	[tilespmem:$0x13A90] =	vst v63  }
0x28: {  	_ =	swait.ge [sflag:s28], $0xC80  }
0x29: {  	[sflag:s28] =	ssyncset.done $0x0  }
0x2a: {  	[sflag:s28] =	ssyncadd.s32 $0xFFFFF380  }
0x2b: {  	[spmem:s23] =	stream.linear.scatter [tilespmem:s13], [sflag:$0x1], $0xC80, $0x38;
	[tilespmem:$0x13A90] =	vst v63  }
0x2c: {  	_ =	swait.ge [sflag:s28], $0xC80  }
0x2d: {  	[sflag:s28] =	ssyncset.done $0x0  }
0x2e: {  	[sflag:s28] =	ssyncadd.s32 $0xFFFFF380  }
0x2f: {  	[spmem:s24] =	stream.linear.scatter [tilespmem:s13], [sflag:$0x1], $0xC80, $0x38;
	[tilespmem:$0x13A90] =	vst v63  }
0x30: {  	_ =	swait.ge [sflag:s28], $0xC80  }
0x31: {  	[sflag:s28] =	ssyncset.done $0x0  }
0x32: {  	s24 =	rddreg [dreg:$0xc];
	[sflag:s28] =	ssyncadd.s32 $0xFFFFF380  }
0x33: {  	[tilespmem:s13], [sflag:$0x1] =	stream.linear.gather [hbm4b:s24+s13], $0xC80, $0x38;
	[tilespmem:$0x13A90] =	vst v63  }
0x34: {  	_ =	swait.ge [sflag:s28], $0xC80  }
0x35: {  	[sflag:s28] =	ssyncset.done $0x0  }
0x36: {  	s26 =	simm.s32 $0xC80;
	s25 =	rddreg [dreg:$0xd];
	[sflag:s28] =	ssyncadd.s32 $0xFFFFF380  }
0x37: {  	[tilespmem:s26], [sflag:$0x1] =	stream.linear.gather [hbm4b:s25+s13], $0xC80, $0x38;
	[tilespmem:$0x13A90] =	vst v63  }
0x38: {  	_ =	swait.ge [sflag:s28], $0xC80  }
0x39: {  	[sflag:s28] =	ssyncset.done $0x0  }
0x3a: {  	s13 =	simm.s32 $0x0;
	[sflag:s28] =	ssyncadd.s32 $0xFFFFF380  }
0x3b: {  	s16 =	smov.u32 s15;
	v9 =	vimm.f32 $0.0e+00;
	s14 =	simm.s32 $0x40;
	v10 =	vld [tilespmem:s13+$0xC80]  }
.LBB2_4:
0x3c: {  	p1 =	sne.s32 s14, $0x31C0;
	v11 =	vld [tilespmem:s13+$0x0];
	_ =	sdelay $0x2  }
.Ltmp1:
0x3d: {  	(pc) =	sbr.rel @p1 .LBB2_4-.Ltmp1, $4  }
0x3e: {  	_ = 	snop  }
0x3f: {  	v11 =	vadd.f32 v10, v11  }
0x40: {  	s22 =	sshra.s32 s14, $0x2  }
0x41: {  	s14 =	sadd.s32 $0x40, s14;
	v10 =	vld [tilespmem:s22+$0xC80];
	[tilespmem:s13+$0x0] =	vst v11;
	v9 =	vmax.f32 v9, v11;
	s13 =	smov.u32 s22  }
0x42: {  	v11 =	vld [tilespmem:s13+$0x0];
	_ =	sdelay $0x4  }
0x43: {  	v10 =	vadd.f32 v10, v11;
	_ =	sdelay $0x1  }
0x44: {  	s22 =	simm.s32 $0x0;
	s15 =	rddreg [dreg:$0xe];
	[tilespmem:s13+$0x0] =	vst v10  }
0x45: {  	[spmem:s15] =	stream.linear.scatter [tilespmem:s22], [sflag:$0x1], $0xC80, $0x38;
	[tilespmem:$0x13A90] =	vst v63  }
0x46: {  	_ =	swait.ge [sflag:s28], $0xC80  }
0x47: {  	[sflag:s28] =	ssyncset.done $0x0  }
0x48: {  	v9 =	vmax.f32 v9, v10;
	[sflag:s28] =	ssyncadd.s32 $0xFFFFF380  }
0x49: {  	s14 =	simm.s32 $0x1980;
	s23 =	rddreg [dreg:$0xf];
	[tilespmem:$0x1980] =	vst v9  }
0x4a: {  	[spmem:s23] =	stream.linear.scatter [tilespmem:s14], [sflag:$0x1], $0x10, $0x38;
	[tilespmem:$0x13A90] =	vst v63  }
0x4b: {  	_ =	swait.ge [sflag:s28], $0x10  }
0x4c: {  	[sflag:s28] =	ssyncset.done $0x0  }
0x4d: {  	[sflag:s28] =	ssyncadd.s32 $0xFFFFFFF0  }
0x4e: {  	s24 =	rddreg [dreg:$0x1]  }
0x4f: {  	[tilespmem:s31], [sflag:$0x1] =	stream.linear.gather [hbm4b:s24+s22], $0x80, $0x38;
	[tilespmem:$0x13A90] =	vst v63  }
0x50: {  	_ =	swait.ge [sflag:s28], $0x80  }
0x51: {  	[sflag:s28] =	ssyncset.done $0x0  }
0x52: {  	[sflag:s28] =	ssyncadd.s32 $0xFFFFFF80  }
0x53: {  	[bflag:$0x0] =	sbarrier.arrive $0xFFFF  }
0x54: {  	s26 =	simm.s32 $0x1A00;
	s25 =	rddreg [dreg:$0x7]  }
0x55: {  	[tilespmem:s26], [sflag:$0x1] =	stream.linear.gather [spmem:s25], $0x100, $0x38;
	[tilespmem:$0x13A90] =	vst v63  }
0x56: {  	_ =	swait.ge [sflag:s28], $0x100  }
0x57: {  	[sflag:s28] =	ssyncset.done $0x0  }
0x58: {  	[sflag:s28] =	ssyncadd.s32 $0xFFFFFF00  }
0x59: {  	v9 =	vld [tilespmem:$0x1A00]  }
0x5a: {  	v10 =	vld [tilespmem:$0x1A10]  }
0x5b: {  	v11 =	vld [tilespmem:$0x1A20]  }
0x5c: {  	v12 =	vld [tilespmem:$0x1A30]  }
0x5d: {  	v13 =	vld [tilespmem:$0x1A40]  }
0x5e: {  	v14 =	vld [tilespmem:$0x1A50]  }
0x5f: {  	v9 =	vmax.f32 v9, v10;
	v10 =	vld [tilespmem:$0x1A60]  }
0x60: {  	v9 =	vmax.f32 v9, v11;
	v11 =	vld [tilespmem:$0x1A70]  }
0x61: {  	v9 =	vmax.f32 v9, v12;
	v12 =	vld [tilespmem:$0x1A80]  }
0x62: {  	v9 =	vmax.f32 v9, v13;
	v13 =	vld [tilespmem:$0x1A90]  }
0x63: {  	v9 =	vmax.f32 v9, v14;
	v14 =	vld [tilespmem:$0x1AA0]  }
0x64: {  	v9 =	vmax.f32 v9, v10;
	v10 =	vld [tilespmem:$0x1AB0]  }
0x65: {  	v9 =	vmax.f32 v9, v11;
	v11 =	vld [tilespmem:$0x1AC0]  }
0x66: {  	v9 =	vmax.f32 v9, v12;
	v12 =	vld [tilespmem:$0x1AD0]  }
0x67: {  	v9 =	vmax.f32 v9, v13;
	v13 =	vld [tilespmem:$0x1AE0]  }
0x68: {  	v9 =	vmax.f32 v9, v14;
	v14 =	vld [tilespmem:$0x1AF0]  }
0x69: {  	v9 =	vmax.f32 v9, v10  }
0x6a: {  	v9 =	vmax.f32 v9, v11  }
0x6b: {  	v9 =	vmax.f32 v9, v12  }
0x6c: {  	v9 =	vmax.f32 v9, v13  }
0x6d: {  	v9 =	vmax.f32 v9, v14  }
0x6e: {  	v10 =	vperm.xlane v9, v1;
	_ =	sdelay $0x1  }
0x6f: {  	v9 =	vmax.f32 v9, v10  }
0x70: {  	v13 =	vld [tilespmem:$0x1900];
	v10 =	vperm.xlane v9, v2;
	_ =	sdelay $0x1  }
0x71: {  	v9 =	vmax.f32 v9, v10  }
0x72: {  	v10 =	vperm.xlane v9, v3;
	_ =	sdelay $0x1  }
0x73: {  	v11 =	vperm.xlane v13, v6;
	v9 =	vmax.f32 v9, v10;
	v10 =	vperm.xlane v13, v5  }
0x74: {  	v12 =	vperm.xlane v9, v4  }
0x75: {  	v15 =	vmax.f32 v11, $0.0e+00;
	v14 =	vmax.f32 v10, $0.0e+00  }
0x76: {  	v9 =	vmax.f32 v9, v12;
	v12 =	vperm.xlane v13, v7;
	v13 =	vperm.xlane v13, v8  }
0x77: {  	s23 =	simm.s32 $0x0;
	v14 =	vmul.f32 v14, v9;
	v15 =	vmul.f32 v15, v9  }
.LBB2_6:
0x78: {  	s13 =	smul.u32 $0x1900, s23;
	_ =	sdelay $0x1  }
0x79: {  	s13 =	sadd.s32 s12, s13  }
0x7a: {  	s13 =	sshrl.u32 s13, $0x3  }
0x7b: {  	s14 =	sadd.s32 s9, s13  }
0x7c: {  	[tilespmem:s0], [sflag:$0x1] =	stream.linear.gather [hbm4b:s14+s22], $0x1900, $0x38;
	[tilespmem:$0x13A90] =	vst v63  }
0x7d: {  	_ =	swait.ge [sflag:s28], $0x1900  }
0x7e: {  	[sflag:s28] =	ssyncset.done $0x0  }
0x7f: {  	s26 =	sadd.s32 s10, s13;
	[sflag:s28] =	ssyncadd.s32 $0xFFFFE700  }
0x80: {  	[tilespmem:s7], [sflag:$0x1] =	stream.linear.gather [hbm4b:s26+s22], $0x1900, $0x38;
	[tilespmem:$0x13A90] =	vst v63  }
0x81: {  	_ =	swait.ge [sflag:s28], $0x1900  }
0x82: {  	[sflag:s28] =	ssyncset.done $0x0  }
0x83: {  	s13 =	sadd.s32 s11, s13;
	[sflag:s28] =	ssyncadd.s32 $0xFFFFE700  }
0x84: {  	[tilespmem:s29], [sflag:$0x1] =	stream.linear.gather [hbm4b:s13+s22], $0x1900, $0x38;
	[tilespmem:$0x13A90] =	vst v63  }
0x85: {  	_ =	swait.ge [sflag:s28], $0x1900  }
0x86: {  	[sflag:s28] =	ssyncset.done $0x0  }
0x87: {  	[sflag:s28] =	ssyncadd.s32 $0xFFFFE700  }
0x88: {  	[tilespmem:s30], [sflag:$0x1] =	stream.indirect.gather [spmem:s6], $0x1, s0, s31, $0xb8;
	[tilespmem:$0x13A90] =	vst v63  }
0x89: {  	_ =	swait.ge [sflag:s28], $0x1900  }
0x8a: {  	[sflag:s28] =	ssyncset.done $0x0  }
0x8b: {  	[sflag:s28] =	ssyncadd.s32 $0xFFFFE700  }
0x8c: {  	[tilespmem:s2], [sflag:$0x1] =	stream.indirect.gather [spmem:s6], $0x1, s7, s31, $0xb8;
	[tilespmem:$0x13A90] =	vst v63  }
0x8d: {  	_ =	swait.ge [sflag:s28], $0x1900  }
0x8e: {  	[sflag:s28] =	ssyncset.done $0x0  }
0x8f: {  	s13 =	simm.s32 $0x0;
	[sflag:s28] =	ssyncadd.s32 $0xFFFFE700  }
0x90: {  	v19 =	vld [tilespmem:s13+$0x6600]  }
0x91: {  	v16 =	vld [tilespmem:s13+$0x7F00]  }
0x92: {  	s24 =	simm.s32 $0x10  }
0x93: {  	s25 =	simm.s32 $0x20;
	v17 =	vld [tilespmem:s24+$0x6600]  }
0x94: {  	v28 =	vld [tilespmem:s25+$0x7F00];
	_ =	sdelay $0x1  }
0x95: {  	v18 =	vmul.f32 v19, v11;
	v20 =	vmul.f32 v16, v13  }
0x96: {  	v16 =	vmul.f32 v16, v12  }
0x97: {  	v21 =	vld [tilespmem:s24+$0x7F00];
	v26 =	vmul.f32 v17, v10;
	v22 =	vadd.f32 v20, v15;
	v18 =	vadd.f32 v20, v18  }
0x98: {  	v29 =	vmul.f32 v28, v13;
	v20 =	vmul.f32 v19, v10  }
0x99: {  	v23 =	vadd.f32 v16, v14;
	v24 =	vmul.f32 $2.000000030e-01, v18;
	v25 =	vmul.f32 $2.000000030e-01, v22  }
0x9a: {  	vm0 =	vgt.f32 v22, $0.0e+00;
	vm1 =	vgt.f32 v18, $0.0e+00;
	v20 =	vadd.f32 v16, v20  }
0x9b: {  	v27 =	vmul.f32 $2.000000030e-01, v23;
	v18 =	vsel vm1, v18, v24;
	v22 =	vsel vm0, v22, v25  }
0x9c: {  	v25 =	vmul.f32 v21, v12;
	v18 =	vsub.f32 v18, v22;
	v22 =	vmul.f32 $2.000000030e-01, v20  }
0x9d: {  	v24 =	vmul.f32 v17, v11;
	v21 =	vmul.f32 v21, v13;
	vm0 =	vgt.f32 v20, $0.0e+00  }
0x9e: {  	v30 =	vadd.f32 v25, v14;
	v20 =	vsel vm0, v20, v22;
	vm0 =	vgt.f32 v23, $0.0e+00  }
0x9f: {  	v22 =	vadd.f32 v21, v24;
	v21 =	vadd.f32 v21, v15;
	v23 =	vsel vm0, v23, v27  }
0xa0: {  	v16 =	vld [tilespmem:s25+$0x6600];
	v25 =	vadd.f32 v25, v26;
	v18 =	vmul.f32 $1.442695020e+00, v18;
	v20 =	vsub.f32 v20, v23  }
0xa1: {  	v23 =	vmul.f32 $2.000000030e-01, v22;
	vm0 =	vgt.f32 v21, $0.0e+00;
	v27 =	vmul.f32 $2.000000030e-01, v21  }
0xa2: {  	(erf) = vpow2.f32 v18;
	vm1 =	vgt.f32 v22, $0.0e+00;
	v20 =	vmul.f32 $1.442695020e+00, v20  }
0xa3: {  	v26 =	vmul.f32 v28, v12;
	v23 =	vsel vm1, v22, v23;
	v21 =	vsel vm0, v21, v27  }
0xa4: {  	s26 =	simm.s32 $0x30;
	v21 =	vsub.f32 v23, v21;
	v23 =	vmul.f32 $2.000000030e-01, v25;
	(erf) = vpow2.f32 v20  }
0xa5: {  	v24 =	vmul.f32 v16, v11;
	v32 =	vmul.f32 $2.000000030e-01, v30;
	v18 =	vld [tilespmem:s26+$0x6600];
	vm0 =	vgt.f32 v25, $0.0e+00  }
0xa6: {  	v28 =	vadd.f32 v29, v15;
	v22 =	vld [tilespmem:s26+$0x7F00];
	v25 =	vsel vm0, v25, v23;
	vm0 =	vgt.f32 v30, $0.0e+00  }
0xa7: {  	v31 =	vmul.f32 v16, v10;
	v29 =	vadd.f32 v29, v24;
	v30 =	vsel vm0, v30, v32  }
0xa8: {  	v20 =	vadd.f32 v26, v14;
	v30 =	vsub.f32 v25, v30;
	v25 =	vld [tilespmem:s13+$0x4D00]  }
0xa9: {  	v26 =	vadd.f32 v26, v31;
	v31 =	vmul.f32 $2.000000030e-01, v29;
	v27 =	vmul.f32 $1.442695020e+00, v21  }
0xaa: {  	v23 =	vmul.f32 v18, v10;
	v21 =	vmul.f32 v18, v11  }
0xab: {  	s14 =	simm.s32 $0x100;
	vm0 =	vgt.f32 v28, $0.0e+00;
	v32 =	vmul.f32 $2.000000030e-01, v28;
	v24 =	vmul.f32 v22, v13;
	v33 =	vpop (erf)  }
.LBB2_7:
0xac: {  	s15 =	sshra.s32 s14, $0x2;
	p1 =	sne.s32 s14, $0x63C0;
	s14 =	sadd.s32 $0x40, s14;
	vm1 =	vgt.f32 v29, $0.0e+00;
	v35 =	vmul.f32 $1.442695020e+00, v30;
	(erf) = vpow2.f32 v27;
	v34 =	vmovc v16;
	v16 =	vmovc v18  }
0xad: {  	v18 =	vld [tilespmem:s15+$0x6600];
	v27 =	vsel vm1, v29, v31;
	v28 =	vsel vm0, v28, v32;
	v29 =	vmul.f32 v33, v25;
	v31 =	vpop (erf)  }
0xae: {  	v30 =	vmovc v20;
	v32 =	vmul.f32 v22, v12;
	v33 =	vmovc v23;
	v22 =	vld [tilespmem:s15+$0x7F00];
	v27 =	vsub.f32 v27, v28;
	(erf) = vpow2.f32 v35  }
0xaf: {  	vm0 =	vgt.f32 v26, $0.0e+00;
	v23 =	vmul.f32 $2.000000030e-01, v26;
	[tilespmem:s13+$0xB100] =	vst v29;
	v28 =	vmul.f32 v29, v19  }
0xb0: {  	v20 =	vadd.f32 v32, v14;
	v29 =	vmul.f32 v31, v25;
	v27 =	vmul.f32 $1.442695020e+00, v27  }
.Ltmp2:
0xb1: {  	v26 =	vsel vm0, v26, v23;
	vm0 =	vgt.f32 v30, $0.0e+00;
	v31 =	vmul.f32 $2.000000030e-01, v30;
	[tilespmem:s13+$0xE300] =	vst v28;
	(pc) =	sbr.rel @p1 .LBB2_7-.Ltmp2, $4  }
0xb2: {  	v28 =	vadd.f32 v24, v15;
	v35 =	vmul.f32 v29, v19;
	v23 =	vmul.f32 v18, v10;
	v25 =	vld [tilespmem:s24+$0x4D00];
	[tilespmem:s13+$0x9800] =	vst v29  }
0xb3: {  	v30 =	vsel vm0, v30, v31;
	v19 =	vmovc v17;
	v29 =	vadd.f32 v24, v21;
	v21 =	vmul.f32 v18, v11  }
0xb4: {  	v17 =	vmovc v34;
	v30 =	vsub.f32 v26, v30;
	v24 =	vmul.f32 v22, v13;
	vm0 =	vgt.f32 v28, $0.0e+00;
	[tilespmem:s13+$0xCA00] =	vst v35;
	s13 =	smov.u32 s24;
	s24 =	smov.u32 s25;
	s25 =	smov.u32 s26  }
0xb5: {  	v26 =	vadd.f32 v32, v33;
	v32 =	vmul.f32 $2.000000030e-01, v28;
	v31 =	vmul.f32 $2.000000030e-01, v29;
	s26 =	smov.u32 s15;
	v33 =	vpop (erf)  }
0xb6: {  	_ = 	snop  }
0xb7: {  	(erf) = vpow2.f32 v27;
	v36 =	vmul.f32 v33, v25;
	_ =	sdelay $0x1  }
0xb8: {  	v33 =	vmul.f32 v36, v19  }
0xb9: {  	[tilespmem:s13+$0xB100] =	vst v36  }
0xba: {  	vm1 =	vgt.f32 v29, $0.0e+00;
	v37 =	vmul.f32 $1.442695020e+00, v30;
	[tilespmem:s13+$0xE300] =	vst v33  }
0xbb: {  	v22 =	vmul.f32 v22, v12;
	v29 =	vsel vm1, v29, v31;
	v28 =	vsel vm0, v28, v32;
	v38 =	vld [tilespmem:s24+$0x4D00]  }
0xbc: {  	vm11 =	vgt.f32 v20, $0.0e+00;
	v42 =	vmul.f32 $2.000000030e-01, v20;
	v39 =	vpop (erf);
	v28 =	vsub.f32 v29, v28  }
0xbd: {  	v43 =	vadd.f32 v24, v15;
	v40 =	vmul.f32 $2.000000030e-01, v26;
	v41 =	vmul.f32 v39, v25  }
0xbe: {  	v21 =	vadd.f32 v24, v21;
	(erf) = vpow2.f32 v37;
	v28 =	vmul.f32 $1.442695020e+00, v28  }
0xbf: {  	vm10 =	vgt.f32 v26, $0.0e+00;
	v20 =	vsel vm11, v20, v42;
	v44 =	vmul.f32 v41, v19;
	v45 =	vpop (erf)  }
0xc0: {  	v46 =	vadd.f32 v22, v14;
	(erf) = vpow2.f32 v28;
	v24 =	vmul.f32 v45, v38  }
0xc1: {  	v47 =	vadd.f32 v22, v23;
	v48 =	vmul.f32 $2.000000030e-01, v21;
	v50 =	vmul.f32 $2.000000030e-01, v43;
	[tilespmem:s13+$0x9800] =	vst v41  }
0xc2: {  	vm13 =	vgt.f32 v21, $0.0e+00;
	v26 =	vsel vm10, v26, v40;
	[tilespmem:s13+$0xCA00] =	vst v44;
	v49 =	vmul.f32 v24, v17  }
0xc3: {  	vm12 =	vgt.f32 v43, $0.0e+00;
	v20 =	vsub.f32 v26, v20;
	v21 =	vsel vm13, v21, v48;
	[tilespmem:s24+$0xB100] =	vst v24  }
0xc4: {  	v51 =	vmul.f32 $2.000000030e-01, v47;
	v52 =	vmul.f32 $2.000000030e-01, v46;
	v53 =	vsel vm12, v43, v50;
	[tilespmem:s24+$0xE300] =	vst v49  }
0xc5: {  	vm14 =	vgt.f32 v47, $0.0e+00;
	vm15 =	vgt.f32 v46, $0.0e+00;
	v21 =	vsub.f32 v21, v53;
	v54 =	vld [tilespmem:s25+$0x4D00]  }
0xc6: {  	v20 =	vmul.f32 $1.442695020e+00, v20;
	v19 =	vsel vm14, v47, v51;
	v56 =	vsel vm15, v46, v52  }
0xc7: {  	v19 =	vsub.f32 v19, v56;
	v58 =	vmul.f32 $1.442695020e+00, v21;
	v55 =	vpop (erf)  }
0xc8: {  	(erf) = vpow2.f32 v20;
	v57 =	vmul.f32 v55, v38  }
0xc9: {  	v19 =	vmul.f32 $1.442695020e+00, v19;
	(erf) = vpow2.f32 v58;
	v59 =	vpop (erf)  }
0xca: {  	v17 =	vmul.f32 v57, v17;
	v60 =	vmul.f32 v59, v54  }
0xcb: {  	[tilespmem:s24+$0x9800] =	vst v57  }
0xcc: {  	(erf) = vpow2.f32 v19;
	[tilespmem:s24+$0xCA00] =	vst v17;
	v17 =	vmul.f32 v60, v16  }
0xcd: {  	[tilespmem:s25+$0xB100] =	vst v60  }
0xce: {  	[tilespmem:s25+$0xE300] =	vst v17  }
0xcf: {  	v17 =	vld [tilespmem:s26+$0x4D00];
	_ =	sdelay $0x1  }
0xd0: {  	v61 =	vpop (erf)  }
0xd1: {  	v19 =	vmul.f32 v61, v54  }
0xd2: {  	v62 =	vpop (erf)  }
0xd3: {  	v16 =	vmul.f32 v19, v16;
	v20 =	vmul.f32 v62, v17  }
0xd4: {  	v63 =	vpop (erf);
	[tilespmem:s25+$0x9800] =	vst v19  }
0xd5: {  	[tilespmem:s25+$0xCA00] =	vst v16;
	v17 =	vmul.f32 v63, v17;
	v16 =	vmul.f32 v20, v18  }
0xd6: {  	[tilespmem:s26+$0xB100] =	vst v20  }
0xd7: {  	[tilespmem:s26+$0xE300] =	vst v16;
	v16 =	vmul.f32 v17, v18  }
0xd8: {  	[tilespmem:s26+$0x9800] =	vst v17  }
0xd9: {  	[tilespmem:s26+$0xCA00] =	vst v16  }
0xda: {  	[spmem:s1] =	stream.indirect.scatter.add.f32 [tilespmem:s17], [sflag:$0x1], $0x1, s7, s31, $0xb8;
	[tilespmem:$0x13A90] =	vst v63  }
0xdb: {  	_ =	swait.ge [sflag:s28], $0x1900  }
0xdc: {  	[sflag:s28] =	ssyncset.done $0x0  }
0xdd: {  	[sflag:s28] =	ssyncadd.s32 $0xFFFFE700  }
0xde: {  	[spmem:s3] =	stream.indirect.scatter.add.f32 [tilespmem:s18], [sflag:$0x1], $0x1, s7, s31, $0xb8;
	[tilespmem:$0x13A90] =	vst v63  }
0xdf: {  	_ =	swait.ge [sflag:s28], $0x1900  }
0xe0: {  	[sflag:s28] =	ssyncset.done $0x0  }
0xe1: {  	[sflag:s28] =	ssyncadd.s32 $0xFFFFE700  }
0xe2: {  	[spmem:s4] =	stream.indirect.scatter.add.f32 [tilespmem:s19], [sflag:$0x1], $0x1, s7, s31, $0xb8;
	[tilespmem:$0x13A90] =	vst v63  }
0xe3: {  	s23 =	sadd.s32 $0x1, s23;
	_ =	swait.ge [sflag:s28], $0x1900  }
0xe4: {  	p1 =	sne.s32 s23, $0x4;
	[sflag:s28] =	ssyncset.done $0x0  }
.Ltmp3:
0xe5: {  	[sflag:s28] =	ssyncadd.s32 $0xFFFFE700;
	(pc) =	sbr.rel @p1 .LBB2_6-.Ltmp3, $4  }
0xe6: {  	[spmem:s5] =	stream.indirect.scatter.add.f32 [tilespmem:s20], [sflag:$0x1], $0x1, s7, s31, $0xb8;
	[tilespmem:$0x13A90] =	vst v63  }
0xe7: {  	_ =	swait.ge [sflag:s28], $0x1900  }
0xe8: {  	[sflag:s28] =	ssyncset.done $0x0  }
0xe9: {  	[sflag:s28] =	ssyncadd.s32 $0xFFFFE700  }
0xea: {  	[bflag:$0x0] =	sbarrier.arrive $0xFFFF  }
0xeb: {  	[tilespmem:s8], [sflag:$0x1] =	stream.linear.gather [spmem:s16], $0xC80, $0x38;
	[tilespmem:$0x13A90] =	vst v63  }
0xec: {  	_ =	swait.ge [sflag:s28], $0xC80  }
0xed: {  	[sflag:s28] =	ssyncset.done $0x0  }
0xee: {  	s13 =	rddreg [dreg:$0x10];
	[sflag:s28] =	ssyncadd.s32 $0xFFFFF380  }
0xef: {  	[hbm4b:s13+s8] =	stream.linear.scatter [tilespmem:s8], [sflag:$0x1], $0xC80, $0x38;
	[tilespmem:$0x13A90] =	vst v63  }
0xf0: {  	_ =	swait.ge [sflag:s28], $0xC80  }
0xf1: {  	[sflag:s28] =	ssyncset.done $0x0  }
0xf2: {  	s22 =	rddreg [dreg:$0x9];
	[sflag:s28] =	ssyncadd.s32 $0xFFFFF380  }
0xf3: {  	[tilespmem:s8], [sflag:$0x1] =	stream.linear.gather [spmem:s22], $0xC80, $0x38;
	[tilespmem:$0x13A90] =	vst v63  }
0xf4: {  	_ =	swait.ge [sflag:s28], $0xC80  }
0xf5: {  	[sflag:s28] =	ssyncset.done $0x0  }
0xf6: {  	s23 =	rddreg [dreg:$0x11];
	[sflag:s28] =	ssyncadd.s32 $0xFFFFF380  }
0xf7: {  	[hbm4b:s23+s8] =	stream.linear.scatter [tilespmem:s8], [sflag:$0x1], $0xC80, $0x38;
	[tilespmem:$0x13A90] =	vst v63  }
0xf8: {  	_ =	swait.ge [sflag:s28], $0xC80  }
0xf9: {  	[sflag:s28] =	ssyncset.done $0x0  }
0xfa: {  	s23 =	rddreg [dreg:$0xa];
	[sflag:s28] =	ssyncadd.s32 $0xFFFFF380  }
0xfb: {  	[tilespmem:s8], [sflag:$0x1] =	stream.linear.gather [spmem:s23], $0xC80, $0x38;
	[tilespmem:$0x13A90] =	vst v63  }
0xfc: {  	_ =	swait.ge [sflag:s28], $0xC80  }
0xfd: {  	[sflag:s28] =	ssyncset.done $0x0  }
0xfe: {  	s24 =	rddreg [dreg:$0x12];
	[sflag:s28] =	ssyncadd.s32 $0xFFFFF380  }
0xff: {  	[hbm4b:s24+s8] =	stream.linear.scatter [tilespmem:s8], [sflag:$0x1], $0xC80, $0x38;
	[tilespmem:$0x13A90] =	vst v63  }
0x100: {  	_ =	swait.ge [sflag:s28], $0xC80  }
0x101: {  	[sflag:s28] =	ssyncset.done $0x0  }
0x102: {  	s24 =	rddreg [dreg:$0xb];
	[sflag:s28] =	ssyncadd.s32 $0xFFFFF380  }
0x103: {  	[tilespmem:s8], [sflag:$0x1] =	stream.linear.gather [spmem:s24], $0xC80, $0x38;
	[tilespmem:$0x13A90] =	vst v63  }
0x104: {  	_ =	swait.ge [sflag:s28], $0xC80  }
0x105: {  	[sflag:s28] =	ssyncset.done $0x0  }
0x106: {  	s25 =	rddreg [dreg:$0x13];
	[sflag:s28] =	ssyncadd.s32 $0xFFFFF380  }
0x107: {  	[hbm4b:s25+s8] =	stream.linear.scatter [tilespmem:s8], [sflag:$0x1], $0xC80, $0x38;
	[tilespmem:$0x13A90] =	vst v63  }
0x108: {  	_ =	swait.ge [sflag:s28], $0xC80  }
0x109: {  	[sflag:s28] =	ssyncset.done $0x0  }
0x10a: {  	s15 =	smov.u32 s16;
	[sflag:s28] =	ssyncadd.s32 $0xFFFFF380  }
0x10b: {  	s14 =	simm.s32 @!p0 $0x1980;
	s13 =	simm.s32 @!p0 $0x0;
	s16 =	rddreg [dreg:$0x14];
	[tilespmem:$0x1980] =	vst @!p0 v9  }
0x10c: {  	[hbm4b:s16+s13] =	stream.linear.scatter @!p0 [tilespmem:s14], [sflag:$0x1], $0x80, $0x38;
	[tilespmem:$0x13A90] =	vst v63  }
0x10d: {  	s13 =	simm.s32 @!p0 $0x1  }
0x10e: {  	_ =	swait.ge @!p0 [sflag:s13], $0x80  }
0x10f: {  	s21 =	sadd.s32 $0x1, s21;
	s26 =	rddreg [dreg:$0x15]  }
0x110: {  	p1 =	sne.s32 s21, s26  }
.Ltmp4:
0x111: {  	_ = 	snop;
	(pc) =	sbr.rel @p1 .LBB2_1-.Ltmp4, $3  }
0x112: {  	_ =	sdelay $0x1  }
0x113: {  	[sflag:s13] =	ssyncset.done @!p0 $0x0  }
0x114: {  	[sflag:s13] =	ssyncadd.s32 @!p0 $0xFFFFFF80  }
0x115: {  	_ =	sfence.sel $0x180000  }
0x116: {  	[bflag:$0x0] =	sbarrier.arrive $0xFFFF  }
0x117: {  	_ =	strace $0x9000004A  }
0x118: {  	[bflag:$0x2] =	sbarrier.arrive $0xFFFF  }
0x119: {  	s0 =	rddreg [dreg:$0x8]  }
0x11a: {  	s0 =	sadd.s32 @!p0 $0x100000, s0  }
0x11b: {  	[sflag:s0] =	ssyncadd.tile.s32 @!p0 $0x1;
	_ =	shalt  }
.Lfunc_end2:
_tile_overlayer_lowered:
.L_overlay_start_2:
0x11c: {  	(tag) =	ssettag $0x2  }
0x11d: {  	s0 =	rddreg [dreg:$0x0];
	s2 =	stileid.u32  }
0x11e: {  	s1 =	rddreg [dreg:$0x1];
	p0 =	sne.s32 s2, $0x0  }
0x11f: {  	s3 =	rddreg [dreg:$0x2];
	[bflag:$0x3] =	sbarrier.arrive $0xFFFF;
	s2 =	simm.s32 @!p0 $0x1C01  }
0x120: {  	[timem:s3], [sflag:s2] =	dma.local @!p0 [hbm:s0], s1  }
0x121: {  	s0 =	simm.s32 @!p0 $0x1  }
0x122: {  	_ =	swait.ge @!p0 [sflag:s0], s1  }
0x123: {  	s1 =	ssub.s32 @!p0 $0x0, s1;
	[sflag:s0] =	ssyncset.done @!p0 $0x0  }
0x124: {  	[sflag:s0] =	ssyncadd.s32 @!p0 s1  }
0x125: {  	[bflag:$0x3] =	sbarrier.arrive $0xFFFF  }
0x126: {  	_ =	shalt  }

</sc_bundles>
